<compile_context>
chip_gen: v7x
topology: tpu7x:2x2x1
jax: 0.10.2.dev20260603
libtpu: 0.0.44.dev20260713+nightly
codegen_flags: <defaults>
</compile_context>

<pallas_src>
import functools

import jax
import jax.numpy as jnp
from jax import lax
from jax.experimental import pallas as pl
from jax.experimental.pallas import tpu as pltpu
from jax.experimental.pallas import tpu_sc as plsc

NC = 2
NS = 16
NW = NC * NS
LANES = 16
CH = 128
KB = 3


def _sc_partials_kernel(N, DH, NCH, ACC_ROWS, RPW, EW):
    mesh = plsc.VectorSubcoreMesh(core_axis_name="c", subcore_axis_name="s")

    @functools.partial(
        pl.kernel,
        mesh=mesh,
        out_type=jax.ShapeDtypeStruct((NC, ACC_ROWS, 2 * DH), jnp.float32),
        scratch_types=[
            pltpu.VMEM((NCH * CH,), jnp.int32),
            pltpu.VMEM((NCH, CH), jnp.int32),
            [pltpu.VMEM((CH, DH), jnp.float32) for _ in range(KB)],
            pltpu.VMEM_SHARED((ACC_ROWS, DH), jnp.float32),
            pltpu.VMEM_SHARED((ACC_ROWS, DH), jnp.float32),
            pltpu.SemaphoreType.DMA,
            pltpu.SemaphoreType.DMA,
        ],
        compiler_params=pltpu.CompilerParams(use_tc_tiling_on_sc=False),
    )
    def k(x_hbm, idx_hbm, out_hbm, idx0_v, idx1_v,
          rows, acc_sh, x_sh, gsem, ssem):
        rows_v = rows[0]
        zeros_v = rows[1]
        c = lax.axis_index("c")
        s = lax.axis_index("s")
        w = c * NS + s

        off0 = w * EW
        efull = EW // CH
        etail = EW - efull * CH
        pltpu.sync_copy(idx_hbm.at[0, pl.ds(off0, EW)],
                        idx0_v.at[pl.ds(0, EW)])

        def stg(j, _):
            pltpu.async_copy(idx_hbm.at[1, pl.ds(off0 + j * CH, CH)],
                             idx1_v.at[j], ssem)
            return 0

        lax.fori_loop(0, efull, stg, 0)
        if etail:
            pltpu.sync_copy(idx_hbm.at[1, pl.ds(off0 + efull * CH, etail)],
                            idx1_v.at[efull, pl.ds(0, etail)])

        zi = jnp.zeros((LANES,), jnp.int32)
        gi = jnp.full((LANES,), N, jnp.int32)
        for p in range(EW, NCH * CH, LANES):
            idx0_v[pl.ds(p, LANES)] = zi
            idx1_v[p // CH, pl.ds(p % CH, LANES)] = gi

        def drn(j, _):
            pltpu.make_async_copy(idx_hbm.at[1, pl.ds(off0 + j * CH, CH)],
                                  idx1_v.at[j], ssem).wait()
            return 0

        lax.fori_loop(0, efull, drn, 0)

        zvec = jnp.zeros((LANES,), jnp.float32)
        base = s * RPW
        full = RPW // CH
        rem = RPW - full * CH
        last_rows = N - (NS - 1) * RPW
        lfull = last_rows // CH
        lrem = last_rows - lfull * CH

        for h in (0, 1):
            def zrow(i, _):
                for j in range(DH // LANES):
                    zeros_v[i, pl.ds(j * LANES, LANES)] = zvec
                return 0

            lax.fori_loop(0, CH, zrow, 0)

            for t in range(full):
                pltpu.sync_copy(zeros_v, acc_sh.at[pl.ds(base + t * CH, CH)])
            if rem:
                pltpu.sync_copy(zeros_v.at[pl.ds(0, rem)],
                                acc_sh.at[pl.ds(base + full * CH, rem)])

            csl = pl.ds(h * DH, DH)

            @pl.when(s < NS - 1)
            def _stage_full():
                for t in range(full):
                    rsl = pl.ds(base + t * CH, CH)
                    pltpu.sync_copy(x_hbm.at[rsl, csl], rows_v)
                    pltpu.sync_copy(rows_v, x_sh.at[rsl])
                if rem:
                    rsl = pl.ds(base + full * CH, rem)
                    pltpu.sync_copy(x_hbm.at[rsl, csl],
                                    rows_v.at[pl.ds(0, rem)])
                    pltpu.sync_copy(rows_v.at[pl.ds(0, rem)], x_sh.at[rsl])

            @pl.when(s == NS - 1)
            def _stage_last():
                for t in range(lfull):
                    rsl = pl.ds(base + t * CH, CH)
                    pltpu.sync_copy(x_hbm.at[rsl, csl], rows_v)
                    pltpu.sync_copy(rows_v, x_sh.at[rsl])
                if lrem:
                    rsl = pl.ds(base + lfull * CH, lrem)
                    pltpu.sync_copy(x_hbm.at[rsl, csl],
                                    rows_v.at[pl.ds(0, lrem)])
                    pltpu.sync_copy(rows_v.at[pl.ds(0, lrem)], x_sh.at[rsl])

            plsc.subcore_barrier()

            def body(su, _):
                j0 = su * KB
                gds = [pltpu.async_copy(
                    x_sh.at[idx0_v.at[pl.ds((j0 + b) * CH, CH)]], rows[b],
                    gsem) for b in range(KB)]
                for d in gds:
                    d.wait()
                sds = [pltpu.async_copy(rows[b],
                                        acc_sh.at[idx1_v.at[j0 + b]],
                                        ssem, add=True) for b in range(KB)]
                for d in sds:
                    d.wait()
                return 0

            lax.fori_loop(0, NCH // KB, body, 0)
            plsc.subcore_barrier()

            for t in range(full):
                pltpu.sync_copy(acc_sh.at[pl.ds(base + t * CH, CH)], rows_v)
                pltpu.sync_copy(rows_v,
                                out_hbm.at[c, pl.ds(base + t * CH, CH), csl])
            if rem:
                pltpu.sync_copy(acc_sh.at[pl.ds(base + full * CH, rem)],
                                rows_v.at[pl.ds(0, rem)])
                pltpu.sync_copy(rows_v.at[pl.ds(0, rem)],
                                out_hbm.at[c, pl.ds(base + full * CH, rem),
                                           csl])

    return k


def _add_body(a_ref, b_ref, o_ref):
    o_ref[...] = a_ref[0] + b_ref[0]


def kernel(x, index):
    N, D = x.shape
    DH = D // 2
    E = index.shape[1]
    assert E % NW == 0 and D % 2 == 0
    EW = E // NW
    assert EW % LANES == 0
    NCH = -(-EW // (CH * KB)) * KB
    EP = NCH * CH
    ACC_ROWS = -(-(N + 1) // (NS * 8)) * (NS * 8)
    RPW = ACC_ROWS // NS

    idx = index.astype(jnp.int32)
    partials = _sc_partials_kernel(N, DH, NCH, ACC_ROWS, RPW, EW)(x, idx)

    BR = 2000
    out = pl.pallas_call(
        _add_body,
        out_shape=jax.ShapeDtypeStruct((N, D), jnp.float32),
        grid=(N // BR,),
        in_specs=[pl.BlockSpec((1, BR, D), lambda i: (0, i, 0)),
                  pl.BlockSpec((1, BR, D), lambda i: (1, i, 0))],
        out_specs=pl.BlockSpec((BR, D), lambda i: (i, 0)),
    )(partials, partials)
    return out

# --- scband reference (transcript-rebuilt; emitter-appended) ---
"""Pipeline reference for scband-modularized-scatter-79242146611246 (READ-ONLY COPY).

The authoritative reference and input builder live on the scoring server;
editing this copy changes nothing except your own understanding.
"""

import jax, jax.numpy as jnp
import numpy as np

N = 10000
D = 128
E = 320000


def setup_inputs(seed: int = 0) -> dict:
    key = jax.random.key(seed)
    k1, k2 = jax.random.split(key)
    x = jax.random.normal(k1, (N, D), dtype=jnp.float32)
    # index[0]: source rows to gather from x; index[1]: destination rows for scatter-add
    index = jax.random.randint(k2, (2, E), 0, N).astype(jnp.int64)
    return {"x": x, "index": index}


def reference(x, index):
    # ModularizedScatter.forward with a 2D index and scatter_op = scatter_add:
    #   x = x[index[0]]  (gather)
    #   out = scatter_add(x, index[1], dim=0)  (segment-sum over dim 0)
    assert index.ndim in [1, 2]
    if index.ndim == 2:
        gathered = jnp.take(x, index[0], axis=0)
        seg = index[1]
    else:
        gathered = x
        seg = index
    # torch_scatter.scatter_add produces an output sized max(index)+1; we fix
    # the output size to N (the node count) for deterministic shapes under jit.
    out = jax.ops.segment_sum(gathered, seg, num_segments=N)
    return out

if __name__ == "__main__":
    import jax
    _d = setup_inputs()
    print(jax.jit(kernel)(*tuple(_d.values())))

</pallas_src>

<mosaic_0001>
#map = affine_map<(d0, d1) -> (0, 0)>
#map1 = affine_map<(d0, d1) -> (0, 0, 0)>
module attributes {stable_mosaic.version = 14 : i64} {
  func.func @k(%arg0: i32, %arg1: i32, %arg2: memref<10000x128xf32, #tpu.memory_space<hbm>>, %arg3: memref<2x320000xi32, #tpu.memory_space<hbm>>, %arg4: memref<2x10112x128xf32, #tpu.memory_space<hbm>>, %arg5: memref<10368xi32, #tpu.memory_space<vmem>>, %arg6: memref<81x128xi32, #tpu.memory_space<vmem>>, %arg7: memref<128x64xf32, #tpu.memory_space<vmem>>, %arg8: memref<128x64xf32, #tpu.memory_space<vmem>>, %arg9: memref<128x64xf32, #tpu.memory_space<vmem>>, %arg10: memref<10112x64xf32, #tpu.memory_space<vmem_shared>>, %arg11: memref<10112x64xf32, #tpu.memory_space<vmem_shared>>, %arg12: memref<!tpu.dma_semaphore, #tpu.memory_space<semaphore_mem>>, %arg13: memref<!tpu.dma_semaphore, #tpu.memory_space<semaphore_mem>>) attributes {dimension_semantics = [#tpu.dimension_semantics<core_parallel>, #tpu.dimension_semantics<subcore_parallel>], iteration_bounds = array<i64: 2, 16>, scalar_prefetch = 0 : i64, scratch_operands = 9 : i64, tpu.core_type = #tpu.core_type<sc_vector_subcore>, window_params = [{transform_indices = #map}, {transform_indices = #map}, {transform_indices = #map1}]} {
    %mul3A = arith.constant 16 : i32
    %mul3A_0 = arith.muli %arg0, %mul3A : i32
    %add3A = arith.addi %mul3A_0, %arg1 : i32
    %mul3A_1 = arith.constant 10000 : i32
    %mul3A_2 = arith.muli %add3A, %mul3A_1 : i32
    %run_scoped3A = arith.constant 0 : i32
    "tpu.region"() ({
      %run_scoped3A_363 = tpu.sem_alloc : memref<!tpu.dma_semaphore, #tpu.memory_space<semaphore_mem>>
      %dma_start3A = arith.constant 0 : i32
      %dma_start3A_364 = tpu.memref_slice %arg5[%dma_start3A] : memref<10368xi32, #tpu.memory_space<vmem>> -> memref<10000xi32, #tpu.memory_space<vmem>>
      %dma_start3A_365 = tpu.memref_slice %arg3[%run_scoped3A, %mul3A_2] : memref<2x320000xi32, #tpu.memory_space<hbm>> -> memref<1x10000xi32, #tpu.memory_space<hbm>>
      %dma_start3A_366 = tpu.memref_squeeze %dma_start3A_365 : memref<1x10000xi32, #tpu.memory_space<hbm>> -> memref<10000xi32, #tpu.memory_space<hbm>>
      %dma_start3A_367 = arith.constant 0 : i32
      %dma_start3A_368 = tpu.memref_slice %arg5[%dma_start3A_367] : memref<10368xi32, #tpu.memory_space<vmem>> -> memref<10000xi32, #tpu.memory_space<vmem>>
      %dma_start3A_369 = tpu.memref_slice %arg3[%run_scoped3A, %mul3A_2] : memref<2x320000xi32, #tpu.memory_space<hbm>> -> memref<1x10000xi32, #tpu.memory_space<hbm>>
      %dma_start3A_370 = tpu.memref_squeeze %dma_start3A_369 : memref<1x10000xi32, #tpu.memory_space<hbm>> -> memref<10000xi32, #tpu.memory_space<hbm>>
      tpu.enqueue_dma source(%dma_start3A_370 : memref<10000xi32, #tpu.memory_space<hbm>>) target(%dma_start3A_368 : memref<10000xi32, #tpu.memory_space<vmem>>) target_semaphore(%run_scoped3A_363 : memref<!tpu.dma_semaphore, #tpu.memory_space<semaphore_mem>>)
      %dma_wait3A = arith.constant 0 : i32
      %dma_wait3A_371 = tpu.memref_slice %arg5[%dma_wait3A] : memref<10368xi32, #tpu.memory_space<vmem>> -> memref<10000xi32, #tpu.memory_space<vmem>>
      %dma_wait3A_372 = tpu.memref_slice %arg3[%run_scoped3A, %mul3A_2] : memref<2x320000xi32, #tpu.memory_space<hbm>> -> memref<1x10000xi32, #tpu.memory_space<hbm>>
      %dma_wait3A_373 = tpu.memref_squeeze %dma_wait3A_372 : memref<1x10000xi32, #tpu.memory_space<hbm>> -> memref<10000xi32, #tpu.memory_space<hbm>>
      %dma_wait3A_374 = arith.constant 0 : i32
      %dma_wait3A_375 = tpu.memref_slice %arg5[%dma_wait3A_374] : memref<10368xi32, #tpu.memory_space<vmem>> -> memref<10000xi32, #tpu.memory_space<vmem>>
      %dma_wait3A_376 = tpu.memref_slice %arg3[%run_scoped3A, %mul3A_2] : memref<2x320000xi32, #tpu.memory_space<hbm>> -> memref<1x10000xi32, #tpu.memory_space<hbm>>
      %dma_wait3A_377 = tpu.memref_squeeze %dma_wait3A_376 : memref<1x10000xi32, #tpu.memory_space<hbm>> -> memref<10000xi32, #tpu.memory_space<hbm>>
      tpu.wait_dma2 semaphore(%run_scoped3A_363 : memref<!tpu.dma_semaphore, #tpu.memory_space<semaphore_mem>>) src(%dma_wait3A_377 : memref<10000xi32, #tpu.memory_space<hbm>>) dst(%dma_wait3A_375 : memref<10000xi32, #tpu.memory_space<vmem>>)
      tpu.yield
    }) : () -> ()
    %scan3A = arith.constant 0 : i32
    %scan3A_3 = arith.constant 0 : i32
    %scan3A_4 = arith.constant 78 : i32
    %scan3A_5 = arith.addi %scan3A_3, %scan3A_4 : i32
    %scan3A_6 = arith.constant 1 : i32
    %scan3A_7 = scf.for %scan3A_363 = %scan3A_3 to %scan3A_5 step %scan3A_6 iter_args(%scan3A_364 = %scan3A) -> (i32)  : i32 {
      %mul3A_365 = arith.constant 128 : i32
      %mul3A_366 = arith.muli %scan3A_363, %mul3A_365 : i32
      %add3A_367 = arith.addi %mul3A_2, %mul3A_366 : i32
      %dma_start3A = arith.constant 1 : i32
      %dma_start3A_368 = arith.constant 0 : i32
      %dma_start3A_369 = tpu.memref_slice %arg6[%scan3A_363, %dma_start3A_368] : memref<81x128xi32, #tpu.memory_space<vmem>> -> memref<1x128xi32, #tpu.memory_space<vmem>>
      %dma_start3A_370 = tpu.memref_squeeze %dma_start3A_369 : memref<1x128xi32, #tpu.memory_space<vmem>> -> memref<128xi32, #tpu.memory_space<vmem>>
      %dma_start3A_371 = tpu.memref_slice %arg3[%dma_start3A, %add3A_367] : memref<2x320000xi32, #tpu.memory_space<hbm>> -> memref<1x128xi32, #tpu.memory_space<hbm>>
      %dma_start3A_372 = tpu.memref_squeeze %dma_start3A_371 : memref<1x128xi32, #tpu.memory_space<hbm>> -> memref<128xi32, #tpu.memory_space<hbm>>
      %dma_start3A_373 = arith.constant 0 : i32
      %dma_start3A_374 = tpu.memref_slice %arg6[%scan3A_363, %dma_start3A_373] : memref<81x128xi32, #tpu.memory_space<vmem>> -> memref<1x128xi32, #tpu.memory_space<vmem>>
      %dma_start3A_375 = tpu.memref_squeeze %dma_start3A_374 : memref<1x128xi32, #tpu.memory_space<vmem>> -> memref<128xi32, #tpu.memory_space<vmem>>
      %dma_start3A_376 = tpu.memref_slice %arg3[%dma_start3A, %add3A_367] : memref<2x320000xi32, #tpu.memory_space<hbm>> -> memref<1x128xi32, #tpu.memory_space<hbm>>
      %dma_start3A_377 = tpu.memref_squeeze %dma_start3A_376 : memref<1x128xi32, #tpu.memory_space<hbm>> -> memref<128xi32, #tpu.memory_space<hbm>>
      tpu.enqueue_dma source(%dma_start3A_377 : memref<128xi32, #tpu.memory_space<hbm>>) target(%dma_start3A_375 : memref<128xi32, #tpu.memory_space<vmem>>) target_semaphore(%arg13 : memref<!tpu.dma_semaphore, #tpu.memory_space<semaphore_mem>>)
      %scan3A_378 = arith.constant 0 : i32
      scf.yield %scan3A_378 : i32
    }
    %scan3A_8 = arith.constant 78 : i32
    %add3A_9 = arith.constant 9984 : i32
    %add3A_10 = arith.addi %mul3A_2, %add3A_9 : i32
    %run_scoped3A_11 = arith.constant 1 : i32
    %run_scoped3A_12 = arith.constant 78 : i32
    "tpu.region"() ({
      %run_scoped3A_363 = tpu.sem_alloc : memref<!tpu.dma_semaphore, #tpu.memory_space<semaphore_mem>>
      %dma_start3A = arith.constant 0 : i32
      %dma_start3A_364 = tpu.memref_slice %arg6[%run_scoped3A_12, %dma_start3A] : memref<81x128xi32, #tpu.memory_space<vmem>> -> memref<1x16xi32, #tpu.memory_space<vmem>>
      %dma_start3A_365 = tpu.memref_squeeze %dma_start3A_364 : memref<1x16xi32, #tpu.memory_space<vmem>> -> memref<16xi32, #tpu.memory_space<vmem>>
      %dma_start3A_366 = tpu.memref_slice %arg3[%run_scoped3A_11, %add3A_10] : memref<2x320000xi32, #tpu.memory_space<hbm>> -> memref<1x16xi32, #tpu.memory_space<hbm>>
      %dma_start3A_367 = tpu.memref_squeeze %dma_start3A_366 : memref<1x16xi32, #tpu.memory_space<hbm>> -> memref<16xi32, #tpu.memory_space<hbm>>
      %dma_start3A_368 = arith.constant 0 : i32
      %dma_start3A_369 = tpu.memref_slice %arg6[%run_scoped3A_12, %dma_start3A_368] : memref<81x128xi32, #tpu.memory_space<vmem>> -> memref<1x16xi32, #tpu.memory_space<vmem>>
      %dma_start3A_370 = tpu.memref_squeeze %dma_start3A_369 : memref<1x16xi32, #tpu.memory_space<vmem>> -> memref<16xi32, #tpu.memory_space<vmem>>
      %dma_start3A_371 = tpu.memref_slice %arg3[%run_scoped3A_11, %add3A_10] : memref<2x320000xi32, #tpu.memory_space<hbm>> -> memref<1x16xi32, #tpu.memory_space<hbm>>
      %dma_start3A_372 = tpu.memref_squeeze %dma_start3A_371 : memref<1x16xi32, #tpu.memory_space<hbm>> -> memref<16xi32, #tpu.memory_space<hbm>>
      tpu.enqueue_dma source(%dma_start3A_372 : memref<16xi32, #tpu.memory_space<hbm>>) target(%dma_start3A_370 : memref<16xi32, #tpu.memory_space<vmem>>) target_semaphore(%run_scoped3A_363 : memref<!tpu.dma_semaphore, #tpu.memory_space<semaphore_mem>>)
      %dma_wait3A = arith.constant 0 : i32
      %dma_wait3A_373 = tpu.memref_slice %arg6[%run_scoped3A_12, %dma_wait3A] : memref<81x128xi32, #tpu.memory_space<vmem>> -> memref<1x16xi32, #tpu.memory_space<vmem>>
      %dma_wait3A_374 = tpu.memref_squeeze %dma_wait3A_373 : memref<1x16xi32, #tpu.memory_space<vmem>> -> memref<16xi32, #tpu.memory_space<vmem>>
      %dma_wait3A_375 = tpu.memref_slice %arg3[%run_scoped3A_11, %add3A_10] : memref<2x320000xi32, #tpu.memory_space<hbm>> -> memref<1x16xi32, #tpu.memory_space<hbm>>
      %dma_wait3A_376 = tpu.memref_squeeze %dma_wait3A_375 : memref<1x16xi32, #tpu.memory_space<hbm>> -> memref<16xi32, #tpu.memory_space<hbm>>
      %dma_wait3A_377 = arith.constant 0 : i32
      %dma_wait3A_378 = tpu.memref_slice %arg6[%run_scoped3A_12, %dma_wait3A_377] : memref<81x128xi32, #tpu.memory_space<vmem>> -> memref<1x16xi32, #tpu.memory_space<vmem>>
      %dma_wait3A_379 = tpu.memref_squeeze %dma_wait3A_378 : memref<1x16xi32, #tpu.memory_space<vmem>> -> memref<16xi32, #tpu.memory_space<vmem>>
      %dma_wait3A_380 = tpu.memref_slice %arg3[%run_scoped3A_11, %add3A_10] : memref<2x320000xi32, #tpu.memory_space<hbm>> -> memref<1x16xi32, #tpu.memory_space<hbm>>
      %dma_wait3A_381 = tpu.memref_squeeze %dma_wait3A_380 : memref<1x16xi32, #tpu.memory_space<hbm>> -> memref<16xi32, #tpu.memory_space<hbm>>
      tpu.wait_dma2 semaphore(%run_scoped3A_363 : memref<!tpu.dma_semaphore, #tpu.memory_space<semaphore_mem>>) src(%dma_wait3A_381 : memref<16xi32, #tpu.memory_space<hbm>>) dst(%dma_wait3A_379 : memref<16xi32, #tpu.memory_space<vmem>>)
      tpu.yield
    }) : () -> ()
    %broadcast_in_dim3A = arith.constant 0 : i32
    %broadcast_in_dim3A_13 = vector.broadcast %broadcast_in_dim3A : i32 to vector<16xi32>
    %broadcast_in_dim3A_14 = arith.constant 10000 : i32
    %broadcast_in_dim3A_15 = vector.broadcast %broadcast_in_dim3A_14 : i32 to vector<16xi32>
    %swap3A = arith.constant 10000 : index
    %swap3A_16 = tpu.vector_load %arg5[%swap3A] {strides = array<i32>} : memref<10368xi32, #tpu.memory_space<vmem>>, vector<16xi32>,
    %swap3A_17 = vector.shape_cast %swap3A_16 : vector<16xi32> to vector<16xi32>
    %swap3A_18 = vector.shape_cast %broadcast_in_dim3A_13 : vector<16xi32> to vector<16xi32>
    tpu.vector_store %arg5[%swap3A], %swap3A_18 {strides = array<i32>} : memref<10368xi32, #tpu.memory_space<vmem>>, vector<16xi32>,
    %swap3A_19 = arith.constant 78 : i32
    %swap3A_20 = arith.index_cast %swap3A_19 : i32 to index
    %swap3A_21 = arith.constant 16 : index
    %swap3A_22 = tpu.vector_load %arg6[%swap3A_20, %swap3A_21] {strides = array<i32>} : memref<81x128xi32, #tpu.memory_space<vmem>>, vector<1x16xi32>,
    %swap3A_23 = vector.shape_cast %swap3A_22 : vector<1x16xi32> to vector<16xi32>
    %swap3A_24 = vector.shape_cast %broadcast_in_dim3A_15 : vector<16xi32> to vector<1x16xi32>
    tpu.vector_store %arg6[%swap3A_20, %swap3A_21], %swap3A_24 {strides = array<i32>} : memref<81x128xi32, #tpu.memory_space<vmem>>, vector<1x16xi32>,
    %swap3A_25 = arith.constant 10016 : index
    %swap3A_26 = tpu.vector_load %arg5[%swap3A_25] {strides = array<i32>} : memref<10368xi32, #tpu.memory_space<vmem>>, vector<16xi32>,
    %swap3A_27 = vector.shape_cast %swap3A_26 : vector<16xi32> to vector<16xi32>
    %swap3A_28 = vector.shape_cast %broadcast_in_dim3A_13 : vector<16xi32> to vector<16xi32>
    tpu.vector_store %arg5[%swap3A_25], %swap3A_28 {strides = array<i32>} : memref<10368xi32, #tpu.memory_space<vmem>>, vector<16xi32>,
    %swap3A_29 = arith.constant 78 : i32
    %swap3A_30 = arith.index_cast %swap3A_29 : i32 to index
    %swap3A_31 = arith.constant 32 : index
    %swap3A_32 = tpu.vector_load %arg6[%swap3A_30, %swap3A_31] {strides = array<i32>} : memref<81x128xi32, #tpu.memory_space<vmem>>, vector<1x16xi32>,
    %swap3A_33 = vector.shape_cast %swap3A_32 : vector<1x16xi32> to vector<16xi32>
    %swap3A_34 = vector.shape_cast %broadcast_in_dim3A_15 : vector<16xi32> to vector<1x16xi32>
    tpu.vector_store %arg6[%swap3A_30, %swap3A_31], %swap3A_34 {strides = array<i32>} : memref<81x128xi32, #tpu.memory_space<vmem>>, vector<1x16xi32>,
    %swap3A_35 = arith.constant 10032 : index
    %swap3A_36 = tpu.vector_load %arg5[%swap3A_35] {strides = array<i32>} : memref<10368xi32, #tpu.memory_space<vmem>>, vector<16xi32>,
    %swap3A_37 = vector.shape_cast %swap3A_36 : vector<16xi32> to vector<16xi32>
    %swap3A_38 = vector.shape_cast %broadcast_in_dim3A_13 : vector<16xi32> to vector<16xi32>
    tpu.vector_store %arg5[%swap3A_35], %swap3A_38 {strides = array<i32>} : memref<10368xi32, #tpu.memory_space<vmem>>, vector<16xi32>,
    %swap3A_39 = arith.constant 78 : i32
    %swap3A_40 = arith.index_cast %swap3A_39 : i32 to index
    %swap3A_41 = arith.constant 48 : index
    %swap3A_42 = tpu.vector_load %arg6[%swap3A_40, %swap3A_41] {strides = array<i32>} : memref<81x128xi32, #tpu.memory_space<vmem>>, vector<1x16xi32>,
    %swap3A_43 = vector.shape_cast %swap3A_42 : vector<1x16xi32> to vector<16xi32>
    %swap3A_44 = vector.shape_cast %broadcast_in_dim3A_15 : vector<16xi32> to vector<1x16xi32>
    tpu.vector_store %arg6[%swap3A_40, %swap3A_41], %swap3A_44 {strides = array<i32>} : memref<81x128xi32, #tpu.memory_space<vmem>>, vector<1x16xi32>,
    %swap3A_45 = arith.constant 10048 : index
    %swap3A_46 = tpu.vector_load %arg5[%swap3A_45] {strides = array<i32>} : memref<10368xi32, #tpu.memory_space<vmem>>, vector<16xi32>,
    %swap3A_47 = vector.shape_cast %swap3A_46 : vector<16xi32> to vector<16xi32>
    %swap3A_48 = vector.shape_cast %broadcast_in_dim3A_13 : vector<16xi32> to vector<16xi32>
    tpu.vector_store %arg5[%swap3A_45], %swap3A_48 {strides = array<i32>} : memref<10368xi32, #tpu.memory_space<vmem>>, vector<16xi32>,
    %swap3A_49 = arith.constant 78 : i32
    %swap3A_50 = arith.index_cast %swap3A_49 : i32 to index
    %swap3A_51 = arith.constant 64 : index
    %swap3A_52 = tpu.vector_load %arg6[%swap3A_50, %swap3A_51] {strides = array<i32>} : memref<81x128xi32, #tpu.memory_space<vmem>>, vector<1x16xi32>,
    %swap3A_53 = vector.shape_cast %swap3A_52 : vector<1x16xi32> to vector<16xi32>
    %swap3A_54 = vector.shape_cast %broadcast_in_dim3A_15 : vector<16xi32> to vector<1x16xi32>
    tpu.vector_store %arg6[%swap3A_50, %swap3A_51], %swap3A_54 {strides = array<i32>} : memref<81x128xi32, #tpu.memory_space<vmem>>, vector<1x16xi32>,
    %swap3A_55 = arith.constant 10064 : index
    %swap3A_56 = tpu.vector_load %arg5[%swap3A_55] {strides = array<i32>} : memref<10368xi32, #tpu.memory_space<vmem>>, vector<16xi32>,
    %swap3A_57 = vector.shape_cast %swap3A_56 : vector<16xi32> to vector<16xi32>
    %swap3A_58 = vector.shape_cast %broadcast_in_dim3A_13 : vector<16xi32> to vector<16xi32>
    tpu.vector_store %arg5[%swap3A_55], %swap3A_58 {strides = array<i32>} : memref<10368xi32, #tpu.memory_space<vmem>>, vector<16xi32>,
    %swap3A_59 = arith.constant 78 : i32
    %swap3A_60 = arith.index_cast %swap3A_59 : i32 to index
    %swap3A_61 = arith.constant 80 : index
    %swap3A_62 = tpu.vector_load %arg6[%swap3A_60, %swap3A_61] {strides = array<i32>} : memref<81x128xi32, #tpu.memory_space<vmem>>, vector<1x16xi32>,
    %swap3A_63 = vector.shape_cast %swap3A_62 : vector<1x16xi32> to vector<16xi32>
    %swap3A_64 = vector.shape_cast %broadcast_in_dim3A_15 : vector<16xi32> to vector<1x16xi32>
    tpu.vector_store %arg6[%swap3A_60, %swap3A_61], %swap3A_64 {strides = array<i32>} : memref<81x128xi32, #tpu.memory_space<vmem>>, vector<1x16xi32>,
    %swap3A_65 = arith.constant 10080 : index
    %swap3A_66 = tpu.vector_load %arg5[%swap3A_65] {strides = array<i32>} : memref<10368xi32, #tpu.memory_space<vmem>>, vector<16xi32>,
    %swap3A_67 = vector.shape_cast %swap3A_66 : vector<16xi32> to vector<16xi32>
    %swap3A_68 = vector.shape_cast %broadcast_in_dim3A_13 : vector<16xi32> to vector<16xi32>
    tpu.vector_store %arg5[%swap3A_65], %swap3A_68 {strides = array<i32>} : memref<10368xi32, #tpu.memory_space<vmem>>, vector<16xi32>,
    %swap3A_69 = arith.constant 78 : i32
    %swap3A_70 = arith.index_cast %swap3A_69 : i32 to index
    %swap3A_71 = arith.constant 96 : index
    %swap3A_72 = tpu.vector_load %arg6[%swap3A_70, %swap3A_71] {strides = array<i32>} : memref<81x128xi32, #tpu.memory_space<vmem>>, vector<1x16xi32>,
    %swap3A_73 = vector.shape_cast %swap3A_72 : vector<1x16xi32> to vector<16xi32>
    %swap3A_74 = vector.shape_cast %broadcast_in_dim3A_15 : vector<16xi32> to vector<1x16xi32>
    tpu.vector_store %arg6[%swap3A_70, %swap3A_71], %swap3A_74 {strides = array<i32>} : memref<81x128xi32, #tpu.memory_space<vmem>>, vector<1x16xi32>,
    %swap3A_75 = arith.constant 10096 : index
    %swap3A_76 = tpu.vector_load %arg5[%swap3A_75] {strides = array<i32>} : memref<10368xi32, #tpu.memory_space<vmem>>, vector<16xi32>,
    %swap3A_77 = vector.shape_cast %swap3A_76 : vector<16xi32> to vector<16xi32>
    %swap3A_78 = vector.shape_cast %broadcast_in_dim3A_13 : vector<16xi32> to vector<16xi32>
    tpu.vector_store %arg5[%swap3A_75], %swap3A_78 {strides = array<i32>} : memref<10368xi32, #tpu.memory_space<vmem>>, vector<16xi32>,
    %swap3A_79 = arith.constant 78 : i32
    %swap3A_80 = arith.index_cast %swap3A_79 : i32 to index
    %swap3A_81 = arith.constant 112 : index
    %swap3A_82 = tpu.vector_load %arg6[%swap3A_80, %swap3A_81] {strides = array<i32>} : memref<81x128xi32, #tpu.memory_space<vmem>>, vector<1x16xi32>,
    %swap3A_83 = vector.shape_cast %swap3A_82 : vector<1x16xi32> to vector<16xi32>
    %swap3A_84 = vector.shape_cast %broadcast_in_dim3A_15 : vector<16xi32> to vector<1x16xi32>
    tpu.vector_store %arg6[%swap3A_80, %swap3A_81], %swap3A_84 {strides = array<i32>} : memref<81x128xi32, #tpu.memory_space<vmem>>, vector<1x16xi32>,
    %swap3A_85 = arith.constant 10112 : index
    %swap3A_86 = tpu.vector_load %arg5[%swap3A_85] {strides = array<i32>} : memref<10368xi32, #tpu.memory_space<vmem>>, vector<16xi32>,
    %swap3A_87 = vector.shape_cast %swap3A_86 : vector<16xi32> to vector<16xi32>
    %swap3A_88 = vector.shape_cast %broadcast_in_dim3A_13 : vector<16xi32> to vector<16xi32>
    tpu.vector_store %arg5[%swap3A_85], %swap3A_88 {strides = array<i32>} : memref<10368xi32, #tpu.memory_space<vmem>>, vector<16xi32>,
    %swap3A_89 = arith.constant 79 : i32
    %swap3A_90 = arith.index_cast %swap3A_89 : i32 to index
    %swap3A_91 = arith.constant 0 : index
    %swap3A_92 = tpu.vector_load %arg6[%swap3A_90, %swap3A_91] {strides = array<i32>} : memref<81x128xi32, #tpu.memory_space<vmem>>, vector<1x16xi32>,
    %swap3A_93 = vector.shape_cast %swap3A_92 : vector<1x16xi32> to vector<16xi32>
    %swap3A_94 = vector.shape_cast %broadcast_in_dim3A_15 : vector<16xi32> to vector<1x16xi32>
    tpu.vector_store %arg6[%swap3A_90, %swap3A_91], %swap3A_94 {strides = array<i32>} : memref<81x128xi32, #tpu.memory_space<vmem>>, vector<1x16xi32>,
    %swap3A_95 = arith.constant 10128 : index
    %swap3A_96 = tpu.vector_load %arg5[%swap3A_95] {strides = array<i32>} : memref<10368xi32, #tpu.memory_space<vmem>>, vector<16xi32>,
    %swap3A_97 = vector.shape_cast %swap3A_96 : vector<16xi32> to vector<16xi32>
    %swap3A_98 = vector.shape_cast %broadcast_in_dim3A_13 : vector<16xi32> to vector<16xi32>
    tpu.vector_store %arg5[%swap3A_95], %swap3A_98 {strides = array<i32>} : memref<10368xi32, #tpu.memory_space<vmem>>, vector<16xi32>,
    %swap3A_99 = arith.constant 79 : i32
    %swap3A_100 = arith.index_cast %swap3A_99 : i32 to index
    %swap3A_101 = arith.constant 16 : index
    %swap3A_102 = tpu.vector_load %arg6[%swap3A_100, %swap3A_101] {strides = array<i32>} : memref<81x128xi32, #tpu.memory_space<vmem>>, vector<1x16xi32>,
    %swap3A_103 = vector.shape_cast %swap3A_102 : vector<1x16xi32> to vector<16xi32>
    %swap3A_104 = vector.shape_cast %broadcast_in_dim3A_15 : vector<16xi32> to vector<1x16xi32>
    tpu.vector_store %arg6[%swap3A_100, %swap3A_101], %swap3A_104 {strides = array<i32>} : memref<81x128xi32, #tpu.memory_space<vmem>>, vector<1x16xi32>,
    %swap3A_105 = arith.constant 10144 : index
    %swap3A_106 = tpu.vector_load %arg5[%swap3A_105] {strides = array<i32>} : memref<10368xi32, #tpu.memory_space<vmem>>, vector<16xi32>,
    %swap3A_107 = vector.shape_cast %swap3A_106 : vector<16xi32> to vector<16xi32>
    %swap3A_108 = vector.shape_cast %broadcast_in_dim3A_13 : vector<16xi32> to vector<16xi32>
    tpu.vector_store %arg5[%swap3A_105], %swap3A_108 {strides = array<i32>} : memref<10368xi32, #tpu.memory_space<vmem>>, vector<16xi32>,
    %swap3A_109 = arith.constant 79 : i32
    %swap3A_110 = arith.index_cast %swap3A_109 : i32 to index
    %swap3A_111 = arith.constant 32 : index
    %swap3A_112 = tpu.vector_load %arg6[%swap3A_110, %swap3A_111] {strides = array<i32>} : memref<81x128xi32, #tpu.memory_space<vmem>>, vector<1x16xi32>,
    %swap3A_113 = vector.shape_cast %swap3A_112 : vector<1x16xi32> to vector<16xi32>
    %swap3A_114 = vector.shape_cast %broadcast_in_dim3A_15 : vector<16xi32> to vector<1x16xi32>
    tpu.vector_store %arg6[%swap3A_110, %swap3A_111], %swap3A_114 {strides = array<i32>} : memref<81x128xi32, #tpu.memory_space<vmem>>, vector<1x16xi32>,
    %swap3A_115 = arith.constant 10160 : index
    %swap3A_116 = tpu.vector_load %arg5[%swap3A_115] {strides = array<i32>} : memref<10368xi32, #tpu.memory_space<vmem>>, vector<16xi32>,
    %swap3A_117 = vector.shape_cast %swap3A_116 : vector<16xi32> to vector<16xi32>
    %swap3A_118 = vector.shape_cast %broadcast_in_dim3A_13 : vector<16xi32> to vector<16xi32>
    tpu.vector_store %arg5[%swap3A_115], %swap3A_118 {strides = array<i32>} : memref<10368xi32, #tpu.memory_space<vmem>>, vector<16xi32>,
    %swap3A_119 = arith.constant 79 : i32
    %swap3A_120 = arith.index_cast %swap3A_119 : i32 to index
    %swap3A_121 = arith.constant 48 : index
    %swap3A_122 = tpu.vector_load %arg6[%swap3A_120, %swap3A_121] {strides = array<i32>} : memref<81x128xi32, #tpu.memory_space<vmem>>, vector<1x16xi32>,
    %swap3A_123 = vector.shape_cast %swap3A_122 : vector<1x16xi32> to vector<16xi32>
    %swap3A_124 = vector.shape_cast %broadcast_in_dim3A_15 : vector<16xi32> to vector<1x16xi32>
    tpu.vector_store %arg6[%swap3A_120, %swap3A_121], %swap3A_124 {strides = array<i32>} : memref<81x128xi32, #tpu.memory_space<vmem>>, vector<1x16xi32>,
    %swap3A_125 = arith.constant 10176 : index
    %swap3A_126 = tpu.vector_load %arg5[%swap3A_125] {strides = array<i32>} : memref<10368xi32, #tpu.memory_space<vmem>>, vector<16xi32>,
    %swap3A_127 = vector.shape_cast %swap3A_126 : vector<16xi32> to vector<16xi32>
    %swap3A_128 = vector.shape_cast %broadcast_in_dim3A_13 : vector<16xi32> to vector<16xi32>
    tpu.vector_store %arg5[%swap3A_125], %swap3A_128 {strides = array<i32>} : memref<10368xi32, #tpu.memory_space<vmem>>, vector<16xi32>,
    %swap3A_129 = arith.constant 79 : i32
    %swap3A_130 = arith.index_cast %swap3A_129 : i32 to index
    %swap3A_131 = arith.constant 64 : index
    %swap3A_132 = tpu.vector_load %arg6[%swap3A_130, %swap3A_131] {strides = array<i32>} : memref<81x128xi32, #tpu.memory_space<vmem>>, vector<1x16xi32>,
    %swap3A_133 = vector.shape_cast %swap3A_132 : vector<1x16xi32> to vector<16xi32>
    %swap3A_134 = vector.shape_cast %broadcast_in_dim3A_15 : vector<16xi32> to vector<1x16xi32>
    tpu.vector_store %arg6[%swap3A_130, %swap3A_131], %swap3A_134 {strides = array<i32>} : memref<81x128xi32, #tpu.memory_space<vmem>>, vector<1x16xi32>,
    %swap3A_135 = arith.constant 10192 : index
    %swap3A_136 = tpu.vector_load %arg5[%swap3A_135] {strides = array<i32>} : memref<10368xi32, #tpu.memory_space<vmem>>, vector<16xi32>,
    %swap3A_137 = vector.shape_cast %swap3A_136 : vector<16xi32> to vector<16xi32>
    %swap3A_138 = vector.shape_cast %broadcast_in_dim3A_13 : vector<16xi32> to vector<16xi32>
    tpu.vector_store %arg5[%swap3A_135], %swap3A_138 {strides = array<i32>} : memref<10368xi32, #tpu.memory_space<vmem>>, vector<16xi32>,
    %swap3A_139 = arith.constant 79 : i32
    %swap3A_140 = arith.index_cast %swap3A_139 : i32 to index
    %swap3A_141 = arith.constant 80 : index
    %swap3A_142 = tpu.vector_load %arg6[%swap3A_140, %swap3A_141] {strides = array<i32>} : memref<81x128xi32, #tpu.memory_space<vmem>>, vector<1x16xi32>,
    %swap3A_143 = vector.shape_cast %swap3A_142 : vector<1x16xi32> to vector<16xi32>
    %swap3A_144 = vector.shape_cast %broadcast_in_dim3A_15 : vector<16xi32> to vector<1x16xi32>
    tpu.vector_store %arg6[%swap3A_140, %swap3A_141], %swap3A_144 {strides = array<i32>} : memref<81x128xi32, #tpu.memory_space<vmem>>, vector<1x16xi32>,
    %swap3A_145 = arith.constant 10208 : index
    %swap3A_146 = tpu.vector_load %arg5[%swap3A_145] {strides = array<i32>} : memref<10368xi32, #tpu.memory_space<vmem>>, vector<16xi32>,
    %swap3A_147 = vector.shape_cast %swap3A_146 : vector<16xi32> to vector<16xi32>
    %swap3A_148 = vector.shape_cast %broadcast_in_dim3A_13 : vector<16xi32> to vector<16xi32>
    tpu.vector_store %arg5[%swap3A_145], %swap3A_148 {strides = array<i32>} : memref<10368xi32, #tpu.memory_space<vmem>>, vector<16xi32>,
    %swap3A_149 = arith.constant 79 : i32
    %swap3A_150 = arith.index_cast %swap3A_149 : i32 to index
    %swap3A_151 = arith.constant 96 : index
    %swap3A_152 = tpu.vector_load %arg6[%swap3A_150, %swap3A_151] {strides = array<i32>} : memref<81x128xi32, #tpu.memory_space<vmem>>, vector<1x16xi32>,
    %swap3A_153 = vector.shape_cast %swap3A_152 : vector<1x16xi32> to vector<16xi32>
    %swap3A_154 = vector.shape_cast %broadcast_in_dim3A_15 : vector<16xi32> to vector<1x16xi32>
    tpu.vector_store %arg6[%swap3A_150, %swap3A_151], %swap3A_154 {strides = array<i32>} : memref<81x128xi32, #tpu.memory_space<vmem>>, vector<1x16xi32>,
    %swap3A_155 = arith.constant 10224 : index
    %swap3A_156 = tpu.vector_load %arg5[%swap3A_155] {strides = array<i32>} : memref<10368xi32, #tpu.memory_space<vmem>>, vector<16xi32>,
    %swap3A_157 = vector.shape_cast %swap3A_156 : vector<16xi32> to vector<16xi32>
    %swap3A_158 = vector.shape_cast %broadcast_in_dim3A_13 : vector<16xi32> to vector<16xi32>
    tpu.vector_store %arg5[%swap3A_155], %swap3A_158 {strides = array<i32>} : memref<10368xi32, #tpu.memory_space<vmem>>, vector<16xi32>,
    %swap3A_159 = arith.constant 79 : i32
    %swap3A_160 = arith.index_cast %swap3A_159 : i32 to index
    %swap3A_161 = arith.constant 112 : index
    %swap3A_162 = tpu.vector_load %arg6[%swap3A_160, %swap3A_161] {strides = array<i32>} : memref<81x128xi32, #tpu.memory_space<vmem>>, vector<1x16xi32>,
    %swap3A_163 = vector.shape_cast %swap3A_162 : vector<1x16xi32> to vector<16xi32>
    %swap3A_164 = vector.shape_cast %broadcast_in_dim3A_15 : vector<16xi32> to vector<1x16xi32>
    tpu.vector_store %arg6[%swap3A_160, %swap3A_161], %swap3A_164 {strides = array<i32>} : memref<81x128xi32, #tpu.memory_space<vmem>>, vector<1x16xi32>,
    %swap3A_165 = arith.constant 10240 : index
    %swap3A_166 = tpu.vector_load %arg5[%swap3A_165] {strides = array<i32>} : memref<10368xi32, #tpu.memory_space<vmem>>, vector<16xi32>,
    %swap3A_167 = vector.shape_cast %swap3A_166 : vector<16xi32> to vector<16xi32>
    %swap3A_168 = vector.shape_cast %broadcast_in_dim3A_13 : vector<16xi32> to vector<16xi32>
    tpu.vector_store %arg5[%swap3A_165], %swap3A_168 {strides = array<i32>} : memref<10368xi32, #tpu.memory_space<vmem>>, vector<16xi32>,
    %swap3A_169 = arith.constant 80 : i32
    %swap3A_170 = arith.index_cast %swap3A_169 : i32 to index
    %swap3A_171 = arith.constant 0 : index
    %swap3A_172 = tpu.vector_load %arg6[%swap3A_170, %swap3A_171] {strides = array<i32>} : memref<81x128xi32, #tpu.memory_space<vmem>>, vector<1x16xi32>,
    %swap3A_173 = vector.shape_cast %swap3A_172 : vector<1x16xi32> to vector<16xi32>
    %swap3A_174 = vector.shape_cast %broadcast_in_dim3A_15 : vector<16xi32> to vector<1x16xi32>
    tpu.vector_store %arg6[%swap3A_170, %swap3A_171], %swap3A_174 {strides = array<i32>} : memref<81x128xi32, #tpu.memory_space<vmem>>, vector<1x16xi32>,
    %swap3A_175 = arith.constant 10256 : index
    %swap3A_176 = tpu.vector_load %arg5[%swap3A_175] {strides = array<i32>} : memref<10368xi32, #tpu.memory_space<vmem>>, vector<16xi32>,
    %swap3A_177 = vector.shape_cast %swap3A_176 : vector<16xi32> to vector<16xi32>
    %swap3A_178 = vector.shape_cast %broadcast_in_dim3A_13 : vector<16xi32> to vector<16xi32>
    tpu.vector_store %arg5[%swap3A_175], %swap3A_178 {strides = array<i32>} : memref<10368xi32, #tpu.memory_space<vmem>>, vector<16xi32>,
    %swap3A_179 = arith.constant 80 : i32
    %swap3A_180 = arith.index_cast %swap3A_179 : i32 to index
    %swap3A_181 = arith.constant 16 : index
    %swap3A_182 = tpu.vector_load %arg6[%swap3A_180, %swap3A_181] {strides = array<i32>} : memref<81x128xi32, #tpu.memory_space<vmem>>, vector<1x16xi32>,
    %swap3A_183 = vector.shape_cast %swap3A_182 : vector<1x16xi32> to vector<16xi32>
    %swap3A_184 = vector.shape_cast %broadcast_in_dim3A_15 : vector<16xi32> to vector<1x16xi32>
    tpu.vector_store %arg6[%swap3A_180, %swap3A_181], %swap3A_184 {strides = array<i32>} : memref<81x128xi32, #tpu.memory_space<vmem>>, vector<1x16xi32>,
    %swap3A_185 = arith.constant 10272 : index
    %swap3A_186 = tpu.vector_load %arg5[%swap3A_185] {strides = array<i32>} : memref<10368xi32, #tpu.memory_space<vmem>>, vector<16xi32>,
    %swap3A_187 = vector.shape_cast %swap3A_186 : vector<16xi32> to vector<16xi32>
    %swap3A_188 = vector.shape_cast %broadcast_in_dim3A_13 : vector<16xi32> to vector<16xi32>
    tpu.vector_store %arg5[%swap3A_185], %swap3A_188 {strides = array<i32>} : memref<10368xi32, #tpu.memory_space<vmem>>, vector<16xi32>,
    %swap3A_189 = arith.constant 80 : i32
    %swap3A_190 = arith.index_cast %swap3A_189 : i32 to index
    %swap3A_191 = arith.constant 32 : index
    %swap3A_192 = tpu.vector_load %arg6[%swap3A_190, %swap3A_191] {strides = array<i32>} : memref<81x128xi32, #tpu.memory_space<vmem>>, vector<1x16xi32>,
    %swap3A_193 = vector.shape_cast %swap3A_192 : vector<1x16xi32> to vector<16xi32>
    %swap3A_194 = vector.shape_cast %broadcast_in_dim3A_15 : vector<16xi32> to vector<1x16xi32>
    tpu.vector_store %arg6[%swap3A_190, %swap3A_191], %swap3A_194 {strides = array<i32>} : memref<81x128xi32, #tpu.memory_space<vmem>>, vector<1x16xi32>,
    %swap3A_195 = arith.constant 10288 : index
    %swap3A_196 = tpu.vector_load %arg5[%swap3A_195] {strides = array<i32>} : memref<10368xi32, #tpu.memory_space<vmem>>, vector<16xi32>,
    %swap3A_197 = vector.shape_cast %swap3A_196 : vector<16xi32> to vector<16xi32>
    %swap3A_198 = vector.shape_cast %broadcast_in_dim3A_13 : vector<16xi32> to vector<16xi32>
    tpu.vector_store %arg5[%swap3A_195], %swap3A_198 {strides = array<i32>} : memref<10368xi32, #tpu.memory_space<vmem>>, vector<16xi32>,
    %swap3A_199 = arith.constant 80 : i32
    %swap3A_200 = arith.index_cast %swap3A_199 : i32 to index
    %swap3A_201 = arith.constant 48 : index
    %swap3A_202 = tpu.vector_load %arg6[%swap3A_200, %swap3A_201] {strides = array<i32>} : memref<81x128xi32, #tpu.memory_space<vmem>>, vector<1x16xi32>,
    %swap3A_203 = vector.shape_cast %swap3A_202 : vector<1x16xi32> to vector<16xi32>
    %swap3A_204 = vector.shape_cast %broadcast_in_dim3A_15 : vector<16xi32> to vector<1x16xi32>
    tpu.vector_store %arg6[%swap3A_200, %swap3A_201], %swap3A_204 {strides = array<i32>} : memref<81x128xi32, #tpu.memory_space<vmem>>, vector<1x16xi32>,
    %swap3A_205 = arith.constant 10304 : index
    %swap3A_206 = tpu.vector_load %arg5[%swap3A_205] {strides = array<i32>} : memref<10368xi32, #tpu.memory_space<vmem>>, vector<16xi32>,
    %swap3A_207 = vector.shape_cast %swap3A_206 : vector<16xi32> to vector<16xi32>
    %swap3A_208 = vector.shape_cast %broadcast_in_dim3A_13 : vector<16xi32> to vector<16xi32>
    tpu.vector_store %arg5[%swap3A_205], %swap3A_208 {strides = array<i32>} : memref<10368xi32, #tpu.memory_space<vmem>>, vector<16xi32>,
    %swap3A_209 = arith.constant 80 : i32
    %swap3A_210 = arith.index_cast %swap3A_209 : i32 to index
    %swap3A_211 = arith.constant 64 : index
    %swap3A_212 = tpu.vector_load %arg6[%swap3A_210, %swap3A_211] {strides = array<i32>} : memref<81x128xi32, #tpu.memory_space<vmem>>, vector<1x16xi32>,
    %swap3A_213 = vector.shape_cast %swap3A_212 : vector<1x16xi32> to vector<16xi32>
    %swap3A_214 = vector.shape_cast %broadcast_in_dim3A_15 : vector<16xi32> to vector<1x16xi32>
    tpu.vector_store %arg6[%swap3A_210, %swap3A_211], %swap3A_214 {strides = array<i32>} : memref<81x128xi32, #tpu.memory_space<vmem>>, vector<1x16xi32>,
    %swap3A_215 = arith.constant 10320 : index
    %swap3A_216 = tpu.vector_load %arg5[%swap3A_215] {strides = array<i32>} : memref<10368xi32, #tpu.memory_space<vmem>>, vector<16xi32>,
    %swap3A_217 = vector.shape_cast %swap3A_216 : vector<16xi32> to vector<16xi32>
    %swap3A_218 = vector.shape_cast %broadcast_in_dim3A_13 : vector<16xi32> to vector<16xi32>
    tpu.vector_store %arg5[%swap3A_215], %swap3A_218 {strides = array<i32>} : memref<10368xi32, #tpu.memory_space<vmem>>, vector<16xi32>,
    %swap3A_219 = arith.constant 80 : i32
    %swap3A_220 = arith.index_cast %swap3A_219 : i32 to index
    %swap3A_221 = arith.constant 80 : index
    %swap3A_222 = tpu.vector_load %arg6[%swap3A_220, %swap3A_221] {strides = array<i32>} : memref<81x128xi32, #tpu.memory_space<vmem>>, vector<1x16xi32>,
    %swap3A_223 = vector.shape_cast %swap3A_222 : vector<1x16xi32> to vector<16xi32>
    %swap3A_224 = vector.shape_cast %broadcast_in_dim3A_15 : vector<16xi32> to vector<1x16xi32>
    tpu.vector_store %arg6[%swap3A_220, %swap3A_221], %swap3A_224 {strides = array<i32>} : memref<81x128xi32, #tpu.memory_space<vmem>>, vector<1x16xi32>,
    %swap3A_225 = arith.constant 10336 : index
    %swap3A_226 = tpu.vector_load %arg5[%swap3A_225] {strides = array<i32>} : memref<10368xi32, #tpu.memory_space<vmem>>, vector<16xi32>,
    %swap3A_227 = vector.shape_cast %swap3A_226 : vector<16xi32> to vector<16xi32>
    %swap3A_228 = vector.shape_cast %broadcast_in_dim3A_13 : vector<16xi32> to vector<16xi32>
    tpu.vector_store %arg5[%swap3A_225], %swap3A_228 {strides = array<i32>} : memref<10368xi32, #tpu.memory_space<vmem>>, vector<16xi32>,
    %swap3A_229 = arith.constant 80 : i32
    %swap3A_230 = arith.index_cast %swap3A_229 : i32 to index
    %swap3A_231 = arith.constant 96 : index
    %swap3A_232 = tpu.vector_load %arg6[%swap3A_230, %swap3A_231] {strides = array<i32>} : memref<81x128xi32, #tpu.memory_space<vmem>>, vector<1x16xi32>,
    %swap3A_233 = vector.shape_cast %swap3A_232 : vector<1x16xi32> to vector<16xi32>
    %swap3A_234 = vector.shape_cast %broadcast_in_dim3A_15 : vector<16xi32> to vector<1x16xi32>
    tpu.vector_store %arg6[%swap3A_230, %swap3A_231], %swap3A_234 {strides = array<i32>} : memref<81x128xi32, #tpu.memory_space<vmem>>, vector<1x16xi32>,
    %swap3A_235 = arith.constant 10352 : index
    %swap3A_236 = tpu.vector_load %arg5[%swap3A_235] {strides = array<i32>} : memref<10368xi32, #tpu.memory_space<vmem>>, vector<16xi32>,
    %swap3A_237 = vector.shape_cast %swap3A_236 : vector<16xi32> to vector<16xi32>
    %swap3A_238 = vector.shape_cast %broadcast_in_dim3A_13 : vector<16xi32> to vector<16xi32>
    tpu.vector_store %arg5[%swap3A_235], %swap3A_238 {strides = array<i32>} : memref<10368xi32, #tpu.memory_space<vmem>>, vector<16xi32>,
    %swap3A_239 = arith.constant 80 : i32
    %swap3A_240 = arith.index_cast %swap3A_239 : i32 to index
    %swap3A_241 = arith.constant 112 : index
    %swap3A_242 = tpu.vector_load %arg6[%swap3A_240, %swap3A_241] {strides = array<i32>} : memref<81x128xi32, #tpu.memory_space<vmem>>, vector<1x16xi32>,
    %swap3A_243 = vector.shape_cast %swap3A_242 : vector<1x16xi32> to vector<16xi32>
    %swap3A_244 = vector.shape_cast %broadcast_in_dim3A_15 : vector<16xi32> to vector<1x16xi32>
    tpu.vector_store %arg6[%swap3A_240, %swap3A_241], %swap3A_244 {strides = array<i32>} : memref<81x128xi32, #tpu.memory_space<vmem>>, vector<1x16xi32>,
    %scan3A_245 = arith.constant 0 : i32
    %scan3A_246 = arith.constant 0 : i32
    %scan3A_247 = arith.constant 78 : i32
    %scan3A_248 = arith.addi %scan3A_246, %scan3A_247 : i32
    %scan3A_249 = arith.constant 1 : i32
    %scan3A_250 = scf.for %scan3A_363 = %scan3A_246 to %scan3A_248 step %scan3A_249 iter_args(%scan3A_364 = %scan3A_245) -> (i32)  : i32 {
      %mul3A_365 = arith.constant 128 : i32
      %mul3A_366 = arith.muli %scan3A_363, %mul3A_365 : i32
      %add3A_367 = arith.addi %mul3A_2, %mul3A_366 : i32
      %dma_wait3A = arith.constant 1 : i32
      %dma_wait3A_368 = arith.constant 0 : i32
      %dma_wait3A_369 = tpu.memref_slice %arg6[%scan3A_363, %dma_wait3A_368] : memref<81x128xi32, #tpu.memory_space<vmem>> -> memref<1x128xi32, #tpu.memory_space<vmem>>
      %dma_wait3A_370 = tpu.memref_squeeze %dma_wait3A_369 : memref<1x128xi32, #tpu.memory_space<vmem>> -> memref<128xi32, #tpu.memory_space<vmem>>
      %dma_wait3A_371 = tpu.memref_slice %arg3[%dma_wait3A, %add3A_367] : memref<2x320000xi32, #tpu.memory_space<hbm>> -> memref<1x128xi32, #tpu.memory_space<hbm>>
      %dma_wait3A_372 = tpu.memref_squeeze %dma_wait3A_371 : memref<1x128xi32, #tpu.memory_space<hbm>> -> memref<128xi32, #tpu.memory_space<hbm>>
      %dma_wait3A_373 = arith.constant 0 : i32
      %dma_wait3A_374 = tpu.memref_slice %arg6[%scan3A_363, %dma_wait3A_373] : memref<81x128xi32, #tpu.memory_space<vmem>> -> memref<1x128xi32, #tpu.memory_space<vmem>>
      %dma_wait3A_375 = tpu.memref_squeeze %dma_wait3A_374 : memref<1x128xi32, #tpu.memory_space<vmem>> -> memref<128xi32, #tpu.memory_space<vmem>>
      %dma_wait3A_376 = tpu.memref_slice %arg3[%dma_wait3A, %add3A_367] : memref<2x320000xi32, #tpu.memory_space<hbm>> -> memref<1x128xi32, #tpu.memory_space<hbm>>
      %dma_wait3A_377 = tpu.memref_squeeze %dma_wait3A_376 : memref<1x128xi32, #tpu.memory_space<hbm>> -> memref<128xi32, #tpu.memory_space<hbm>>
      tpu.wait_dma2 semaphore(%arg13 : memref<!tpu.dma_semaphore, #tpu.memory_space<semaphore_mem>>) src(%dma_wait3A_377 : memref<128xi32, #tpu.memory_space<hbm>>) dst(%dma_wait3A_375 : memref<128xi32, #tpu.memory_space<vmem>>)
      %scan3A_378 = arith.constant 0 : i32
      scf.yield %scan3A_378 : i32
    }
    %scan3A_251 = arith.constant 78 : i32
    %broadcast_in_dim3A_252 = arith.constant 0.000000e+00 : f32
    %broadcast_in_dim3A_253 = vector.broadcast %broadcast_in_dim3A_252 : f32 to vector<16xf32>
    %mul3A_254 = arith.constant 632 : i32
    %mul3A_255 = arith.muli %arg1, %mul3A_254 : i32
    %scan3A_256 = arith.constant 0 : i32
    %scan3A_257 = arith.constant 0 : i32
    %scan3A_258 = arith.constant 128 : i32
    %scan3A_259 = arith.addi %scan3A_257, %scan3A_258 : i32
    %scan3A_260 = arith.constant 1 : i32
    %scan3A_261 = scf.for %scan3A_363 = %scan3A_257 to %scan3A_259 step %scan3A_260 iter_args(%scan3A_364 = %scan3A_256) -> (i32)  : i32 {
      %swap3A_365 = arith.index_cast %scan3A_363 : i32 to index
      %swap3A_366 = arith.constant 0 : index
      %swap3A_367 = tpu.vector_load %arg8[%swap3A_365, %swap3A_366] {strides = array<i32>} : memref<128x64xf32, #tpu.memory_space<vmem>>, vector<1x16xf32>,
      %swap3A_368 = vector.shape_cast %swap3A_367 : vector<1x16xf32> to vector<16xf32>
      %swap3A_369 = vector.shape_cast %broadcast_in_dim3A_253 : vector<16xf32> to vector<1x16xf32>
      tpu.vector_store %arg8[%swap3A_365, %swap3A_366], %swap3A_369 {strides = array<i32>} : memref<128x64xf32, #tpu.memory_space<vmem>>, vector<1x16xf32>,
      %swap3A_370 = arith.index_cast %scan3A_363 : i32 to index
      %swap3A_371 = arith.constant 16 : index
      %swap3A_372 = tpu.vector_load %arg8[%swap3A_370, %swap3A_371] {strides = array<i32>} : memref<128x64xf32, #tpu.memory_space<vmem>>, vector<1x16xf32>,
      %swap3A_373 = vector.shape_cast %swap3A_372 : vector<1x16xf32> to vector<16xf32>
      %swap3A_374 = vector.shape_cast %broadcast_in_dim3A_253 : vector<16xf32> to vector<1x16xf32>
      tpu.vector_store %arg8[%swap3A_370, %swap3A_371], %swap3A_374 {strides = array<i32>} : memref<128x64xf32, #tpu.memory_space<vmem>>, vector<1x16xf32>,
      %swap3A_375 = arith.index_cast %scan3A_363 : i32 to index
      %swap3A_376 = arith.constant 32 : index
      %swap3A_377 = tpu.vector_load %arg8[%swap3A_375, %swap3A_376] {strides = array<i32>} : memref<128x64xf32, #tpu.memory_space<vmem>>, vector<1x16xf32>,
      %swap3A_378 = vector.shape_cast %swap3A_377 : vector<1x16xf32> to vector<16xf32>
      %swap3A_379 = vector.shape_cast %broadcast_in_dim3A_253 : vector<16xf32> to vector<1x16xf32>
      tpu.vector_store %arg8[%swap3A_375, %swap3A_376], %swap3A_379 {strides = array<i32>} : memref<128x64xf32, #tpu.memory_space<vmem>>, vector<1x16xf32>,
      %swap3A_380 = arith.index_cast %scan3A_363 : i32 to index
      %swap3A_381 = arith.constant 48 : index
      %swap3A_382 = tpu.vector_load %arg8[%swap3A_380, %swap3A_381] {strides = array<i32>} : memref<128x64xf32, #tpu.memory_space<vmem>>, vector<1x16xf32>,
      %swap3A_383 = vector.shape_cast %swap3A_382 : vector<1x16xf32> to vector<16xf32>
      %swap3A_384 = vector.shape_cast %broadcast_in_dim3A_253 : vector<16xf32> to vector<1x16xf32>
      tpu.vector_store %arg8[%swap3A_380, %swap3A_381], %swap3A_384 {strides = array<i32>} : memref<128x64xf32, #tpu.memory_space<vmem>>, vector<1x16xf32>,
      %scan3A_385 = arith.constant 0 : i32
      scf.yield %scan3A_385 : i32
    }
    %scan3A_262 = arith.constant 128 : i32
    %add3A_263 = arith.constant 0 : i32
    %add3A_264 = arith.addi %mul3A_255, %add3A_263 : i32
    "tpu.region"() ({
      %run_scoped3A_363 = tpu.sem_alloc : memref<!tpu.dma_semaphore, #tpu.memory_space<semaphore_mem>>
      %dma_start3A = arith.constant 0 : i32
      %dma_start3A_364 = tpu.memref_slice %arg10[%add3A_264, %dma_start3A] : memref<10112x64xf32, #tpu.memory_space<vmem_shared>> -> memref<128x64xf32, #tpu.memory_space<vmem_shared>>
      %dma_start3A_365 = arith.constant 0 : i32
      %dma_start3A_366 = tpu.memref_slice %arg10[%add3A_264, %dma_start3A_365] : memref<10112x64xf32, #tpu.memory_space<vmem_shared>> -> memref<128x64xf32, #tpu.memory_space<vmem_shared>>
      tpu.enqueue_dma source(%arg8 : memref<128x64xf32, #tpu.memory_space<vmem>>) target(%dma_start3A_366 : memref<128x64xf32, #tpu.memory_space<vmem_shared>>) target_semaphore(%run_scoped3A_363 : memref<!tpu.dma_semaphore, #tpu.memory_space<semaphore_mem>>)
      %dma_wait3A = arith.constant 0 : i32
      %dma_wait3A_367 = tpu.memref_slice %arg10[%add3A_264, %dma_wait3A] : memref<10112x64xf32, #tpu.memory_space<vmem_shared>> -> memref<128x64xf32, #tpu.memory_space<vmem_shared>>
      %dma_wait3A_368 = arith.constant 0 : i32
      %dma_wait3A_369 = tpu.memref_slice %arg10[%add3A_264, %dma_wait3A_368] : memref<10112x64xf32, #tpu.memory_space<vmem_shared>> -> memref<128x64xf32, #tpu.memory_space<vmem_shared>>
      tpu.wait_dma2 semaphore(%run_scoped3A_363 : memref<!tpu.dma_semaphore, #tpu.memory_space<semaphore_mem>>) src(%arg8 : memref<128x64xf32, #tpu.memory_space<vmem>>) dst(%dma_wait3A_369 : memref<128x64xf32, #tpu.memory_space<vmem_shared>>)
      tpu.yield
    }) : () -> ()
    %add3A_265 = arith.constant 128 : i32
    %add3A_266 = arith.addi %mul3A_255, %add3A_265 : i32
    "tpu.region"() ({
      %run_scoped3A_363 = tpu.sem_alloc : memref<!tpu.dma_semaphore, #tpu.memory_space<semaphore_mem>>
      %dma_start3A = arith.constant 0 : i32
      %dma_start3A_364 = tpu.memref_slice %arg10[%add3A_266, %dma_start3A] : memref<10112x64xf32, #tpu.memory_space<vmem_shared>> -> memref<128x64xf32, #tpu.memory_space<vmem_shared>>
      %dma_start3A_365 = arith.constant 0 : i32
      %dma_start3A_366 = tpu.memref_slice %arg10[%add3A_266, %dma_start3A_365] : memref<10112x64xf32, #tpu.memory_space<vmem_shared>> -> memref<128x64xf32, #tpu.memory_space<vmem_shared>>
      tpu.enqueue_dma source(%arg8 : memref<128x64xf32, #tpu.memory_space<vmem>>) target(%dma_start3A_366 : memref<128x64xf32, #tpu.memory_space<vmem_shared>>) target_semaphore(%run_scoped3A_363 : memref<!tpu.dma_semaphore, #tpu.memory_space<semaphore_mem>>)
      %dma_wait3A = arith.constant 0 : i32
      %dma_wait3A_367 = tpu.memref_slice %arg10[%add3A_266, %dma_wait3A] : memref<10112x64xf32, #tpu.memory_space<vmem_shared>> -> memref<128x64xf32, #tpu.memory_space<vmem_shared>>
      %dma_wait3A_368 = arith.constant 0 : i32
      %dma_wait3A_369 = tpu.memref_slice %arg10[%add3A_266, %dma_wait3A_368] : memref<10112x64xf32, #tpu.memory_space<vmem_shared>> -> memref<128x64xf32, #tpu.memory_space<vmem_shared>>
      tpu.wait_dma2 semaphore(%run_scoped3A_363 : memref<!tpu.dma_semaphore, #tpu.memory_space<semaphore_mem>>) src(%arg8 : memref<128x64xf32, #tpu.memory_space<vmem>>) dst(%dma_wait3A_369 : memref<128x64xf32, #tpu.memory_space<vmem_shared>>)
      tpu.yield
    }) : () -> ()
    %add3A_267 = arith.constant 256 : i32
    %add3A_268 = arith.addi %mul3A_255, %add3A_267 : i32
    "tpu.region"() ({
      %run_scoped3A_363 = tpu.sem_alloc : memref<!tpu.dma_semaphore, #tpu.memory_space<semaphore_mem>>
      %dma_start3A = arith.constant 0 : i32
      %dma_start3A_364 = tpu.memref_slice %arg10[%add3A_268, %dma_start3A] : memref<10112x64xf32, #tpu.memory_space<vmem_shared>> -> memref<128x64xf32, #tpu.memory_space<vmem_shared>>
      %dma_start3A_365 = arith.constant 0 : i32
      %dma_start3A_366 = tpu.memref_slice %arg10[%add3A_268, %dma_start3A_365] : memref<10112x64xf32, #tpu.memory_space<vmem_shared>> -> memref<128x64xf32, #tpu.memory_space<vmem_shared>>
      tpu.enqueue_dma source(%arg8 : memref<128x64xf32, #tpu.memory_space<vmem>>) target(%dma_start3A_366 : memref<128x64xf32, #tpu.memory_space<vmem_shared>>) target_semaphore(%run_scoped3A_363 : memref<!tpu.dma_semaphore, #tpu.memory_space<semaphore_mem>>)
      %dma_wait3A = arith.constant 0 : i32
      %dma_wait3A_367 = tpu.memref_slice %arg10[%add3A_268, %dma_wait3A] : memref<10112x64xf32, #tpu.memory_space<vmem_shared>> -> memref<128x64xf32, #tpu.memory_space<vmem_shared>>
      %dma_wait3A_368 = arith.constant 0 : i32
      %dma_wait3A_369 = tpu.memref_slice %arg10[%add3A_268, %dma_wait3A_368] : memref<10112x64xf32, #tpu.memory_space<vmem_shared>> -> memref<128x64xf32, #tpu.memory_space<vmem_shared>>
      tpu.wait_dma2 semaphore(%run_scoped3A_363 : memref<!tpu.dma_semaphore, #tpu.memory_space<semaphore_mem>>) src(%arg8 : memref<128x64xf32, #tpu.memory_space<vmem>>) dst(%dma_wait3A_369 : memref<128x64xf32, #tpu.memory_space<vmem_shared>>)
      tpu.yield
    }) : () -> ()
    %add3A_269 = arith.constant 384 : i32
    %add3A_270 = arith.addi %mul3A_255, %add3A_269 : i32
    "tpu.region"() ({
      %run_scoped3A_363 = tpu.sem_alloc : memref<!tpu.dma_semaphore, #tpu.memory_space<semaphore_mem>>
      %dma_start3A = arith.constant 0 : i32
      %dma_start3A_364 = tpu.memref_slice %arg10[%add3A_270, %dma_start3A] : memref<10112x64xf32, #tpu.memory_space<vmem_shared>> -> memref<128x64xf32, #tpu.memory_space<vmem_shared>>
      %dma_start3A_365 = arith.constant 0 : i32
      %dma_start3A_366 = tpu.memref_slice %arg10[%add3A_270, %dma_start3A_365] : memref<10112x64xf32, #tpu.memory_space<vmem_shared>> -> memref<128x64xf32, #tpu.memory_space<vmem_shared>>
      tpu.enqueue_dma source(%arg8 : memref<128x64xf32, #tpu.memory_space<vmem>>) target(%dma_start3A_366 : memref<128x64xf32, #tpu.memory_space<vmem_shared>>) target_semaphore(%run_scoped3A_363 : memref<!tpu.dma_semaphore, #tpu.memory_space<semaphore_mem>>)
      %dma_wait3A = arith.constant 0 : i32
      %dma_wait3A_367 = tpu.memref_slice %arg10[%add3A_270, %dma_wait3A] : memref<10112x64xf32, #tpu.memory_space<vmem_shared>> -> memref<128x64xf32, #tpu.memory_space<vmem_shared>>
      %dma_wait3A_368 = arith.constant 0 : i32
      %dma_wait3A_369 = tpu.memref_slice %arg10[%add3A_270, %dma_wait3A_368] : memref<10112x64xf32, #tpu.memory_space<vmem_shared>> -> memref<128x64xf32, #tpu.memory_space<vmem_shared>>
      tpu.wait_dma2 semaphore(%run_scoped3A_363 : memref<!tpu.dma_semaphore, #tpu.memory_space<semaphore_mem>>) src(%arg8 : memref<128x64xf32, #tpu.memory_space<vmem>>) dst(%dma_wait3A_369 : memref<128x64xf32, #tpu.memory_space<vmem_shared>>)
      tpu.yield
    }) : () -> ()
    %add3A_271 = arith.constant 512 : i32
    %add3A_272 = arith.addi %mul3A_255, %add3A_271 : i32
    "tpu.region"() ({
      %run_scoped3A_363 = tpu.sem_alloc : memref<!tpu.dma_semaphore, #tpu.memory_space<semaphore_mem>>
      %dma_start3A = arith.constant 0 : i32
      %dma_start3A_364 = arith.constant 0 : i32
      %dma_start3A_365 = tpu.memref_slice %arg8[%dma_start3A, %dma_start3A_364] : memref<128x64xf32, #tpu.memory_space<vmem>> -> memref<120x64xf32, #tpu.memory_space<vmem>>
      %dma_start3A_366 = arith.constant 0 : i32
      %dma_start3A_367 = tpu.memref_slice %arg10[%add3A_272, %dma_start3A_366] : memref<10112x64xf32, #tpu.memory_space<vmem_shared>> -> memref<120x64xf32, #tpu.memory_space<vmem_shared>>
      %dma_start3A_368 = arith.constant 0 : i32
      %dma_start3A_369 = tpu.memref_slice %arg10[%add3A_272, %dma_start3A_368] : memref<10112x64xf32, #tpu.memory_space<vmem_shared>> -> memref<120x64xf32, #tpu.memory_space<vmem_shared>>
      %dma_start3A_370 = arith.constant 0 : i32
      %dma_start3A_371 = arith.constant 0 : i32
      %dma_start3A_372 = tpu.memref_slice %arg8[%dma_start3A_370, %dma_start3A_371] : memref<128x64xf32, #tpu.memory_space<vmem>> -> memref<120x64xf32, #tpu.memory_space<vmem>>
      tpu.enqueue_dma source(%dma_start3A_372 : memref<120x64xf32, #tpu.memory_space<vmem>>) target(%dma_start3A_369 : memref<120x64xf32, #tpu.memory_space<vmem_shared>>) target_semaphore(%run_scoped3A_363 : memref<!tpu.dma_semaphore, #tpu.memory_space<semaphore_mem>>)
      %dma_wait3A = arith.constant 0 : i32
      %dma_wait3A_373 = arith.constant 0 : i32
      %dma_wait3A_374 = tpu.memref_slice %arg8[%dma_wait3A, %dma_wait3A_373] : memref<128x64xf32, #tpu.memory_space<vmem>> -> memref<120x64xf32, #tpu.memory_space<vmem>>
      %dma_wait3A_375 = arith.constant 0 : i32
      %dma_wait3A_376 = tpu.memref_slice %arg10[%add3A_272, %dma_wait3A_375] : memref<10112x64xf32, #tpu.memory_space<vmem_shared>> -> memref<120x64xf32, #tpu.memory_space<vmem_shared>>
      %dma_wait3A_377 = arith.constant 0 : i32
      %dma_wait3A_378 = tpu.memref_slice %arg10[%add3A_272, %dma_wait3A_377] : memref<10112x64xf32, #tpu.memory_space<vmem_shared>> -> memref<120x64xf32, #tpu.memory_space<vmem_shared>>
      %dma_wait3A_379 = arith.constant 0 : i32
      %dma_wait3A_380 = arith.constant 0 : i32
      %dma_wait3A_381 = tpu.memref_slice %arg8[%dma_wait3A_379, %dma_wait3A_380] : memref<128x64xf32, #tpu.memory_space<vmem>> -> memref<120x64xf32, #tpu.memory_space<vmem>>
      tpu.wait_dma2 semaphore(%run_scoped3A_363 : memref<!tpu.dma_semaphore, #tpu.memory_space<semaphore_mem>>) src(%dma_wait3A_381 : memref<120x64xf32, #tpu.memory_space<vmem>>) dst(%dma_wait3A_378 : memref<120x64xf32, #tpu.memory_space<vmem_shared>>)
      tpu.yield
    }) : () -> ()
    %lt3A = arith.constant 15 : i32
    %lt3A_273 = arith.cmpi slt, %arg1, %lt3A : i32
    %convert_element_type3A = arith.extui %lt3A_273 : i1 to i32
    %cond3A = arith.constant 0 : i32
    %cond3A_274 = arith.cmpi ne, %convert_element_type3A, %cond3A : i32
    scf.if %cond3A_274 {
      %add3A_363 = arith.constant 0 : i32
      %add3A_364 = arith.addi %mul3A_255, %add3A_363 : i32
      "tpu.region"() ({
        %run_scoped3A_373 = tpu.sem_alloc : memref<!tpu.dma_semaphore, #tpu.memory_space<semaphore_mem>>
        %dma_start3A = arith.constant 0 : i32
        %dma_start3A_374 = tpu.memref_slice %arg2[%add3A_364, %dma_start3A] : memref<10000x128xf32, #tpu.memory_space<hbm>> -> memref<128x64xf32, #tpu.memory_space<hbm>>
        %dma_start3A_375 = arith.constant 0 : i32
        %dma_start3A_376 = tpu.memref_slice %arg2[%add3A_364, %dma_start3A_375] : memref<10000x128xf32, #tpu.memory_space<hbm>> -> memref<128x64xf32, #tpu.memory_space<hbm>>
        tpu.enqueue_dma source(%dma_start3A_376 : memref<128x64xf32, #tpu.memory_space<hbm>>) target(%arg7 : memref<128x64xf32, #tpu.memory_space<vmem>>) target_semaphore(%run_scoped3A_373 : memref<!tpu.dma_semaphore, #tpu.memory_space<semaphore_mem>>)
        %dma_wait3A = arith.constant 0 : i32
        %dma_wait3A_377 = tpu.memref_slice %arg2[%add3A_364, %dma_wait3A] : memref<10000x128xf32, #tpu.memory_space<hbm>> -> memref<128x64xf32, #tpu.memory_space<hbm>>
        %dma_wait3A_378 = arith.constant 0 : i32
        %dma_wait3A_379 = tpu.memref_slice %arg2[%add3A_364, %dma_wait3A_378] : memref<10000x128xf32, #tpu.memory_space<hbm>> -> memref<128x64xf32, #tpu.memory_space<hbm>>
        tpu.wait_dma2 semaphore(%run_scoped3A_373 : memref<!tpu.dma_semaphore, #tpu.memory_space<semaphore_mem>>) src(%dma_wait3A_379 : memref<128x64xf32, #tpu.memory_space<hbm>>) dst(%arg7 : memref<128x64xf32, #tpu.memory_space<vmem>>)
        tpu.yield
      }) : () -> ()
      "tpu.region"() ({
        %run_scoped3A_373 = tpu.sem_alloc : memref<!tpu.dma_semaphore, #tpu.memory_space<semaphore_mem>>
        %dma_start3A = arith.constant 0 : i32
        %dma_start3A_374 = tpu.memref_slice %arg11[%add3A_364, %dma_start3A] : memref<10112x64xf32, #tpu.memory_space<vmem_shared>> -> memref<128x64xf32, #tpu.memory_space<vmem_shared>>
        %dma_start3A_375 = arith.constant 0 : i32
        %dma_start3A_376 = tpu.memref_slice %arg11[%add3A_364, %dma_start3A_375] : memref<10112x64xf32, #tpu.memory_space<vmem_shared>> -> memref<128x64xf32, #tpu.memory_space<vmem_shared>>
        tpu.enqueue_dma source(%arg7 : memref<128x64xf32, #tpu.memory_space<vmem>>) target(%dma_start3A_376 : memref<128x64xf32, #tpu.memory_space<vmem_shared>>) target_semaphore(%run_scoped3A_373 : memref<!tpu.dma_semaphore, #tpu.memory_space<semaphore_mem>>)
        %dma_wait3A = arith.constant 0 : i32
        %dma_wait3A_377 = tpu.memref_slice %arg11[%add3A_364, %dma_wait3A] : memref<10112x64xf32, #tpu.memory_space<vmem_shared>> -> memref<128x64xf32, #tpu.memory_space<vmem_shared>>
        %dma_wait3A_378 = arith.constant 0 : i32
        %dma_wait3A_379 = tpu.memref_slice %arg11[%add3A_364, %dma_wait3A_378] : memref<10112x64xf32, #tpu.memory_space<vmem_shared>> -> memref<128x64xf32, #tpu.memory_space<vmem_shared>>
        tpu.wait_dma2 semaphore(%run_scoped3A_373 : memref<!tpu.dma_semaphore, #tpu.memory_space<semaphore_mem>>) src(%arg7 : memref<128x64xf32, #tpu.memory_space<vmem>>) dst(%dma_wait3A_379 : memref<128x64xf32, #tpu.memory_space<vmem_shared>>)
        tpu.yield
      }) : () -> ()
      %add3A_365 = arith.constant 128 : i32
      %add3A_366 = arith.addi %mul3A_255, %add3A_365 : i32
      "tpu.region"() ({
        %run_scoped3A_373 = tpu.sem_alloc : memref<!tpu.dma_semaphore, #tpu.memory_space<semaphore_mem>>
        %dma_start3A = arith.constant 0 : i32
        %dma_start3A_374 = tpu.memref_slice %arg2[%add3A_366, %dma_start3A] : memref<10000x128xf32, #tpu.memory_space<hbm>> -> memref<128x64xf32, #tpu.memory_space<hbm>>
        %dma_start3A_375 = arith.constant 0 : i32
        %dma_start3A_376 = tpu.memref_slice %arg2[%add3A_366, %dma_start3A_375] : memref<10000x128xf32, #tpu.memory_space<hbm>> -> memref<128x64xf32, #tpu.memory_space<hbm>>
        tpu.enqueue_dma source(%dma_start3A_376 : memref<128x64xf32, #tpu.memory_space<hbm>>) target(%arg7 : memref<128x64xf32, #tpu.memory_space<vmem>>) target_semaphore(%run_scoped3A_373 : memref<!tpu.dma_semaphore, #tpu.memory_space<semaphore_mem>>)
        %dma_wait3A = arith.constant 0 : i32
        %dma_wait3A_377 = tpu.memref_slice %arg2[%add3A_366, %dma_wait3A] : memref<10000x128xf32, #tpu.memory_space<hbm>> -> memref<128x64xf32, #tpu.memory_space<hbm>>
        %dma_wait3A_378 = arith.constant 0 : i32
        %dma_wait3A_379 = tpu.memref_slice %arg2[%add3A_366, %dma_wait3A_378] : memref<10000x128xf32, #tpu.memory_space<hbm>> -> memref<128x64xf32, #tpu.memory_space<hbm>>
        tpu.wait_dma2 semaphore(%run_scoped3A_373 : memref<!tpu.dma_semaphore, #tpu.memory_space<semaphore_mem>>) src(%dma_wait3A_379 : memref<128x64xf32, #tpu.memory_space<hbm>>) dst(%arg7 : memref<128x64xf32, #tpu.memory_space<vmem>>)
        tpu.yield
      }) : () -> ()
      "tpu.region"() ({
        %run_scoped3A_373 = tpu.sem_alloc : memref<!tpu.dma_semaphore, #tpu.memory_space<semaphore_mem>>
        %dma_start3A = arith.constant 0 : i32
        %dma_start3A_374 = tpu.memref_slice %arg11[%add3A_366, %dma_start3A] : memref<10112x64xf32, #tpu.memory_space<vmem_shared>> -> memref<128x64xf32, #tpu.memory_space<vmem_shared>>
        %dma_start3A_375 = arith.constant 0 : i32
        %dma_start3A_376 = tpu.memref_slice %arg11[%add3A_366, %dma_start3A_375] : memref<10112x64xf32, #tpu.memory_space<vmem_shared>> -> memref<128x64xf32, #tpu.memory_space<vmem_shared>>
        tpu.enqueue_dma source(%arg7 : memref<128x64xf32, #tpu.memory_space<vmem>>) target(%dma_start3A_376 : memref<128x64xf32, #tpu.memory_space<vmem_shared>>) target_semaphore(%run_scoped3A_373 : memref<!tpu.dma_semaphore, #tpu.memory_space<semaphore_mem>>)
        %dma_wait3A = arith.constant 0 : i32
        %dma_wait3A_377 = tpu.memref_slice %arg11[%add3A_366, %dma_wait3A] : memref<10112x64xf32, #tpu.memory_space<vmem_shared>> -> memref<128x64xf32, #tpu.memory_space<vmem_shared>>
        %dma_wait3A_378 = arith.constant 0 : i32
        %dma_wait3A_379 = tpu.memref_slice %arg11[%add3A_366, %dma_wait3A_378] : memref<10112x64xf32, #tpu.memory_space<vmem_shared>> -> memref<128x64xf32, #tpu.memory_space<vmem_shared>>
        tpu.wait_dma2 semaphore(%run_scoped3A_373 : memref<!tpu.dma_semaphore, #tpu.memory_space<semaphore_mem>>) src(%arg7 : memref<128x64xf32, #tpu.memory_space<vmem>>) dst(%dma_wait3A_379 : memref<128x64xf32, #tpu.memory_space<vmem_shared>>)
        tpu.yield
      }) : () -> ()
      %add3A_367 = arith.constant 256 : i32
      %add3A_368 = arith.addi %mul3A_255, %add3A_367 : i32
      "tpu.region"() ({
        %run_scoped3A_373 = tpu.sem_alloc : memref<!tpu.dma_semaphore, #tpu.memory_space<semaphore_mem>>
        %dma_start3A = arith.constant 0 : i32
        %dma_start3A_374 = tpu.memref_slice %arg2[%add3A_368, %dma_start3A] : memref<10000x128xf32, #tpu.memory_space<hbm>> -> memref<128x64xf32, #tpu.memory_space<hbm>>
        %dma_start3A_375 = arith.constant 0 : i32
        %dma_start3A_376 = tpu.memref_slice %arg2[%add3A_368, %dma_start3A_375] : memref<10000x128xf32, #tpu.memory_space<hbm>> -> memref<128x64xf32, #tpu.memory_space<hbm>>
        tpu.enqueue_dma source(%dma_start3A_376 : memref<128x64xf32, #tpu.memory_space<hbm>>) target(%arg7 : memref<128x64xf32, #tpu.memory_space<vmem>>) target_semaphore(%run_scoped3A_373 : memref<!tpu.dma_semaphore, #tpu.memory_space<semaphore_mem>>)
        %dma_wait3A = arith.constant 0 : i32
        %dma_wait3A_377 = tpu.memref_slice %arg2[%add3A_368, %dma_wait3A] : memref<10000x128xf32, #tpu.memory_space<hbm>> -> memref<128x64xf32, #tpu.memory_space<hbm>>
        %dma_wait3A_378 = arith.constant 0 : i32
        %dma_wait3A_379 = tpu.memref_slice %arg2[%add3A_368, %dma_wait3A_378] : memref<10000x128xf32, #tpu.memory_space<hbm>> -> memref<128x64xf32, #tpu.memory_space<hbm>>
        tpu.wait_dma2 semaphore(%run_scoped3A_373 : memref<!tpu.dma_semaphore, #tpu.memory_space<semaphore_mem>>) src(%dma_wait3A_379 : memref<128x64xf32, #tpu.memory_space<hbm>>) dst(%arg7 : memref<128x64xf32, #tpu.memory_space<vmem>>)
        tpu.yield
      }) : () -> ()
      "tpu.region"() ({
        %run_scoped3A_373 = tpu.sem_alloc : memref<!tpu.dma_semaphore, #tpu.memory_space<semaphore_mem>>
        %dma_start3A = arith.constant 0 : i32
        %dma_start3A_374 = tpu.memref_slice %arg11[%add3A_368, %dma_start3A] : memref<10112x64xf32, #tpu.memory_space<vmem_shared>> -> memref<128x64xf32, #tpu.memory_space<vmem_shared>>
        %dma_start3A_375 = arith.constant 0 : i32
        %dma_start3A_376 = tpu.memref_slice %arg11[%add3A_368, %dma_start3A_375] : memref<10112x64xf32, #tpu.memory_space<vmem_shared>> -> memref<128x64xf32, #tpu.memory_space<vmem_shared>>
        tpu.enqueue_dma source(%arg7 : memref<128x64xf32, #tpu.memory_space<vmem>>) target(%dma_start3A_376 : memref<128x64xf32, #tpu.memory_space<vmem_shared>>) target_semaphore(%run_scoped3A_373 : memref<!tpu.dma_semaphore, #tpu.memory_space<semaphore_mem>>)
        %dma_wait3A = arith.constant 0 : i32
        %dma_wait3A_377 = tpu.memref_slice %arg11[%add3A_368, %dma_wait3A] : memref<10112x64xf32, #tpu.memory_space<vmem_shared>> -> memref<128x64xf32, #tpu.memory_space<vmem_shared>>
        %dma_wait3A_378 = arith.constant 0 : i32
        %dma_wait3A_379 = tpu.memref_slice %arg11[%add3A_368, %dma_wait3A_378] : memref<10112x64xf32, #tpu.memory_space<vmem_shared>> -> memref<128x64xf32, #tpu.memory_space<vmem_shared>>
        tpu.wait_dma2 semaphore(%run_scoped3A_373 : memref<!tpu.dma_semaphore, #tpu.memory_space<semaphore_mem>>) src(%arg7 : memref<128x64xf32, #tpu.memory_space<vmem>>) dst(%dma_wait3A_379 : memref<128x64xf32, #tpu.memory_space<vmem_shared>>)
        tpu.yield
      }) : () -> ()
      %add3A_369 = arith.constant 384 : i32
      %add3A_370 = arith.addi %mul3A_255, %add3A_369 : i32
      "tpu.region"() ({
        %run_scoped3A_373 = tpu.sem_alloc : memref<!tpu.dma_semaphore, #tpu.memory_space<semaphore_mem>>
        %dma_start3A = arith.constant 0 : i32
        %dma_start3A_374 = tpu.memref_slice %arg2[%add3A_370, %dma_start3A] : memref<10000x128xf32, #tpu.memory_space<hbm>> -> memref<128x64xf32, #tpu.memory_space<hbm>>
        %dma_start3A_375 = arith.constant 0 : i32
        %dma_start3A_376 = tpu.memref_slice %arg2[%add3A_370, %dma_start3A_375] : memref<10000x128xf32, #tpu.memory_space<hbm>> -> memref<128x64xf32, #tpu.memory_space<hbm>>
        tpu.enqueue_dma source(%dma_start3A_376 : memref<128x64xf32, #tpu.memory_space<hbm>>) target(%arg7 : memref<128x64xf32, #tpu.memory_space<vmem>>) target_semaphore(%run_scoped3A_373 : memref<!tpu.dma_semaphore, #tpu.memory_space<semaphore_mem>>)
        %dma_wait3A = arith.constant 0 : i32
        %dma_wait3A_377 = tpu.memref_slice %arg2[%add3A_370, %dma_wait3A] : memref<10000x128xf32, #tpu.memory_space<hbm>> -> memref<128x64xf32, #tpu.memory_space<hbm>>
        %dma_wait3A_378 = arith.constant 0 : i32
        %dma_wait3A_379 = tpu.memref_slice %arg2[%add3A_370, %dma_wait3A_378] : memref<10000x128xf32, #tpu.memory_space<hbm>> -> memref<128x64xf32, #tpu.memory_space<hbm>>
        tpu.wait_dma2 semaphore(%run_scoped3A_373 : memref<!tpu.dma_semaphore, #tpu.memory_space<semaphore_mem>>) src(%dma_wait3A_379 : memref<128x64xf32, #tpu.memory_space<hbm>>) dst(%arg7 : memref<128x64xf32, #tpu.memory_space<vmem>>)
        tpu.yield
      }) : () -> ()
      "tpu.region"() ({
        %run_scoped3A_373 = tpu.sem_alloc : memref<!tpu.dma_semaphore, #tpu.memory_space<semaphore_mem>>
        %dma_start3A = arith.constant 0 : i32
        %dma_start3A_374 = tpu.memref_slice %arg11[%add3A_370, %dma_start3A] : memref<10112x64xf32, #tpu.memory_space<vmem_shared>> -> memref<128x64xf32, #tpu.memory_space<vmem_shared>>
        %dma_start3A_375 = arith.constant 0 : i32
        %dma_start3A_376 = tpu.memref_slice %arg11[%add3A_370, %dma_start3A_375] : memref<10112x64xf32, #tpu.memory_space<vmem_shared>> -> memref<128x64xf32, #tpu.memory_space<vmem_shared>>
        tpu.enqueue_dma source(%arg7 : memref<128x64xf32, #tpu.memory_space<vmem>>) target(%dma_start3A_376 : memref<128x64xf32, #tpu.memory_space<vmem_shared>>) target_semaphore(%run_scoped3A_373 : memref<!tpu.dma_semaphore, #tpu.memory_space<semaphore_mem>>)
        %dma_wait3A = arith.constant 0 : i32
        %dma_wait3A_377 = tpu.memref_slice %arg11[%add3A_370, %dma_wait3A] : memref<10112x64xf32, #tpu.memory_space<vmem_shared>> -> memref<128x64xf32, #tpu.memory_space<vmem_shared>>
        %dma_wait3A_378 = arith.constant 0 : i32
        %dma_wait3A_379 = tpu.memref_slice %arg11[%add3A_370, %dma_wait3A_378] : memref<10112x64xf32, #tpu.memory_space<vmem_shared>> -> memref<128x64xf32, #tpu.memory_space<vmem_shared>>
        tpu.wait_dma2 semaphore(%run_scoped3A_373 : memref<!tpu.dma_semaphore, #tpu.memory_space<semaphore_mem>>) src(%arg7 : memref<128x64xf32, #tpu.memory_space<vmem>>) dst(%dma_wait3A_379 : memref<128x64xf32, #tpu.memory_space<vmem_shared>>)
        tpu.yield
      }) : () -> ()
      %add3A_371 = arith.constant 512 : i32
      %add3A_372 = arith.addi %mul3A_255, %add3A_371 : i32
      "tpu.region"() ({
        %run_scoped3A_373 = tpu.sem_alloc : memref<!tpu.dma_semaphore, #tpu.memory_space<semaphore_mem>>
        %dma_start3A = arith.constant 0 : i32
        %dma_start3A_374 = arith.constant 0 : i32
        %dma_start3A_375 = tpu.memref_slice %arg7[%dma_start3A, %dma_start3A_374] : memref<128x64xf32, #tpu.memory_space<vmem>> -> memref<120x64xf32, #tpu.memory_space<vmem>>
        %dma_start3A_376 = arith.constant 0 : i32
        %dma_start3A_377 = tpu.memref_slice %arg2[%add3A_372, %dma_start3A_376] : memref<10000x128xf32, #tpu.memory_space<hbm>> -> memref<120x64xf32, #tpu.memory_space<hbm>>
        %dma_start3A_378 = arith.constant 0 : i32
        %dma_start3A_379 = arith.constant 0 : i32
        %dma_start3A_380 = tpu.memref_slice %arg7[%dma_start3A_378, %dma_start3A_379] : memref<128x64xf32, #tpu.memory_space<vmem>> -> memref<120x64xf32, #tpu.memory_space<vmem>>
        %dma_start3A_381 = arith.constant 0 : i32
        %dma_start3A_382 = tpu.memref_slice %arg2[%add3A_372, %dma_start3A_381] : memref<10000x128xf32, #tpu.memory_space<hbm>> -> memref<120x64xf32, #tpu.memory_space<hbm>>
        tpu.enqueue_dma source(%dma_start3A_382 : memref<120x64xf32, #tpu.memory_space<hbm>>) target(%dma_start3A_380 : memref<120x64xf32, #tpu.memory_space<vmem>>) target_semaphore(%run_scoped3A_373 : memref<!tpu.dma_semaphore, #tpu.memory_space<semaphore_mem>>)
        %dma_wait3A = arith.constant 0 : i32
        %dma_wait3A_383 = arith.constant 0 : i32
        %dma_wait3A_384 = tpu.memref_slice %arg7[%dma_wait3A, %dma_wait3A_383] : memref<128x64xf32, #tpu.memory_space<vmem>> -> memref<120x64xf32, #tpu.memory_space<vmem>>
        %dma_wait3A_385 = arith.constant 0 : i32
        %dma_wait3A_386 = tpu.memref_slice %arg2[%add3A_372, %dma_wait3A_385] : memref<10000x128xf32, #tpu.memory_space<hbm>> -> memref<120x64xf32, #tpu.memory_space<hbm>>
        %dma_wait3A_387 = arith.constant 0 : i32
        %dma_wait3A_388 = arith.constant 0 : i32
        %dma_wait3A_389 = tpu.memref_slice %arg7[%dma_wait3A_387, %dma_wait3A_388] : memref<128x64xf32, #tpu.memory_space<vmem>> -> memref<120x64xf32, #tpu.memory_space<vmem>>
        %dma_wait3A_390 = arith.constant 0 : i32
        %dma_wait3A_391 = tpu.memref_slice %arg2[%add3A_372, %dma_wait3A_390] : memref<10000x128xf32, #tpu.memory_space<hbm>> -> memref<120x64xf32, #tpu.memory_space<hbm>>
        tpu.wait_dma2 semaphore(%run_scoped3A_373 : memref<!tpu.dma_semaphore, #tpu.memory_space<semaphore_mem>>) src(%dma_wait3A_391 : memref<120x64xf32, #tpu.memory_space<hbm>>) dst(%dma_wait3A_389 : memref<120x64xf32, #tpu.memory_space<vmem>>)
        tpu.yield
      }) : () -> ()
      "tpu.region"() ({
        %run_scoped3A_373 = tpu.sem_alloc : memref<!tpu.dma_semaphore, #tpu.memory_space<semaphore_mem>>
        %dma_start3A = arith.constant 0 : i32
        %dma_start3A_374 = arith.constant 0 : i32
        %dma_start3A_375 = tpu.memref_slice %arg7[%dma_start3A, %dma_start3A_374] : memref<128x64xf32, #tpu.memory_space<vmem>> -> memref<120x64xf32, #tpu.memory_space<vmem>>
        %dma_start3A_376 = arith.constant 0 : i32
        %dma_start3A_377 = tpu.memref_slice %arg11[%add3A_372, %dma_start3A_376] : memref<10112x64xf32, #tpu.memory_space<vmem_shared>> -> memref<120x64xf32, #tpu.memory_space<vmem_shared>>
        %dma_start3A_378 = arith.constant 0 : i32
        %dma_start3A_379 = tpu.memref_slice %arg11[%add3A_372, %dma_start3A_378] : memref<10112x64xf32, #tpu.memory_space<vmem_shared>> -> memref<120x64xf32, #tpu.memory_space<vmem_shared>>
        %dma_start3A_380 = arith.constant 0 : i32
        %dma_start3A_381 = arith.constant 0 : i32
        %dma_start3A_382 = tpu.memref_slice %arg7[%dma_start3A_380, %dma_start3A_381] : memref<128x64xf32, #tpu.memory_space<vmem>> -> memref<120x64xf32, #tpu.memory_space<vmem>>
        tpu.enqueue_dma source(%dma_start3A_382 : memref<120x64xf32, #tpu.memory_space<vmem>>) target(%dma_start3A_379 : memref<120x64xf32, #tpu.memory_space<vmem_shared>>) target_semaphore(%run_scoped3A_373 : memref<!tpu.dma_semaphore, #tpu.memory_space<semaphore_mem>>)
        %dma_wait3A = arith.constant 0 : i32
        %dma_wait3A_383 = arith.constant 0 : i32
        %dma_wait3A_384 = tpu.memref_slice %arg7[%dma_wait3A, %dma_wait3A_383] : memref<128x64xf32, #tpu.memory_space<vmem>> -> memref<120x64xf32, #tpu.memory_space<vmem>>
        %dma_wait3A_385 = arith.constant 0 : i32
        %dma_wait3A_386 = tpu.memref_slice %arg11[%add3A_372, %dma_wait3A_385] : memref<10112x64xf32, #tpu.memory_space<vmem_shared>> -> memref<120x64xf32, #tpu.memory_space<vmem_shared>>
        %dma_wait3A_387 = arith.constant 0 : i32
        %dma_wait3A_388 = tpu.memref_slice %arg11[%add3A_372, %dma_wait3A_387] : memref<10112x64xf32, #tpu.memory_space<vmem_shared>> -> memref<120x64xf32, #tpu.memory_space<vmem_shared>>
        %dma_wait3A_389 = arith.constant 0 : i32
        %dma_wait3A_390 = arith.constant 0 : i32
        %dma_wait3A_391 = tpu.memref_slice %arg7[%dma_wait3A_389, %dma_wait3A_390] : memref<128x64xf32, #tpu.memory_space<vmem>> -> memref<120x64xf32, #tpu.memory_space<vmem>>
        tpu.wait_dma2 semaphore(%run_scoped3A_373 : memref<!tpu.dma_semaphore, #tpu.memory_space<semaphore_mem>>) src(%dma_wait3A_391 : memref<120x64xf32, #tpu.memory_space<vmem>>) dst(%dma_wait3A_388 : memref<120x64xf32, #tpu.memory_space<vmem_shared>>)
        tpu.yield
      }) : () -> ()
    } else {
    }
    %eq3A = arith.constant 15 : i32
    %eq3A_275 = arith.cmpi eq, %arg1, %eq3A : i32
    %convert_element_type3A_276 = arith.extui %eq3A_275 : i1 to i32
    %cond3A_277 = arith.constant 0 : i32
    %cond3A_278 = arith.cmpi ne, %convert_element_type3A_276, %cond3A_277 : i32
    scf.if %cond3A_278 {
      %add3A_363 = arith.constant 0 : i32
      %add3A_364 = arith.addi %mul3A_255, %add3A_363 : i32
      "tpu.region"() ({
        %run_scoped3A_373 = tpu.sem_alloc : memref<!tpu.dma_semaphore, #tpu.memory_space<semaphore_mem>>
        %dma_start3A = arith.constant 0 : i32
        %dma_start3A_374 = tpu.memref_slice %arg2[%add3A_364, %dma_start3A] : memref<10000x128xf32, #tpu.memory_space<hbm>> -> memref<128x64xf32, #tpu.memory_space<hbm>>
        %dma_start3A_375 = arith.constant 0 : i32
        %dma_start3A_376 = tpu.memref_slice %arg2[%add3A_364, %dma_start3A_375] : memref<10000x128xf32, #tpu.memory_space<hbm>> -> memref<128x64xf32, #tpu.memory_space<hbm>>
        tpu.enqueue_dma source(%dma_start3A_376 : memref<128x64xf32, #tpu.memory_space<hbm>>) target(%arg7 : memref<128x64xf32, #tpu.memory_space<vmem>>) target_semaphore(%run_scoped3A_373 : memref<!tpu.dma_semaphore, #tpu.memory_space<semaphore_mem>>)
        %dma_wait3A = arith.constant 0 : i32
        %dma_wait3A_377 = tpu.memref_slice %arg2[%add3A_364, %dma_wait3A] : memref<10000x128xf32, #tpu.memory_space<hbm>> -> memref<128x64xf32, #tpu.memory_space<hbm>>
        %dma_wait3A_378 = arith.constant 0 : i32
        %dma_wait3A_379 = tpu.memref_slice %arg2[%add3A_364, %dma_wait3A_378] : memref<10000x128xf32, #tpu.memory_space<hbm>> -> memref<128x64xf32, #tpu.memory_space<hbm>>
        tpu.wait_dma2 semaphore(%run_scoped3A_373 : memref<!tpu.dma_semaphore, #tpu.memory_space<semaphore_mem>>) src(%dma_wait3A_379 : memref<128x64xf32, #tpu.memory_space<hbm>>) dst(%arg7 : memref<128x64xf32, #tpu.memory_space<vmem>>)
        tpu.yield
      }) : () -> ()
      "tpu.region"() ({
        %run_scoped3A_373 = tpu.sem_alloc : memref<!tpu.dma_semaphore, #tpu.memory_space<semaphore_mem>>
        %dma_start3A = arith.constant 0 : i32
        %dma_start3A_374 = tpu.memref_slice %arg11[%add3A_364, %dma_start3A] : memref<10112x64xf32, #tpu.memory_space<vmem_shared>> -> memref<128x64xf32, #tpu.memory_space<vmem_shared>>
        %dma_start3A_375 = arith.constant 0 : i32
        %dma_start3A_376 = tpu.memref_slice %arg11[%add3A_364, %dma_start3A_375] : memref<10112x64xf32, #tpu.memory_space<vmem_shared>> -> memref<128x64xf32, #tpu.memory_space<vmem_shared>>
        tpu.enqueue_dma source(%arg7 : memref<128x64xf32, #tpu.memory_space<vmem>>) target(%dma_start3A_376 : memref<128x64xf32, #tpu.memory_space<vmem_shared>>) target_semaphore(%run_scoped3A_373 : memref<!tpu.dma_semaphore, #tpu.memory_space<semaphore_mem>>)
        %dma_wait3A = arith.constant 0 : i32
        %dma_wait3A_377 = tpu.memref_slice %arg11[%add3A_364, %dma_wait3A] : memref<10112x64xf32, #tpu.memory_space<vmem_shared>> -> memref<128x64xf32, #tpu.memory_space<vmem_shared>>
        %dma_wait3A_378 = arith.constant 0 : i32
        %dma_wait3A_379 = tpu.memref_slice %arg11[%add3A_364, %dma_wait3A_378] : memref<10112x64xf32, #tpu.memory_space<vmem_shared>> -> memref<128x64xf32, #tpu.memory_space<vmem_shared>>
        tpu.wait_dma2 semaphore(%run_scoped3A_373 : memref<!tpu.dma_semaphore, #tpu.memory_space<semaphore_mem>>) src(%arg7 : memref<128x64xf32, #tpu.memory_space<vmem>>) dst(%dma_wait3A_379 : memref<128x64xf32, #tpu.memory_space<vmem_shared>>)
        tpu.yield
      }) : () -> ()
      %add3A_365 = arith.constant 128 : i32
      %add3A_366 = arith.addi %mul3A_255, %add3A_365 : i32
      "tpu.region"() ({
        %run_scoped3A_373 = tpu.sem_alloc : memref<!tpu.dma_semaphore, #tpu.memory_space<semaphore_mem>>
        %dma_start3A = arith.constant 0 : i32
        %dma_start3A_374 = tpu.memref_slice %arg2[%add3A_366, %dma_start3A] : memref<10000x128xf32, #tpu.memory_space<hbm>> -> memref<128x64xf32, #tpu.memory_space<hbm>>
        %dma_start3A_375 = arith.constant 0 : i32
        %dma_start3A_376 = tpu.memref_slice %arg2[%add3A_366, %dma_start3A_375] : memref<10000x128xf32, #tpu.memory_space<hbm>> -> memref<128x64xf32, #tpu.memory_space<hbm>>
        tpu.enqueue_dma source(%dma_start3A_376 : memref<128x64xf32, #tpu.memory_space<hbm>>) target(%arg7 : memref<128x64xf32, #tpu.memory_space<vmem>>) target_semaphore(%run_scoped3A_373 : memref<!tpu.dma_semaphore, #tpu.memory_space<semaphore_mem>>)
        %dma_wait3A = arith.constant 0 : i32
        %dma_wait3A_377 = tpu.memref_slice %arg2[%add3A_366, %dma_wait3A] : memref<10000x128xf32, #tpu.memory_space<hbm>> -> memref<128x64xf32, #tpu.memory_space<hbm>>
        %dma_wait3A_378 = arith.constant 0 : i32
        %dma_wait3A_379 = tpu.memref_slice %arg2[%add3A_366, %dma_wait3A_378] : memref<10000x128xf32, #tpu.memory_space<hbm>> -> memref<128x64xf32, #tpu.memory_space<hbm>>
        tpu.wait_dma2 semaphore(%run_scoped3A_373 : memref<!tpu.dma_semaphore, #tpu.memory_space<semaphore_mem>>) src(%dma_wait3A_379 : memref<128x64xf32, #tpu.memory_space<hbm>>) dst(%arg7 : memref<128x64xf32, #tpu.memory_space<vmem>>)
        tpu.yield
      }) : () -> ()
      "tpu.region"() ({
        %run_scoped3A_373 = tpu.sem_alloc : memref<!tpu.dma_semaphore, #tpu.memory_space<semaphore_mem>>
        %dma_start3A = arith.constant 0 : i32
        %dma_start3A_374 = tpu.memref_slice %arg11[%add3A_366, %dma_start3A] : memref<10112x64xf32, #tpu.memory_space<vmem_shared>> -> memref<128x64xf32, #tpu.memory_space<vmem_shared>>
        %dma_start3A_375 = arith.constant 0 : i32
        %dma_start3A_376 = tpu.memref_slice %arg11[%add3A_366, %dma_start3A_375] : memref<10112x64xf32, #tpu.memory_space<vmem_shared>> -> memref<128x64xf32, #tpu.memory_space<vmem_shared>>
        tpu.enqueue_dma source(%arg7 : memref<128x64xf32, #tpu.memory_space<vmem>>) target(%dma_start3A_376 : memref<128x64xf32, #tpu.memory_space<vmem_shared>>) target_semaphore(%run_scoped3A_373 : memref<!tpu.dma_semaphore, #tpu.memory_space<semaphore_mem>>)
        %dma_wait3A = arith.constant 0 : i32
        %dma_wait3A_377 = tpu.memref_slice %arg11[%add3A_366, %dma_wait3A] : memref<10112x64xf32, #tpu.memory_space<vmem_shared>> -> memref<128x64xf32, #tpu.memory_space<vmem_shared>>
        %dma_wait3A_378 = arith.constant 0 : i32
        %dma_wait3A_379 = tpu.memref_slice %arg11[%add3A_366, %dma_wait3A_378] : memref<10112x64xf32, #tpu.memory_space<vmem_shared>> -> memref<128x64xf32, #tpu.memory_space<vmem_shared>>
        tpu.wait_dma2 semaphore(%run_scoped3A_373 : memref<!tpu.dma_semaphore, #tpu.memory_space<semaphore_mem>>) src(%arg7 : memref<128x64xf32, #tpu.memory_space<vmem>>) dst(%dma_wait3A_379 : memref<128x64xf32, #tpu.memory_space<vmem_shared>>)
        tpu.yield
      }) : () -> ()
      %add3A_367 = arith.constant 256 : i32
      %add3A_368 = arith.addi %mul3A_255, %add3A_367 : i32
      "tpu.region"() ({
        %run_scoped3A_373 = tpu.sem_alloc : memref<!tpu.dma_semaphore, #tpu.memory_space<semaphore_mem>>
        %dma_start3A = arith.constant 0 : i32
        %dma_start3A_374 = tpu.memref_slice %arg2[%add3A_368, %dma_start3A] : memref<10000x128xf32, #tpu.memory_space<hbm>> -> memref<128x64xf32, #tpu.memory_space<hbm>>
        %dma_start3A_375 = arith.constant 0 : i32
        %dma_start3A_376 = tpu.memref_slice %arg2[%add3A_368, %dma_start3A_375] : memref<10000x128xf32, #tpu.memory_space<hbm>> -> memref<128x64xf32, #tpu.memory_space<hbm>>
        tpu.enqueue_dma source(%dma_start3A_376 : memref<128x64xf32, #tpu.memory_space<hbm>>) target(%arg7 : memref<128x64xf32, #tpu.memory_space<vmem>>) target_semaphore(%run_scoped3A_373 : memref<!tpu.dma_semaphore, #tpu.memory_space<semaphore_mem>>)
        %dma_wait3A = arith.constant 0 : i32
        %dma_wait3A_377 = tpu.memref_slice %arg2[%add3A_368, %dma_wait3A] : memref<10000x128xf32, #tpu.memory_space<hbm>> -> memref<128x64xf32, #tpu.memory_space<hbm>>
        %dma_wait3A_378 = arith.constant 0 : i32
        %dma_wait3A_379 = tpu.memref_slice %arg2[%add3A_368, %dma_wait3A_378] : memref<10000x128xf32, #tpu.memory_space<hbm>> -> memref<128x64xf32, #tpu.memory_space<hbm>>
        tpu.wait_dma2 semaphore(%run_scoped3A_373 : memref<!tpu.dma_semaphore, #tpu.memory_space<semaphore_mem>>) src(%dma_wait3A_379 : memref<128x64xf32, #tpu.memory_space<hbm>>) dst(%arg7 : memref<128x64xf32, #tpu.memory_space<vmem>>)
        tpu.yield
      }) : () -> ()
      "tpu.region"() ({
        %run_scoped3A_373 = tpu.sem_alloc : memref<!tpu.dma_semaphore, #tpu.memory_space<semaphore_mem>>
        %dma_start3A = arith.constant 0 : i32
        %dma_start3A_374 = tpu.memref_slice %arg11[%add3A_368, %dma_start3A] : memref<10112x64xf32, #tpu.memory_space<vmem_shared>> -> memref<128x64xf32, #tpu.memory_space<vmem_shared>>
        %dma_start3A_375 = arith.constant 0 : i32
        %dma_start3A_376 = tpu.memref_slice %arg11[%add3A_368, %dma_start3A_375] : memref<10112x64xf32, #tpu.memory_space<vmem_shared>> -> memref<128x64xf32, #tpu.memory_space<vmem_shared>>
        tpu.enqueue_dma source(%arg7 : memref<128x64xf32, #tpu.memory_space<vmem>>) target(%dma_start3A_376 : memref<128x64xf32, #tpu.memory_space<vmem_shared>>) target_semaphore(%run_scoped3A_373 : memref<!tpu.dma_semaphore, #tpu.memory_space<semaphore_mem>>)
        %dma_wait3A = arith.constant 0 : i32
        %dma_wait3A_377 = tpu.memref_slice %arg11[%add3A_368, %dma_wait3A] : memref<10112x64xf32, #tpu.memory_space<vmem_shared>> -> memref<128x64xf32, #tpu.memory_space<vmem_shared>>
        %dma_wait3A_378 = arith.constant 0 : i32
        %dma_wait3A_379 = tpu.memref_slice %arg11[%add3A_368, %dma_wait3A_378] : memref<10112x64xf32, #tpu.memory_space<vmem_shared>> -> memref<128x64xf32, #tpu.memory_space<vmem_shared>>
        tpu.wait_dma2 semaphore(%run_scoped3A_373 : memref<!tpu.dma_semaphore, #tpu.memory_space<semaphore_mem>>) src(%arg7 : memref<128x64xf32, #tpu.memory_space<vmem>>) dst(%dma_wait3A_379 : memref<128x64xf32, #tpu.memory_space<vmem_shared>>)
        tpu.yield
      }) : () -> ()
      %add3A_369 = arith.constant 384 : i32
      %add3A_370 = arith.addi %mul3A_255, %add3A_369 : i32
      "tpu.region"() ({
        %run_scoped3A_373 = tpu.sem_alloc : memref<!tpu.dma_semaphore, #tpu.memory_space<semaphore_mem>>
        %dma_start3A = arith.constant 0 : i32
        %dma_start3A_374 = tpu.memref_slice %arg2[%add3A_370, %dma_start3A] : memref<10000x128xf32, #tpu.memory_space<hbm>> -> memref<128x64xf32, #tpu.memory_space<hbm>>
        %dma_start3A_375 = arith.constant 0 : i32
        %dma_start3A_376 = tpu.memref_slice %arg2[%add3A_370, %dma_start3A_375] : memref<10000x128xf32, #tpu.memory_space<hbm>> -> memref<128x64xf32, #tpu.memory_space<hbm>>
        tpu.enqueue_dma source(%dma_start3A_376 : memref<128x64xf32, #tpu.memory_space<hbm>>) target(%arg7 : memref<128x64xf32, #tpu.memory_space<vmem>>) target_semaphore(%run_scoped3A_373 : memref<!tpu.dma_semaphore, #tpu.memory_space<semaphore_mem>>)
        %dma_wait3A = arith.constant 0 : i32
        %dma_wait3A_377 = tpu.memref_slice %arg2[%add3A_370, %dma_wait3A] : memref<10000x128xf32, #tpu.memory_space<hbm>> -> memref<128x64xf32, #tpu.memory_space<hbm>>
        %dma_wait3A_378 = arith.constant 0 : i32
        %dma_wait3A_379 = tpu.memref_slice %arg2[%add3A_370, %dma_wait3A_378] : memref<10000x128xf32, #tpu.memory_space<hbm>> -> memref<128x64xf32, #tpu.memory_space<hbm>>
        tpu.wait_dma2 semaphore(%run_scoped3A_373 : memref<!tpu.dma_semaphore, #tpu.memory_space<semaphore_mem>>) src(%dma_wait3A_379 : memref<128x64xf32, #tpu.memory_space<hbm>>) dst(%arg7 : memref<128x64xf32, #tpu.memory_space<vmem>>)
        tpu.yield
      }) : () -> ()
      "tpu.region"() ({
        %run_scoped3A_373 = tpu.sem_alloc : memref<!tpu.dma_semaphore, #tpu.memory_space<semaphore_mem>>
        %dma_start3A = arith.constant 0 : i32
        %dma_start3A_374 = tpu.memref_slice %arg11[%add3A_370, %dma_start3A] : memref<10112x64xf32, #tpu.memory_space<vmem_shared>> -> memref<128x64xf32, #tpu.memory_space<vmem_shared>>
        %dma_start3A_375 = arith.constant 0 : i32
        %dma_start3A_376 = tpu.memref_slice %arg11[%add3A_370, %dma_start3A_375] : memref<10112x64xf32, #tpu.memory_space<vmem_shared>> -> memref<128x64xf32, #tpu.memory_space<vmem_shared>>
        tpu.enqueue_dma source(%arg7 : memref<128x64xf32, #tpu.memory_space<vmem>>) target(%dma_start3A_376 : memref<128x64xf32, #tpu.memory_space<vmem_shared>>) target_semaphore(%run_scoped3A_373 : memref<!tpu.dma_semaphore, #tpu.memory_space<semaphore_mem>>)
        %dma_wait3A = arith.constant 0 : i32
        %dma_wait3A_377 = tpu.memref_slice %arg11[%add3A_370, %dma_wait3A] : memref<10112x64xf32, #tpu.memory_space<vmem_shared>> -> memref<128x64xf32, #tpu.memory_space<vmem_shared>>
        %dma_wait3A_378 = arith.constant 0 : i32
        %dma_wait3A_379 = tpu.memref_slice %arg11[%add3A_370, %dma_wait3A_378] : memref<10112x64xf32, #tpu.memory_space<vmem_shared>> -> memref<128x64xf32, #tpu.memory_space<vmem_shared>>
        tpu.wait_dma2 semaphore(%run_scoped3A_373 : memref<!tpu.dma_semaphore, #tpu.memory_space<semaphore_mem>>) src(%arg7 : memref<128x64xf32, #tpu.memory_space<vmem>>) dst(%dma_wait3A_379 : memref<128x64xf32, #tpu.memory_space<vmem_shared>>)
        tpu.yield
      }) : () -> ()
      %add3A_371 = arith.constant 512 : i32
      %add3A_372 = arith.addi %mul3A_255, %add3A_371 : i32
      "tpu.region"() ({
        %run_scoped3A_373 = tpu.sem_alloc : memref<!tpu.dma_semaphore, #tpu.memory_space<semaphore_mem>>
        %dma_start3A = arith.constant 0 : i32
        %dma_start3A_374 = arith.constant 0 : i32
        %dma_start3A_375 = tpu.memref_slice %arg7[%dma_start3A, %dma_start3A_374] : memref<128x64xf32, #tpu.memory_space<vmem>> -> memref<8x64xf32, #tpu.memory_space<vmem>>
        %dma_start3A_376 = arith.constant 0 : i32
        %dma_start3A_377 = tpu.memref_slice %arg2[%add3A_372, %dma_start3A_376] : memref<10000x128xf32, #tpu.memory_space<hbm>> -> memref<8x64xf32, #tpu.memory_space<hbm>>
        %dma_start3A_378 = arith.constant 0 : i32
        %dma_start3A_379 = arith.constant 0 : i32
        %dma_start3A_380 = tpu.memref_slice %arg7[%dma_start3A_378, %dma_start3A_379] : memref<128x64xf32, #tpu.memory_space<vmem>> -> memref<8x64xf32, #tpu.memory_space<vmem>>
        %dma_start3A_381 = arith.constant 0 : i32
        %dma_start3A_382 = tpu.memref_slice %arg2[%add3A_372, %dma_start3A_381] : memref<10000x128xf32, #tpu.memory_space<hbm>> -> memref<8x64xf32, #tpu.memory_space<hbm>>
        tpu.enqueue_dma source(%dma_start3A_382 : memref<8x64xf32, #tpu.memory_space<hbm>>) target(%dma_start3A_380 : memref<8x64xf32, #tpu.memory_space<vmem>>) target_semaphore(%run_scoped3A_373 : memref<!tpu.dma_semaphore, #tpu.memory_space<semaphore_mem>>)
        %dma_wait3A = arith.constant 0 : i32
        %dma_wait3A_383 = arith.constant 0 : i32
        %dma_wait3A_384 = tpu.memref_slice %arg7[%dma_wait3A, %dma_wait3A_383] : memref<128x64xf32, #tpu.memory_space<vmem>> -> memref<8x64xf32, #tpu.memory_space<vmem>>
        %dma_wait3A_385 = arith.constant 0 : i32
        %dma_wait3A_386 = tpu.memref_slice %arg2[%add3A_372, %dma_wait3A_385] : memref<10000x128xf32, #tpu.memory_space<hbm>> -> memref<8x64xf32, #tpu.memory_space<hbm>>
        %dma_wait3A_387 = arith.constant 0 : i32
        %dma_wait3A_388 = arith.constant 0 : i32
        %dma_wait3A_389 = tpu.memref_slice %arg7[%dma_wait3A_387, %dma_wait3A_388] : memref<128x64xf32, #tpu.memory_space<vmem>> -> memref<8x64xf32, #tpu.memory_space<vmem>>
        %dma_wait3A_390 = arith.constant 0 : i32
        %dma_wait3A_391 = tpu.memref_slice %arg2[%add3A_372, %dma_wait3A_390] : memref<10000x128xf32, #tpu.memory_space<hbm>> -> memref<8x64xf32, #tpu.memory_space<hbm>>
        tpu.wait_dma2 semaphore(%run_scoped3A_373 : memref<!tpu.dma_semaphore, #tpu.memory_space<semaphore_mem>>) src(%dma_wait3A_391 : memref<8x64xf32, #tpu.memory_space<hbm>>) dst(%dma_wait3A_389 : memref<8x64xf32, #tpu.memory_space<vmem>>)
        tpu.yield
      }) : () -> ()
      "tpu.region"() ({
        %run_scoped3A_373 = tpu.sem_alloc : memref<!tpu.dma_semaphore, #tpu.memory_space<semaphore_mem>>
        %dma_start3A = arith.constant 0 : i32
        %dma_start3A_374 = arith.constant 0 : i32
        %dma_start3A_375 = tpu.memref_slice %arg7[%dma_start3A, %dma_start3A_374] : memref<128x64xf32, #tpu.memory_space<vmem>> -> memref<8x64xf32, #tpu.memory_space<vmem>>
        %dma_start3A_376 = arith.constant 0 : i32
        %dma_start3A_377 = tpu.memref_slice %arg11[%add3A_372, %dma_start3A_376] : memref<10112x64xf32, #tpu.memory_space<vmem_shared>> -> memref<8x64xf32, #tpu.memory_space<vmem_shared>>
        %dma_start3A_378 = arith.constant 0 : i32
        %dma_start3A_379 = tpu.memref_slice %arg11[%add3A_372, %dma_start3A_378] : memref<10112x64xf32, #tpu.memory_space<vmem_shared>> -> memref<8x64xf32, #tpu.memory_space<vmem_shared>>
        %dma_start3A_380 = arith.constant 0 : i32
        %dma_start3A_381 = arith.constant 0 : i32
        %dma_start3A_382 = tpu.memref_slice %arg7[%dma_start3A_380, %dma_start3A_381] : memref<128x64xf32, #tpu.memory_space<vmem>> -> memref<8x64xf32, #tpu.memory_space<vmem>>
        tpu.enqueue_dma source(%dma_start3A_382 : memref<8x64xf32, #tpu.memory_space<vmem>>) target(%dma_start3A_379 : memref<8x64xf32, #tpu.memory_space<vmem_shared>>) target_semaphore(%run_scoped3A_373 : memref<!tpu.dma_semaphore, #tpu.memory_space<semaphore_mem>>)
        %dma_wait3A = arith.constant 0 : i32
        %dma_wait3A_383 = arith.constant 0 : i32
        %dma_wait3A_384 = tpu.memref_slice %arg7[%dma_wait3A, %dma_wait3A_383] : memref<128x64xf32, #tpu.memory_space<vmem>> -> memref<8x64xf32, #tpu.memory_space<vmem>>
        %dma_wait3A_385 = arith.constant 0 : i32
        %dma_wait3A_386 = tpu.memref_slice %arg11[%add3A_372, %dma_wait3A_385] : memref<10112x64xf32, #tpu.memory_space<vmem_shared>> -> memref<8x64xf32, #tpu.memory_space<vmem_shared>>
        %dma_wait3A_387 = arith.constant 0 : i32
        %dma_wait3A_388 = tpu.memref_slice %arg11[%add3A_372, %dma_wait3A_387] : memref<10112x64xf32, #tpu.memory_space<vmem_shared>> -> memref<8x64xf32, #tpu.memory_space<vmem_shared>>
        %dma_wait3A_389 = arith.constant 0 : i32
        %dma_wait3A_390 = arith.constant 0 : i32
        %dma_wait3A_391 = tpu.memref_slice %arg7[%dma_wait3A_389, %dma_wait3A_390] : memref<128x64xf32, #tpu.memory_space<vmem>> -> memref<8x64xf32, #tpu.memory_space<vmem>>
        tpu.wait_dma2 semaphore(%run_scoped3A_373 : memref<!tpu.dma_semaphore, #tpu.memory_space<semaphore_mem>>) src(%dma_wait3A_391 : memref<8x64xf32, #tpu.memory_space<vmem>>) dst(%dma_wait3A_388 : memref<8x64xf32, #tpu.memory_space<vmem_shared>>)
        tpu.yield
      }) : () -> ()
    } else {
    }
    %barrier3A = arith.constant 0 : index
    tpu.barrier barrier_id(%barrier3A)
    %scan3A_279 = arith.constant 0 : i32
    %scan3A_280 = arith.constant 0 : i32
    %scan3A_281 = arith.constant 27 : i32
    %scan3A_282 = arith.addi %scan3A_280, %scan3A_281 : i32
    %scan3A_283 = arith.constant 1 : i32
    %scan3A_284 = scf.for %scan3A_363 = %scan3A_280 to %scan3A_282 step %scan3A_283 iter_args(%scan3A_364 = %scan3A_279) -> (i32)  : i32 {
      %mul3A_365 = arith.constant 3 : i32
      %mul3A_366 = arith.muli %scan3A_363, %mul3A_365 : i32
      %add3A_367 = arith.constant 0 : i32
      %add3A_368 = arith.addi %mul3A_366, %add3A_367 : i32
      %mul3A_369 = arith.constant 128 : i32
      %mul3A_370 = arith.muli %add3A_368, %mul3A_369 : i32
      %dma_start3A = tpu.memref_slice %arg5[%mul3A_370] : memref<10368xi32, #tpu.memory_space<vmem>> -> memref<128xi32, #tpu.memory_space<vmem>>
      %dma_start3A_371 = arith.constant 0 : i32
      %dma_start3A_372 = arith.constant 0 : i32
      %dma_start3A_373 = tpu.memref_slice %arg11[%dma_start3A_371, %dma_start3A_372] : memref<10112x64xf32, #tpu.memory_space<vmem_shared>> -> memref<10112x64xf32, #tpu.memory_space<vmem_shared>>
      tpu.enqueue_indirect_dma source(%dma_start3A_373 : memref<10112x64xf32, #tpu.memory_space<vmem_shared>>) target(%arg7 : memref<128x64xf32, #tpu.memory_space<vmem>>) offsets(%dma_start3A : memref<128xi32, #tpu.memory_space<vmem>>) semaphore(%arg12 : memref<!tpu.dma_semaphore, #tpu.memory_space<semaphore_mem>>)
      %add3A_374 = arith.constant 1 : i32
      %add3A_375 = arith.addi %mul3A_366, %add3A_374 : i32
      %mul3A_376 = arith.constant 128 : i32
      %mul3A_377 = arith.muli %add3A_375, %mul3A_376 : i32
      %dma_start3A_378 = tpu.memref_slice %arg5[%mul3A_377] : memref<10368xi32, #tpu.memory_space<vmem>> -> memref<128xi32, #tpu.memory_space<vmem>>
      %dma_start3A_379 = arith.constant 0 : i32
      %dma_start3A_380 = arith.constant 0 : i32
      %dma_start3A_381 = tpu.memref_slice %arg11[%dma_start3A_379, %dma_start3A_380] : memref<10112x64xf32, #tpu.memory_space<vmem_shared>> -> memref<10112x64xf32, #tpu.memory_space<vmem_shared>>
      tpu.enqueue_indirect_dma source(%dma_start3A_381 : memref<10112x64xf32, #tpu.memory_space<vmem_shared>>) target(%arg8 : memref<128x64xf32, #tpu.memory_space<vmem>>) offsets(%dma_start3A_378 : memref<128xi32, #tpu.memory_space<vmem>>) semaphore(%arg12 : memref<!tpu.dma_semaphore, #tpu.memory_space<semaphore_mem>>)
      %add3A_382 = arith.constant 2 : i32
      %add3A_383 = arith.addi %mul3A_366, %add3A_382 : i32
      %mul3A_384 = arith.constant 128 : i32
      %mul3A_385 = arith.muli %add3A_383, %mul3A_384 : i32
      %dma_start3A_386 = tpu.memref_slice %arg5[%mul3A_385] : memref<10368xi32, #tpu.memory_space<vmem>> -> memref<128xi32, #tpu.memory_space<vmem>>
      %dma_start3A_387 = arith.constant 0 : i32
      %dma_start3A_388 = arith.constant 0 : i32
      %dma_start3A_389 = tpu.memref_slice %arg11[%dma_start3A_387, %dma_start3A_388] : memref<10112x64xf32, #tpu.memory_space<vmem_shared>> -> memref<10112x64xf32, #tpu.memory_space<vmem_shared>>
      tpu.enqueue_indirect_dma source(%dma_start3A_389 : memref<10112x64xf32, #tpu.memory_space<vmem_shared>>) target(%arg9 : memref<128x64xf32, #tpu.memory_space<vmem>>) offsets(%dma_start3A_386 : memref<128xi32, #tpu.memory_space<vmem>>) semaphore(%arg12 : memref<!tpu.dma_semaphore, #tpu.memory_space<semaphore_mem>>)
      %dma_wait3A = tpu.memref_slice %arg5[%mul3A_370] : memref<10368xi32, #tpu.memory_space<vmem>> -> memref<128xi32, #tpu.memory_space<vmem>>
      %dma_wait3A_390 = arith.constant 0 : i32
      %dma_wait3A_391 = arith.constant 0 : i32
      %dma_wait3A_392 = tpu.memref_slice %arg11[%dma_wait3A_390, %dma_wait3A_391] : memref<10112x64xf32, #tpu.memory_space<vmem_shared>> -> memref<10112x64xf32, #tpu.memory_space<vmem_shared>>
      tpu.wait_indirect_dma semaphore(%arg12 : memref<!tpu.dma_semaphore, #tpu.memory_space<semaphore_mem>>) src(%dma_wait3A_392 : memref<10112x64xf32, #tpu.memory_space<vmem_shared>>) dst(%arg7 : memref<128x64xf32, #tpu.memory_space<vmem>>)
      %dma_wait3A_393 = tpu.memref_slice %arg5[%mul3A_377] : memref<10368xi32, #tpu.memory_space<vmem>> -> memref<128xi32, #tpu.memory_space<vmem>>
      %dma_wait3A_394 = arith.constant 0 : i32
      %dma_wait3A_395 = arith.constant 0 : i32
      %dma_wait3A_396 = tpu.memref_slice %arg11[%dma_wait3A_394, %dma_wait3A_395] : memref<10112x64xf32, #tpu.memory_space<vmem_shared>> -> memref<10112x64xf32, #tpu.memory_space<vmem_shared>>
      tpu.wait_indirect_dma semaphore(%arg12 : memref<!tpu.dma_semaphore, #tpu.memory_space<semaphore_mem>>) src(%dma_wait3A_396 : memref<10112x64xf32, #tpu.memory_space<vmem_shared>>) dst(%arg8 : memref<128x64xf32, #tpu.memory_space<vmem>>)
      %dma_wait3A_397 = tpu.memref_slice %arg5[%mul3A_385] : memref<10368xi32, #tpu.memory_space<vmem>> -> memref<128xi32, #tpu.memory_space<vmem>>
      %dma_wait3A_398 = arith.constant 0 : i32
      %dma_wait3A_399 = arith.constant 0 : i32
      %dma_wait3A_400 = tpu.memref_slice %arg11[%dma_wait3A_398, %dma_wait3A_399] : memref<10112x64xf32, #tpu.memory_space<vmem_shared>> -> memref<10112x64xf32, #tpu.memory_space<vmem_shared>>
      tpu.wait_indirect_dma semaphore(%arg12 : memref<!tpu.dma_semaphore, #tpu.memory_space<semaphore_mem>>) src(%dma_wait3A_400 : memref<10112x64xf32, #tpu.memory_space<vmem_shared>>) dst(%arg9 : memref<128x64xf32, #tpu.memory_space<vmem>>)
      %add3A_401 = arith.constant 0 : i32
      %add3A_402 = arith.addi %mul3A_366, %add3A_401 : i32
      %dma_start3A_403 = arith.constant 0 : i32
      %dma_start3A_404 = tpu.memref_slice %arg6[%add3A_402, %dma_start3A_403] : memref<81x128xi32, #tpu.memory_space<vmem>> -> memref<1x128xi32, #tpu.memory_space<vmem>>
      %dma_start3A_405 = tpu.memref_squeeze %dma_start3A_404 : memref<1x128xi32, #tpu.memory_space<vmem>> -> memref<128xi32, #tpu.memory_space<vmem>>
      %dma_start3A_406 = arith.constant 0 : i32
      %dma_start3A_407 = arith.constant 0 : i32
      %dma_start3A_408 = tpu.memref_slice %arg10[%dma_start3A_406, %dma_start3A_407] : memref<10112x64xf32, #tpu.memory_space<vmem_shared>> -> memref<10112x64xf32, #tpu.memory_space<vmem_shared>>
      tpu.enqueue_indirect_dma source(%arg7 : memref<128x64xf32, #tpu.memory_space<vmem>>) target(%dma_start3A_408 : memref<10112x64xf32, #tpu.memory_space<vmem_shared>>) offsets(%dma_start3A_405 : memref<128xi32, #tpu.memory_space<vmem>>) semaphore(%arg13 : memref<!tpu.dma_semaphore, #tpu.memory_space<semaphore_mem>>) {add = true}
      %add3A_409 = arith.constant 1 : i32
      %add3A_410 = arith.addi %mul3A_366, %add3A_409 : i32
      %dma_start3A_411 = arith.constant 0 : i32
      %dma_start3A_412 = tpu.memref_slice %arg6[%add3A_410, %dma_start3A_411] : memref<81x128xi32, #tpu.memory_space<vmem>> -> memref<1x128xi32, #tpu.memory_space<vmem>>
      %dma_start3A_413 = tpu.memref_squeeze %dma_start3A_412 : memref<1x128xi32, #tpu.memory_space<vmem>> -> memref<128xi32, #tpu.memory_space<vmem>>
      %dma_start3A_414 = arith.constant 0 : i32
      %dma_start3A_415 = arith.constant 0 : i32
      %dma_start3A_416 = tpu.memref_slice %arg10[%dma_start3A_414, %dma_start3A_415] : memref<10112x64xf32, #tpu.memory_space<vmem_shared>> -> memref<10112x64xf32, #tpu.memory_space<vmem_shared>>
      tpu.enqueue_indirect_dma source(%arg8 : memref<128x64xf32, #tpu.memory_space<vmem>>) target(%dma_start3A_416 : memref<10112x64xf32, #tpu.memory_space<vmem_shared>>) offsets(%dma_start3A_413 : memref<128xi32, #tpu.memory_space<vmem>>) semaphore(%arg13 : memref<!tpu.dma_semaphore, #tpu.memory_space<semaphore_mem>>) {add = true}
      %add3A_417 = arith.constant 2 : i32
      %add3A_418 = arith.addi %mul3A_366, %add3A_417 : i32
      %dma_start3A_419 = arith.constant 0 : i32
      %dma_start3A_420 = tpu.memref_slice %arg6[%add3A_418, %dma_start3A_419] : memref<81x128xi32, #tpu.memory_space<vmem>> -> memref<1x128xi32, #tpu.memory_space<vmem>>
      %dma_start3A_421 = tpu.memref_squeeze %dma_start3A_420 : memref<1x128xi32, #tpu.memory_space<vmem>> -> memref<128xi32, #tpu.memory_space<vmem>>
      %dma_start3A_422 = arith.constant 0 : i32
      %dma_start3A_423 = arith.constant 0 : i32
      %dma_start3A_424 = tpu.memref_slice %arg10[%dma_start3A_422, %dma_start3A_423] : memref<10112x64xf32, #tpu.memory_space<vmem_shared>> -> memref<10112x64xf32, #tpu.memory_space<vmem_shared>>
      tpu.enqueue_indirect_dma source(%arg9 : memref<128x64xf32, #tpu.memory_space<vmem>>) target(%dma_start3A_424 : memref<10112x64xf32, #tpu.memory_space<vmem_shared>>) offsets(%dma_start3A_421 : memref<128xi32, #tpu.memory_space<vmem>>) semaphore(%arg13 : memref<!tpu.dma_semaphore, #tpu.memory_space<semaphore_mem>>) {add = true}
      %dma_wait3A_425 = arith.constant 0 : i32
      %dma_wait3A_426 = tpu.memref_slice %arg6[%add3A_402, %dma_wait3A_425] : memref<81x128xi32, #tpu.memory_space<vmem>> -> memref<1x128xi32, #tpu.memory_space<vmem>>
      %dma_wait3A_427 = tpu.memref_squeeze %dma_wait3A_426 : memref<1x128xi32, #tpu.memory_space<vmem>> -> memref<128xi32, #tpu.memory_space<vmem>>
      %dma_wait3A_428 = arith.constant 0 : i32
      %dma_wait3A_429 = arith.constant 0 : i32
      %dma_wait3A_430 = tpu.memref_slice %arg10[%dma_wait3A_428, %dma_wait3A_429] : memref<10112x64xf32, #tpu.memory_space<vmem_shared>> -> memref<10112x64xf32, #tpu.memory_space<vmem_shared>>
      tpu.wait_indirect_dma semaphore(%arg13 : memref<!tpu.dma_semaphore, #tpu.memory_space<semaphore_mem>>) src(%arg7 : memref<128x64xf32, #tpu.memory_space<vmem>>) dst(%dma_wait3A_430 : memref<10112x64xf32, #tpu.memory_space<vmem_shared>>)
      %dma_wait3A_431 = arith.constant 0 : i32
      %dma_wait3A_432 = tpu.memref_slice %arg6[%add3A_410, %dma_wait3A_431] : memref<81x128xi32, #tpu.memory_space<vmem>> -> memref<1x128xi32, #tpu.memory_space<vmem>>
      %dma_wait3A_433 = tpu.memref_squeeze %dma_wait3A_432 : memref<1x128xi32, #tpu.memory_space<vmem>> -> memref<128xi32, #tpu.memory_space<vmem>>
      %dma_wait3A_434 = arith.constant 0 : i32
      %dma_wait3A_435 = arith.constant 0 : i32
      %dma_wait3A_436 = tpu.memref_slice %arg10[%dma_wait3A_434, %dma_wait3A_435] : memref<10112x64xf32, #tpu.memory_space<vmem_shared>> -> memref<10112x64xf32, #tpu.memory_space<vmem_shared>>
      tpu.wait_indirect_dma semaphore(%arg13 : memref<!tpu.dma_semaphore, #tpu.memory_space<semaphore_mem>>) src(%arg8 : memref<128x64xf32, #tpu.memory_space<vmem>>) dst(%dma_wait3A_436 : memref<10112x64xf32, #tpu.memory_space<vmem_shared>>)
      %dma_wait3A_437 = arith.constant 0 : i32
      %dma_wait3A_438 = tpu.memref_slice %arg6[%add3A_418, %dma_wait3A_437] : memref<81x128xi32, #tpu.memory_space<vmem>> -> memref<1x128xi32, #tpu.memory_space<vmem>>
      %dma_wait3A_439 = tpu.memref_squeeze %dma_wait3A_438 : memref<1x128xi32, #tpu.memory_space<vmem>> -> memref<128xi32, #tpu.memory_space<vmem>>
      %dma_wait3A_440 = arith.constant 0 : i32
      %dma_wait3A_441 = arith.constant 0 : i32
      %dma_wait3A_442 = tpu.memref_slice %arg10[%dma_wait3A_440, %dma_wait3A_441] : memref<10112x64xf32, #tpu.memory_space<vmem_shared>> -> memref<10112x64xf32, #tpu.memory_space<vmem_shared>>
      tpu.wait_indirect_dma semaphore(%arg13 : memref<!tpu.dma_semaphore, #tpu.memory_space<semaphore_mem>>) src(%arg9 : memref<128x64xf32, #tpu.memory_space<vmem>>) dst(%dma_wait3A_442 : memref<10112x64xf32, #tpu.memory_space<vmem_shared>>)
      %scan3A_443 = arith.constant 0 : i32
      scf.yield %scan3A_443 : i32
    }
    %scan3A_285 = arith.constant 27 : i32
    %barrier3A_286 = arith.constant 0 : index
    tpu.barrier barrier_id(%barrier3A_286)
    %add3A_287 = arith.constant 0 : i32
    %add3A_288 = arith.addi %mul3A_255, %add3A_287 : i32
    "tpu.region"() ({
      %run_scoped3A_363 = tpu.sem_alloc : memref<!tpu.dma_semaphore, #tpu.memory_space<semaphore_mem>>
      %dma_start3A = arith.constant 0 : i32
      %dma_start3A_364 = tpu.memref_slice %arg10[%add3A_288, %dma_start3A] : memref<10112x64xf32, #tpu.memory_space<vmem_shared>> -> memref<128x64xf32, #tpu.memory_space<vmem_shared>>
      %dma_start3A_365 = arith.constant 0 : i32
      %dma_start3A_366 = tpu.memref_slice %arg10[%add3A_288, %dma_start3A_365] : memref<10112x64xf32, #tpu.memory_space<vmem_shared>> -> memref<128x64xf32, #tpu.memory_space<vmem_shared>>
      tpu.enqueue_dma source(%dma_start3A_366 : memref<128x64xf32, #tpu.memory_space<vmem_shared>>) target(%arg7 : memref<128x64xf32, #tpu.memory_space<vmem>>) target_semaphore(%run_scoped3A_363 : memref<!tpu.dma_semaphore, #tpu.memory_space<semaphore_mem>>)
      %dma_wait3A = arith.constant 0 : i32
      %dma_wait3A_367 = tpu.memref_slice %arg10[%add3A_288, %dma_wait3A] : memref<10112x64xf32, #tpu.memory_space<vmem_shared>> -> memref<128x64xf32, #tpu.memory_space<vmem_shared>>
      %dma_wait3A_368 = arith.constant 0 : i32
      %dma_wait3A_369 = tpu.memref_slice %arg10[%add3A_288, %dma_wait3A_368] : memref<10112x64xf32, #tpu.memory_space<vmem_shared>> -> memref<128x64xf32, #tpu.memory_space<vmem_shared>>
      tpu.wait_dma2 semaphore(%run_scoped3A_363 : memref<!tpu.dma_semaphore, #tpu.memory_space<semaphore_mem>>) src(%dma_wait3A_369 : memref<128x64xf32, #tpu.memory_space<vmem_shared>>) dst(%arg7 : memref<128x64xf32, #tpu.memory_space<vmem>>)
      tpu.yield
    }) : () -> ()
    %add3A_289 = arith.constant 0 : i32
    %add3A_290 = arith.addi %mul3A_255, %add3A_289 : i32
    "tpu.region"() ({
      %run_scoped3A_363 = tpu.sem_alloc : memref<!tpu.dma_semaphore, #tpu.memory_space<semaphore_mem>>
      %dma_start3A = arith.constant 0 : i32
      %dma_start3A_364 = tpu.memref_slice %arg4[%arg0, %add3A_290, %dma_start3A] : memref<2x10112x128xf32, #tpu.memory_space<hbm>> -> memref<1x128x64xf32, #tpu.memory_space<hbm>>
      %dma_start3A_365 = tpu.memref_squeeze %dma_start3A_364 : memref<1x128x64xf32, #tpu.memory_space<hbm>> -> memref<128x64xf32, #tpu.memory_space<hbm>>
      %dma_start3A_366 = arith.constant 0 : i32
      %dma_start3A_367 = tpu.memref_slice %arg4[%arg0, %add3A_290, %dma_start3A_366] : memref<2x10112x128xf32, #tpu.memory_space<hbm>> -> memref<1x128x64xf32, #tpu.memory_space<hbm>>
      %dma_start3A_368 = tpu.memref_squeeze %dma_start3A_367 : memref<1x128x64xf32, #tpu.memory_space<hbm>> -> memref<128x64xf32, #tpu.memory_space<hbm>>
      tpu.enqueue_dma source(%arg7 : memref<128x64xf32, #tpu.memory_space<vmem>>) target(%dma_start3A_368 : memref<128x64xf32, #tpu.memory_space<hbm>>) target_semaphore(%run_scoped3A_363 : memref<!tpu.dma_semaphore, #tpu.memory_space<semaphore_mem>>)
      %dma_wait3A = arith.constant 0 : i32
      %dma_wait3A_369 = tpu.memref_slice %arg4[%arg0, %add3A_290, %dma_wait3A] : memref<2x10112x128xf32, #tpu.memory_space<hbm>> -> memref<1x128x64xf32, #tpu.memory_space<hbm>>
      %dma_wait3A_370 = tpu.memref_squeeze %dma_wait3A_369 : memref<1x128x64xf32, #tpu.memory_space<hbm>> -> memref<128x64xf32, #tpu.memory_space<hbm>>
      %dma_wait3A_371 = arith.constant 0 : i32
      %dma_wait3A_372 = tpu.memref_slice %arg4[%arg0, %add3A_290, %dma_wait3A_371] : memref<2x10112x128xf32, #tpu.memory_space<hbm>> -> memref<1x128x64xf32, #tpu.memory_space<hbm>>
      %dma_wait3A_373 = tpu.memref_squeeze %dma_wait3A_372 : memref<1x128x64xf32, #tpu.memory_space<hbm>> -> memref<128x64xf32, #tpu.memory_space<hbm>>
      tpu.wait_dma2 semaphore(%run_scoped3A_363 : memref<!tpu.dma_semaphore, #tpu.memory_space<semaphore_mem>>) src(%arg7 : memref<128x64xf32, #tpu.memory_space<vmem>>) dst(%dma_wait3A_373 : memref<128x64xf32, #tpu.memory_space<hbm>>)
      tpu.yield
    }) : () -> ()
    %add3A_291 = arith.constant 128 : i32
    %add3A_292 = arith.addi %mul3A_255, %add3A_291 : i32
    "tpu.region"() ({
      %run_scoped3A_363 = tpu.sem_alloc : memref<!tpu.dma_semaphore, #tpu.memory_space<semaphore_mem>>
      %dma_start3A = arith.constant 0 : i32
      %dma_start3A_364 = tpu.memref_slice %arg10[%add3A_292, %dma_start3A] : memref<10112x64xf32, #tpu.memory_space<vmem_shared>> -> memref<128x64xf32, #tpu.memory_space<vmem_shared>>
      %dma_start3A_365 = arith.constant 0 : i32
      %dma_start3A_366 = tpu.memref_slice %arg10[%add3A_292, %dma_start3A_365] : memref<10112x64xf32, #tpu.memory_space<vmem_shared>> -> memref<128x64xf32, #tpu.memory_space<vmem_shared>>
      tpu.enqueue_dma source(%dma_start3A_366 : memref<128x64xf32, #tpu.memory_space<vmem_shared>>) target(%arg7 : memref<128x64xf32, #tpu.memory_space<vmem>>) target_semaphore(%run_scoped3A_363 : memref<!tpu.dma_semaphore, #tpu.memory_space<semaphore_mem>>)
      %dma_wait3A = arith.constant 0 : i32
      %dma_wait3A_367 = tpu.memref_slice %arg10[%add3A_292, %dma_wait3A] : memref<10112x64xf32, #tpu.memory_space<vmem_shared>> -> memref<128x64xf32, #tpu.memory_space<vmem_shared>>
      %dma_wait3A_368 = arith.constant 0 : i32
      %dma_wait3A_369 = tpu.memref_slice %arg10[%add3A_292, %dma_wait3A_368] : memref<10112x64xf32, #tpu.memory_space<vmem_shared>> -> memref<128x64xf32, #tpu.memory_space<vmem_shared>>
      tpu.wait_dma2 semaphore(%run_scoped3A_363 : memref<!tpu.dma_semaphore, #tpu.memory_space<semaphore_mem>>) src(%dma_wait3A_369 : memref<128x64xf32, #tpu.memory_space<vmem_shared>>) dst(%arg7 : memref<128x64xf32, #tpu.memory_space<vmem>>)
      tpu.yield
    }) : () -> ()
    %add3A_293 = arith.constant 128 : i32
    %add3A_294 = arith.addi %mul3A_255, %add3A_293 : i32
    "tpu.region"() ({
      %run_scoped3A_363 = tpu.sem_alloc : memref<!tpu.dma_semaphore, #tpu.memory_space<semaphore_mem>>
      %dma_start3A = arith.constant 0 : i32
      %dma_start3A_364 = tpu.memref_slice %arg4[%arg0, %add3A_294, %dma_start3A] : memref<2x10112x128xf32, #tpu.memory_space<hbm>> -> memref<1x128x64xf32, #tpu.memory_space<hbm>>
      %dma_start3A_365 = tpu.memref_squeeze %dma_start3A_364 : memref<1x128x64xf32, #tpu.memory_space<hbm>> -> memref<128x64xf32, #tpu.memory_space<hbm>>
      %dma_start3A_366 = arith.constant 0 : i32
      %dma_start3A_367 = tpu.memref_slice %arg4[%arg0, %add3A_294, %dma_start3A_366] : memref<2x10112x128xf32, #tpu.memory_space<hbm>> -> memref<1x128x64xf32, #tpu.memory_space<hbm>>
      %dma_start3A_368 = tpu.memref_squeeze %dma_start3A_367 : memref<1x128x64xf32, #tpu.memory_space<hbm>> -> memref<128x64xf32, #tpu.memory_space<hbm>>
      tpu.enqueue_dma source(%arg7 : memref<128x64xf32, #tpu.memory_space<vmem>>) target(%dma_start3A_368 : memref<128x64xf32, #tpu.memory_space<hbm>>) target_semaphore(%run_scoped3A_363 : memref<!tpu.dma_semaphore, #tpu.memory_space<semaphore_mem>>)
      %dma_wait3A = arith.constant 0 : i32
      %dma_wait3A_369 = tpu.memref_slice %arg4[%arg0, %add3A_294, %dma_wait3A] : memref<2x10112x128xf32, #tpu.memory_space<hbm>> -> memref<1x128x64xf32, #tpu.memory_space<hbm>>
      %dma_wait3A_370 = tpu.memref_squeeze %dma_wait3A_369 : memref<1x128x64xf32, #tpu.memory_space<hbm>> -> memref<128x64xf32, #tpu.memory_space<hbm>>
      %dma_wait3A_371 = arith.constant 0 : i32
      %dma_wait3A_372 = tpu.memref_slice %arg4[%arg0, %add3A_294, %dma_wait3A_371] : memref<2x10112x128xf32, #tpu.memory_space<hbm>> -> memref<1x128x64xf32, #tpu.memory_space<hbm>>
      %dma_wait3A_373 = tpu.memref_squeeze %dma_wait3A_372 : memref<1x128x64xf32, #tpu.memory_space<hbm>> -> memref<128x64xf32, #tpu.memory_space<hbm>>
      tpu.wait_dma2 semaphore(%run_scoped3A_363 : memref<!tpu.dma_semaphore, #tpu.memory_space<semaphore_mem>>) src(%arg7 : memref<128x64xf32, #tpu.memory_space<vmem>>) dst(%dma_wait3A_373 : memref<128x64xf32, #tpu.memory_space<hbm>>)
      tpu.yield
    }) : () -> ()
    %add3A_295 = arith.constant 256 : i32
    %add3A_296 = arith.addi %mul3A_255, %add3A_295 : i32
    "tpu.region"() ({
      %run_scoped3A_363 = tpu.sem_alloc : memref<!tpu.dma_semaphore, #tpu.memory_space<semaphore_mem>>
      %dma_start3A = arith.constant 0 : i32
      %dma_start3A_364 = tpu.memref_slice %arg10[%add3A_296, %dma_start3A] : memref<10112x64xf32, #tpu.memory_space<vmem_shared>> -> memref<128x64xf32, #tpu.memory_space<vmem_shared>>
      %dma_start3A_365 = arith.constant 0 : i32
      %dma_start3A_366 = tpu.memref_slice %arg10[%add3A_296, %dma_start3A_365] : memref<10112x64xf32, #tpu.memory_space<vmem_shared>> -> memref<128x64xf32, #tpu.memory_space<vmem_shared>>
      tpu.enqueue_dma source(%dma_start3A_366 : memref<128x64xf32, #tpu.memory_space<vmem_shared>>) target(%arg7 : memref<128x64xf32, #tpu.memory_space<vmem>>) target_semaphore(%run_scoped3A_363 : memref<!tpu.dma_semaphore, #tpu.memory_space<semaphore_mem>>)
      %dma_wait3A = arith.constant 0 : i32
      %dma_wait3A_367 = tpu.memref_slice %arg10[%add3A_296, %dma_wait3A] : memref<10112x64xf32, #tpu.memory_space<vmem_shared>> -> memref<128x64xf32, #tpu.memory_space<vmem_shared>>
      %dma_wait3A_368 = arith.constant 0 : i32
      %dma_wait3A_369 = tpu.memref_slice %arg10[%add3A_296, %dma_wait3A_368] : memref<10112x64xf32, #tpu.memory_space<vmem_shared>> -> memref<128x64xf32, #tpu.memory_space<vmem_shared>>
      tpu.wait_dma2 semaphore(%run_scoped3A_363 : memref<!tpu.dma_semaphore, #tpu.memory_space<semaphore_mem>>) src(%dma_wait3A_369 : memref<128x64xf32, #tpu.memory_space<vmem_shared>>) dst(%arg7 : memref<128x64xf32, #tpu.memory_space<vmem>>)
      tpu.yield
    }) : () -> ()
    %add3A_297 = arith.constant 256 : i32
    %add3A_298 = arith.addi %mul3A_255, %add3A_297 : i32
    "tpu.region"() ({
      %run_scoped3A_363 = tpu.sem_alloc : memref<!tpu.dma_semaphore, #tpu.memory_space<semaphore_mem>>
      %dma_start3A = arith.constant 0 : i32
      %dma_start3A_364 = tpu.memref_slice %arg4[%arg0, %add3A_298, %dma_start3A] : memref<2x10112x128xf32, #tpu.memory_space<hbm>> -> memref<1x128x64xf32, #tpu.memory_space<hbm>>
      %dma_start3A_365 = tpu.memref_squeeze %dma_start3A_364 : memref<1x128x64xf32, #tpu.memory_space<hbm>> -> memref<128x64xf32, #tpu.memory_space<hbm>>
      %dma_start3A_366 = arith.constant 0 : i32
      %dma_start3A_367 = tpu.memref_slice %arg4[%arg0, %add3A_298, %dma_start3A_366] : memref<2x10112x128xf32, #tpu.memory_space<hbm>> -> memref<1x128x64xf32, #tpu.memory_space<hbm>>
      %dma_start3A_368 = tpu.memref_squeeze %dma_start3A_367 : memref<1x128x64xf32, #tpu.memory_space<hbm>> -> memref<128x64xf32, #tpu.memory_space<hbm>>
      tpu.enqueue_dma source(%arg7 : memref<128x64xf32, #tpu.memory_space<vmem>>) target(%dma_start3A_368 : memref<128x64xf32, #tpu.memory_space<hbm>>) target_semaphore(%run_scoped3A_363 : memref<!tpu.dma_semaphore, #tpu.memory_space<semaphore_mem>>)
      %dma_wait3A = arith.constant 0 : i32
      %dma_wait3A_369 = tpu.memref_slice %arg4[%arg0, %add3A_298, %dma_wait3A] : memref<2x10112x128xf32, #tpu.memory_space<hbm>> -> memref<1x128x64xf32, #tpu.memory_space<hbm>>
      %dma_wait3A_370 = tpu.memref_squeeze %dma_wait3A_369 : memref<1x128x64xf32, #tpu.memory_space<hbm>> -> memref<128x64xf32, #tpu.memory_space<hbm>>
      %dma_wait3A_371 = arith.constant 0 : i32
      %dma_wait3A_372 = tpu.memref_slice %arg4[%arg0, %add3A_298, %dma_wait3A_371] : memref<2x10112x128xf32, #tpu.memory_space<hbm>> -> memref<1x128x64xf32, #tpu.memory_space<hbm>>
      %dma_wait3A_373 = tpu.memref_squeeze %dma_wait3A_372 : memref<1x128x64xf32, #tpu.memory_space<hbm>> -> memref<128x64xf32, #tpu.memory_space<hbm>>
      tpu.wait_dma2 semaphore(%run_scoped3A_363 : memref<!tpu.dma_semaphore, #tpu.memory_space<semaphore_mem>>) src(%arg7 : memref<128x64xf32, #tpu.memory_space<vmem>>) dst(%dma_wait3A_373 : memref<128x64xf32, #tpu.memory_space<hbm>>)
      tpu.yield
    }) : () -> ()
    %add3A_299 = arith.constant 384 : i32
    %add3A_300 = arith.addi %mul3A_255, %add3A_299 : i32
    "tpu.region"() ({
      %run_scoped3A_363 = tpu.sem_alloc : memref<!tpu.dma_semaphore, #tpu.memory_space<semaphore_mem>>
      %dma_start3A = arith.constant 0 : i32
      %dma_start3A_364 = tpu.memref_slice %arg10[%add3A_300, %dma_start3A] : memref<10112x64xf32, #tpu.memory_space<vmem_shared>> -> memref<128x64xf32, #tpu.memory_space<vmem_shared>>
      %dma_start3A_365 = arith.constant 0 : i32
      %dma_start3A_366 = tpu.memref_slice %arg10[%add3A_300, %dma_start3A_365] : memref<10112x64xf32, #tpu.memory_space<vmem_shared>> -> memref<128x64xf32, #tpu.memory_space<vmem_shared>>
      tpu.enqueue_dma source(%dma_start3A_366 : memref<128x64xf32, #tpu.memory_space<vmem_shared>>) target(%arg7 : memref<128x64xf32, #tpu.memory_space<vmem>>) target_semaphore(%run_scoped3A_363 : memref<!tpu.dma_semaphore, #tpu.memory_space<semaphore_mem>>)
      %dma_wait3A = arith.constant 0 : i32
      %dma_wait3A_367 = tpu.memref_slice %arg10[%add3A_300, %dma_wait3A] : memref<10112x64xf32, #tpu.memory_space<vmem_shared>> -> memref<128x64xf32, #tpu.memory_space<vmem_shared>>
      %dma_wait3A_368 = arith.constant 0 : i32
      %dma_wait3A_369 = tpu.memref_slice %arg10[%add3A_300, %dma_wait3A_368] : memref<10112x64xf32, #tpu.memory_space<vmem_shared>> -> memref<128x64xf32, #tpu.memory_space<vmem_shared>>
      tpu.wait_dma2 semaphore(%run_scoped3A_363 : memref<!tpu.dma_semaphore, #tpu.memory_space<semaphore_mem>>) src(%dma_wait3A_369 : memref<128x64xf32, #tpu.memory_space<vmem_shared>>) dst(%arg7 : memref<128x64xf32, #tpu.memory_space<vmem>>)
      tpu.yield
    }) : () -> ()
    %add3A_301 = arith.constant 384 : i32
    %add3A_302 = arith.addi %mul3A_255, %add3A_301 : i32
    "tpu.region"() ({
      %run_scoped3A_363 = tpu.sem_alloc : memref<!tpu.dma_semaphore, #tpu.memory_space<semaphore_mem>>
      %dma_start3A = arith.constant 0 : i32
      %dma_start3A_364 = tpu.memref_slice %arg4[%arg0, %add3A_302, %dma_start3A] : memref<2x10112x128xf32, #tpu.memory_space<hbm>> -> memref<1x128x64xf32, #tpu.memory_space<hbm>>
      %dma_start3A_365 = tpu.memref_squeeze %dma_start3A_364 : memref<1x128x64xf32, #tpu.memory_space<hbm>> -> memref<128x64xf32, #tpu.memory_space<hbm>>
      %dma_start3A_366 = arith.constant 0 : i32
      %dma_start3A_367 = tpu.memref_slice %arg4[%arg0, %add3A_302, %dma_start3A_366] : memref<2x10112x128xf32, #tpu.memory_space<hbm>> -> memref<1x128x64xf32, #tpu.memory_space<hbm>>
      %dma_start3A_368 = tpu.memref_squeeze %dma_start3A_367 : memref<1x128x64xf32, #tpu.memory_space<hbm>> -> memref<128x64xf32, #tpu.memory_space<hbm>>
      tpu.enqueue_dma source(%arg7 : memref<128x64xf32, #tpu.memory_space<vmem>>) target(%dma_start3A_368 : memref<128x64xf32, #tpu.memory_space<hbm>>) target_semaphore(%run_scoped3A_363 : memref<!tpu.dma_semaphore, #tpu.memory_space<semaphore_mem>>)
      %dma_wait3A = arith.constant 0 : i32
      %dma_wait3A_369 = tpu.memref_slice %arg4[%arg0, %add3A_302, %dma_wait3A] : memref<2x10112x128xf32, #tpu.memory_space<hbm>> -> memref<1x128x64xf32, #tpu.memory_space<hbm>>
      %dma_wait3A_370 = tpu.memref_squeeze %dma_wait3A_369 : memref<1x128x64xf32, #tpu.memory_space<hbm>> -> memref<128x64xf32, #tpu.memory_space<hbm>>
      %dma_wait3A_371 = arith.constant 0 : i32
      %dma_wait3A_372 = tpu.memref_slice %arg4[%arg0, %add3A_302, %dma_wait3A_371] : memref<2x10112x128xf32, #tpu.memory_space<hbm>> -> memref<1x128x64xf32, #tpu.memory_space<hbm>>
      %dma_wait3A_373 = tpu.memref_squeeze %dma_wait3A_372 : memref<1x128x64xf32, #tpu.memory_space<hbm>> -> memref<128x64xf32, #tpu.memory_space<hbm>>
      tpu.wait_dma2 semaphore(%run_scoped3A_363 : memref<!tpu.dma_semaphore, #tpu.memory_space<semaphore_mem>>) src(%arg7 : memref<128x64xf32, #tpu.memory_space<vmem>>) dst(%dma_wait3A_373 : memref<128x64xf32, #tpu.memory_space<hbm>>)
      tpu.yield
    }) : () -> ()
    %add3A_303 = arith.constant 512 : i32
    %add3A_304 = arith.addi %mul3A_255, %add3A_303 : i32
    "tpu.region"() ({
      %run_scoped3A_363 = tpu.sem_alloc : memref<!tpu.dma_semaphore, #tpu.memory_space<semaphore_mem>>
      %dma_start3A = arith.constant 0 : i32
      %dma_start3A_364 = arith.constant 0 : i32
      %dma_start3A_365 = tpu.memref_slice %arg7[%dma_start3A, %dma_start3A_364] : memref<128x64xf32, #tpu.memory_space<vmem>> -> memref<120x64xf32, #tpu.memory_space<vmem>>
      %dma_start3A_366 = arith.constant 0 : i32
      %dma_start3A_367 = tpu.memref_slice %arg10[%add3A_304, %dma_start3A_366] : memref<10112x64xf32, #tpu.memory_space<vmem_shared>> -> memref<120x64xf32, #tpu.memory_space<vmem_shared>>
      %dma_start3A_368 = arith.constant 0 : i32
      %dma_start3A_369 = arith.constant 0 : i32
      %dma_start3A_370 = tpu.memref_slice %arg7[%dma_start3A_368, %dma_start3A_369] : memref<128x64xf32, #tpu.memory_space<vmem>> -> memref<120x64xf32, #tpu.memory_space<vmem>>
      %dma_start3A_371 = arith.constant 0 : i32
      %dma_start3A_372 = tpu.memref_slice %arg10[%add3A_304, %dma_start3A_371] : memref<10112x64xf32, #tpu.memory_space<vmem_shared>> -> memref<120x64xf32, #tpu.memory_space<vmem_shared>>
      tpu.enqueue_dma source(%dma_start3A_372 : memref<120x64xf32, #tpu.memory_space<vmem_shared>>) target(%dma_start3A_370 : memref<120x64xf32, #tpu.memory_space<vmem>>) target_semaphore(%run_scoped3A_363 : memref<!tpu.dma_semaphore, #tpu.memory_space<semaphore_mem>>)
      %dma_wait3A = arith.constant 0 : i32
      %dma_wait3A_373 = arith.constant 0 : i32
      %dma_wait3A_374 = tpu.memref_slice %arg7[%dma_wait3A, %dma_wait3A_373] : memref<128x64xf32, #tpu.memory_space<vmem>> -> memref<120x64xf32, #tpu.memory_space<vmem>>
      %dma_wait3A_375 = arith.constant 0 : i32
      %dma_wait3A_376 = tpu.memref_slice %arg10[%add3A_304, %dma_wait3A_375] : memref<10112x64xf32, #tpu.memory_space<vmem_shared>> -> memref<120x64xf32, #tpu.memory_space<vmem_shared>>
      %dma_wait3A_377 = arith.constant 0 : i32
      %dma_wait3A_378 = arith.constant 0 : i32
      %dma_wait3A_379 = tpu.memref_slice %arg7[%dma_wait3A_377, %dma_wait3A_378] : memref<128x64xf32, #tpu.memory_space<vmem>> -> memref<120x64xf32, #tpu.memory_space<vmem>>
      %dma_wait3A_380 = arith.constant 0 : i32
      %dma_wait3A_381 = tpu.memref_slice %arg10[%add3A_304, %dma_wait3A_380] : memref<10112x64xf32, #tpu.memory_space<vmem_shared>> -> memref<120x64xf32, #tpu.memory_space<vmem_shared>>
      tpu.wait_dma2 semaphore(%run_scoped3A_363 : memref<!tpu.dma_semaphore, #tpu.memory_space<semaphore_mem>>) src(%dma_wait3A_381 : memref<120x64xf32, #tpu.memory_space<vmem_shared>>) dst(%dma_wait3A_379 : memref<120x64xf32, #tpu.memory_space<vmem>>)
      tpu.yield
    }) : () -> ()
    %add3A_305 = arith.constant 512 : i32
    %add3A_306 = arith.addi %mul3A_255, %add3A_305 : i32
    "tpu.region"() ({
      %run_scoped3A_363 = tpu.sem_alloc : memref<!tpu.dma_semaphore, #tpu.memory_space<semaphore_mem>>
      %dma_start3A = arith.constant 0 : i32
      %dma_start3A_364 = arith.constant 0 : i32
      %dma_start3A_365 = tpu.memref_slice %arg7[%dma_start3A, %dma_start3A_364] : memref<128x64xf32, #tpu.memory_space<vmem>> -> memref<120x64xf32, #tpu.memory_space<vmem>>
      %dma_start3A_366 = arith.constant 0 : i32
      %dma_start3A_367 = tpu.memref_slice %arg4[%arg0, %add3A_306, %dma_start3A_366] : memref<2x10112x128xf32, #tpu.memory_space<hbm>> -> memref<1x120x64xf32, #tpu.memory_space<hbm>>
      %dma_start3A_368 = tpu.memref_squeeze %dma_start3A_367 : memref<1x120x64xf32, #tpu.memory_space<hbm>> -> memref<120x64xf32, #tpu.memory_space<hbm>>
      %dma_start3A_369 = arith.constant 0 : i32
      %dma_start3A_370 = tpu.memref_slice %arg4[%arg0, %add3A_306, %dma_start3A_369] : memref<2x10112x128xf32, #tpu.memory_space<hbm>> -> memref<1x120x64xf32, #tpu.memory_space<hbm>>
      %dma_start3A_371 = tpu.memref_squeeze %dma_start3A_370 : memref<1x120x64xf32, #tpu.memory_space<hbm>> -> memref<120x64xf32, #tpu.memory_space<hbm>>
      %dma_start3A_372 = arith.constant 0 : i32
      %dma_start3A_373 = arith.constant 0 : i32
      %dma_start3A_374 = tpu.memref_slice %arg7[%dma_start3A_372, %dma_start3A_373] : memref<128x64xf32, #tpu.memory_space<vmem>> -> memref<120x64xf32, #tpu.memory_space<vmem>>
      tpu.enqueue_dma source(%dma_start3A_374 : memref<120x64xf32, #tpu.memory_space<vmem>>) target(%dma_start3A_371 : memref<120x64xf32, #tpu.memory_space<hbm>>) target_semaphore(%run_scoped3A_363 : memref<!tpu.dma_semaphore, #tpu.memory_space<semaphore_mem>>)
      %dma_wait3A = arith.constant 0 : i32
      %dma_wait3A_375 = arith.constant 0 : i32
      %dma_wait3A_376 = tpu.memref_slice %arg7[%dma_wait3A, %dma_wait3A_375] : memref<128x64xf32, #tpu.memory_space<vmem>> -> memref<120x64xf32, #tpu.memory_space<vmem>>
      %dma_wait3A_377 = arith.constant 0 : i32
      %dma_wait3A_378 = tpu.memref_slice %arg4[%arg0, %add3A_306, %dma_wait3A_377] : memref<2x10112x128xf32, #tpu.memory_space<hbm>> -> memref<1x120x64xf32, #tpu.memory_space<hbm>>
      %dma_wait3A_379 = tpu.memref_squeeze %dma_wait3A_378 : memref<1x120x64xf32, #tpu.memory_space<hbm>> -> memref<120x64xf32, #tpu.memory_space<hbm>>
      %dma_wait3A_380 = arith.constant 0 : i32
      %dma_wait3A_381 = tpu.memref_slice %arg4[%arg0, %add3A_306, %dma_wait3A_380] : memref<2x10112x128xf32, #tpu.memory_space<hbm>> -> memref<1x120x64xf32, #tpu.memory_space<hbm>>
      %dma_wait3A_382 = tpu.memref_squeeze %dma_wait3A_381 : memref<1x120x64xf32, #tpu.memory_space<hbm>> -> memref<120x64xf32, #tpu.memory_space<hbm>>
      %dma_wait3A_383 = arith.constant 0 : i32
      %dma_wait3A_384 = arith.constant 0 : i32
      %dma_wait3A_385 = tpu.memref_slice %arg7[%dma_wait3A_383, %dma_wait3A_384] : memref<128x64xf32, #tpu.memory_space<vmem>> -> memref<120x64xf32, #tpu.memory_space<vmem>>
      tpu.wait_dma2 semaphore(%run_scoped3A_363 : memref<!tpu.dma_semaphore, #tpu.memory_space<semaphore_mem>>) src(%dma_wait3A_385 : memref<120x64xf32, #tpu.memory_space<vmem>>) dst(%dma_wait3A_382 : memref<120x64xf32, #tpu.memory_space<hbm>>)
      tpu.yield
    }) : () -> ()
    %scan3A_307 = arith.constant 0 : i32
    %scan3A_308 = arith.constant 0 : i32
    %scan3A_309 = arith.constant 128 : i32
    %scan3A_310 = arith.addi %scan3A_308, %scan3A_309 : i32
    %scan3A_311 = arith.constant 1 : i32
    %scan3A_312 = scf.for %scan3A_363 = %scan3A_308 to %scan3A_310 step %scan3A_311 iter_args(%scan3A_364 = %scan3A_307) -> (i32)  : i32 {
      %swap3A_365 = arith.index_cast %scan3A_363 : i32 to index
      %swap3A_366 = arith.constant 0 : index
      %swap3A_367 = tpu.vector_load %arg8[%swap3A_365, %swap3A_366] {strides = array<i32>} : memref<128x64xf32, #tpu.memory_space<vmem>>, vector<1x16xf32>,
      %swap3A_368 = vector.shape_cast %swap3A_367 : vector<1x16xf32> to vector<16xf32>
      %swap3A_369 = vector.shape_cast %broadcast_in_dim3A_253 : vector<16xf32> to vector<1x16xf32>
      tpu.vector_store %arg8[%swap3A_365, %swap3A_366], %swap3A_369 {strides = array<i32>} : memref<128x64xf32, #tpu.memory_space<vmem>>, vector<1x16xf32>,
      %swap3A_370 = arith.index_cast %scan3A_363 : i32 to index
      %swap3A_371 = arith.constant 16 : index
      %swap3A_372 = tpu.vector_load %arg8[%swap3A_370, %swap3A_371] {strides = array<i32>} : memref<128x64xf32, #tpu.memory_space<vmem>>, vector<1x16xf32>,
      %swap3A_373 = vector.shape_cast %swap3A_372 : vector<1x16xf32> to vector<16xf32>
      %swap3A_374 = vector.shape_cast %broadcast_in_dim3A_253 : vector<16xf32> to vector<1x16xf32>
      tpu.vector_store %arg8[%swap3A_370, %swap3A_371], %swap3A_374 {strides = array<i32>} : memref<128x64xf32, #tpu.memory_space<vmem>>, vector<1x16xf32>,
      %swap3A_375 = arith.index_cast %scan3A_363 : i32 to index
      %swap3A_376 = arith.constant 32 : index
      %swap3A_377 = tpu.vector_load %arg8[%swap3A_375, %swap3A_376] {strides = array<i32>} : memref<128x64xf32, #tpu.memory_space<vmem>>, vector<1x16xf32>,
      %swap3A_378 = vector.shape_cast %swap3A_377 : vector<1x16xf32> to vector<16xf32>
      %swap3A_379 = vector.shape_cast %broadcast_in_dim3A_253 : vector<16xf32> to vector<1x16xf32>
      tpu.vector_store %arg8[%swap3A_375, %swap3A_376], %swap3A_379 {strides = array<i32>} : memref<128x64xf32, #tpu.memory_space<vmem>>, vector<1x16xf32>,
      %swap3A_380 = arith.index_cast %scan3A_363 : i32 to index
      %swap3A_381 = arith.constant 48 : index
      %swap3A_382 = tpu.vector_load %arg8[%swap3A_380, %swap3A_381] {strides = array<i32>} : memref<128x64xf32, #tpu.memory_space<vmem>>, vector<1x16xf32>,
      %swap3A_383 = vector.shape_cast %swap3A_382 : vector<1x16xf32> to vector<16xf32>
      %swap3A_384 = vector.shape_cast %broadcast_in_dim3A_253 : vector<16xf32> to vector<1x16xf32>
      tpu.vector_store %arg8[%swap3A_380, %swap3A_381], %swap3A_384 {strides = array<i32>} : memref<128x64xf32, #tpu.memory_space<vmem>>, vector<1x16xf32>,
      %scan3A_385 = arith.constant 0 : i32
      scf.yield %scan3A_385 : i32
    }
    %scan3A_313 = arith.constant 128 : i32
    %add3A_314 = arith.constant 0 : i32
    %add3A_315 = arith.addi %mul3A_255, %add3A_314 : i32
    "tpu.region"() ({
      %run_scoped3A_363 = tpu.sem_alloc : memref<!tpu.dma_semaphore, #tpu.memory_space<semaphore_mem>>
      %dma_start3A = arith.constant 0 : i32
      %dma_start3A_364 = tpu.memref_slice %arg10[%add3A_315, %dma_start3A] : memref<10112x64xf32, #tpu.memory_space<vmem_shared>> -> memref<128x64xf32, #tpu.memory_space<vmem_shared>>
      %dma_start3A_365 = arith.constant 0 : i32
      %dma_start3A_366 = tpu.memref_slice %arg10[%add3A_315, %dma_start3A_365] : memref<10112x64xf32, #tpu.memory_space<vmem_shared>> -> memref<128x64xf32, #tpu.memory_space<vmem_shared>>
      tpu.enqueue_dma source(%arg8 : memref<128x64xf32, #tpu.memory_space<vmem>>) target(%dma_start3A_366 : memref<128x64xf32, #tpu.memory_space<vmem_shared>>) target_semaphore(%run_scoped3A_363 : memref<!tpu.dma_semaphore, #tpu.memory_space<semaphore_mem>>)
      %dma_wait3A = arith.constant 0 : i32
      %dma_wait3A_367 = tpu.memref_slice %arg10[%add3A_315, %dma_wait3A] : memref<10112x64xf32, #tpu.memory_space<vmem_shared>> -> memref<128x64xf32, #tpu.memory_space<vmem_shared>>
      %dma_wait3A_368 = arith.constant 0 : i32
      %dma_wait3A_369 = tpu.memref_slice %arg10[%add3A_315, %dma_wait3A_368] : memref<10112x64xf32, #tpu.memory_space<vmem_shared>> -> memref<128x64xf32, #tpu.memory_space<vmem_shared>>
      tpu.wait_dma2 semaphore(%run_scoped3A_363 : memref<!tpu.dma_semaphore, #tpu.memory_space<semaphore_mem>>) src(%arg8 : memref<128x64xf32, #tpu.memory_space<vmem>>) dst(%dma_wait3A_369 : memref<128x64xf32, #tpu.memory_space<vmem_shared>>)
      tpu.yield
    }) : () -> ()
    %add3A_316 = arith.constant 128 : i32
    %add3A_317 = arith.addi %mul3A_255, %add3A_316 : i32
    "tpu.region"() ({
      %run_scoped3A_363 = tpu.sem_alloc : memref<!tpu.dma_semaphore, #tpu.memory_space<semaphore_mem>>
      %dma_start3A = arith.constant 0 : i32
      %dma_start3A_364 = tpu.memref_slice %arg10[%add3A_317, %dma_start3A] : memref<10112x64xf32, #tpu.memory_space<vmem_shared>> -> memref<128x64xf32, #tpu.memory_space<vmem_shared>>
      %dma_start3A_365 = arith.constant 0 : i32
      %dma_start3A_366 = tpu.memref_slice %arg10[%add3A_317, %dma_start3A_365] : memref<10112x64xf32, #tpu.memory_space<vmem_shared>> -> memref<128x64xf32, #tpu.memory_space<vmem_shared>>
      tpu.enqueue_dma source(%arg8 : memref<128x64xf32, #tpu.memory_space<vmem>>) target(%dma_start3A_366 : memref<128x64xf32, #tpu.memory_space<vmem_shared>>) target_semaphore(%run_scoped3A_363 : memref<!tpu.dma_semaphore, #tpu.memory_space<semaphore_mem>>)
      %dma_wait3A = arith.constant 0 : i32
      %dma_wait3A_367 = tpu.memref_slice %arg10[%add3A_317, %dma_wait3A] : memref<10112x64xf32, #tpu.memory_space<vmem_shared>> -> memref<128x64xf32, #tpu.memory_space<vmem_shared>>
      %dma_wait3A_368 = arith.constant 0 : i32
      %dma_wait3A_369 = tpu.memref_slice %arg10[%add3A_317, %dma_wait3A_368] : memref<10112x64xf32, #tpu.memory_space<vmem_shared>> -> memref<128x64xf32, #tpu.memory_space<vmem_shared>>
      tpu.wait_dma2 semaphore(%run_scoped3A_363 : memref<!tpu.dma_semaphore, #tpu.memory_space<semaphore_mem>>) src(%arg8 : memref<128x64xf32, #tpu.memory_space<vmem>>) dst(%dma_wait3A_369 : memref<128x64xf32, #tpu.memory_space<vmem_shared>>)
      tpu.yield
    }) : () -> ()
    %add3A_318 = arith.constant 256 : i32
    %add3A_319 = arith.addi %mul3A_255, %add3A_318 : i32
    "tpu.region"() ({
      %run_scoped3A_363 = tpu.sem_alloc : memref<!tpu.dma_semaphore, #tpu.memory_space<semaphore_mem>>
      %dma_start3A = arith.constant 0 : i32
      %dma_start3A_364 = tpu.memref_slice %arg10[%add3A_319, %dma_start3A] : memref<10112x64xf32, #tpu.memory_space<vmem_shared>> -> memref<128x64xf32, #tpu.memory_space<vmem_shared>>
      %dma_start3A_365 = arith.constant 0 : i32
      %dma_start3A_366 = tpu.memref_slice %arg10[%add3A_319, %dma_start3A_365] : memref<10112x64xf32, #tpu.memory_space<vmem_shared>> -> memref<128x64xf32, #tpu.memory_space<vmem_shared>>
      tpu.enqueue_dma source(%arg8 : memref<128x64xf32, #tpu.memory_space<vmem>>) target(%dma_start3A_366 : memref<128x64xf32, #tpu.memory_space<vmem_shared>>) target_semaphore(%run_scoped3A_363 : memref<!tpu.dma_semaphore, #tpu.memory_space<semaphore_mem>>)
      %dma_wait3A = arith.constant 0 : i32
      %dma_wait3A_367 = tpu.memref_slice %arg10[%add3A_319, %dma_wait3A] : memref<10112x64xf32, #tpu.memory_space<vmem_shared>> -> memref<128x64xf32, #tpu.memory_space<vmem_shared>>
      %dma_wait3A_368 = arith.constant 0 : i32
      %dma_wait3A_369 = tpu.memref_slice %arg10[%add3A_319, %dma_wait3A_368] : memref<10112x64xf32, #tpu.memory_space<vmem_shared>> -> memref<128x64xf32, #tpu.memory_space<vmem_shared>>
      tpu.wait_dma2 semaphore(%run_scoped3A_363 : memref<!tpu.dma_semaphore, #tpu.memory_space<semaphore_mem>>) src(%arg8 : memref<128x64xf32, #tpu.memory_space<vmem>>) dst(%dma_wait3A_369 : memref<128x64xf32, #tpu.memory_space<vmem_shared>>)
      tpu.yield
    }) : () -> ()
    %add3A_320 = arith.constant 384 : i32
    %add3A_321 = arith.addi %mul3A_255, %add3A_320 : i32
    "tpu.region"() ({
      %run_scoped3A_363 = tpu.sem_alloc : memref<!tpu.dma_semaphore, #tpu.memory_space<semaphore_mem>>
      %dma_start3A = arith.constant 0 : i32
      %dma_start3A_364 = tpu.memref_slice %arg10[%add3A_321, %dma_start3A] : memref<10112x64xf32, #tpu.memory_space<vmem_shared>> -> memref<128x64xf32, #tpu.memory_space<vmem_shared>>
      %dma_start3A_365 = arith.constant 0 : i32
      %dma_start3A_366 = tpu.memref_slice %arg10[%add3A_321, %dma_start3A_365] : memref<10112x64xf32, #tpu.memory_space<vmem_shared>> -> memref<128x64xf32, #tpu.memory_space<vmem_shared>>
      tpu.enqueue_dma source(%arg8 : memref<128x64xf32, #tpu.memory_space<vmem>>) target(%dma_start3A_366 : memref<128x64xf32, #tpu.memory_space<vmem_shared>>) target_semaphore(%run_scoped3A_363 : memref<!tpu.dma_semaphore, #tpu.memory_space<semaphore_mem>>)
      %dma_wait3A = arith.constant 0 : i32
      %dma_wait3A_367 = tpu.memref_slice %arg10[%add3A_321, %dma_wait3A] : memref<10112x64xf32, #tpu.memory_space<vmem_shared>> -> memref<128x64xf32, #tpu.memory_space<vmem_shared>>
      %dma_wait3A_368 = arith.constant 0 : i32
      %dma_wait3A_369 = tpu.memref_slice %arg10[%add3A_321, %dma_wait3A_368] : memref<10112x64xf32, #tpu.memory_space<vmem_shared>> -> memref<128x64xf32, #tpu.memory_space<vmem_shared>>
      tpu.wait_dma2 semaphore(%run_scoped3A_363 : memref<!tpu.dma_semaphore, #tpu.memory_space<semaphore_mem>>) src(%arg8 : memref<128x64xf32, #tpu.memory_space<vmem>>) dst(%dma_wait3A_369 : memref<128x64xf32, #tpu.memory_space<vmem_shared>>)
      tpu.yield
    }) : () -> ()
    %add3A_322 = arith.constant 512 : i32
    %add3A_323 = arith.addi %mul3A_255, %add3A_322 : i32
    "tpu.region"() ({
      %run_scoped3A_363 = tpu.sem_alloc : memref<!tpu.dma_semaphore, #tpu.memory_space<semaphore_mem>>
      %dma_start3A = arith.constant 0 : i32
      %dma_start3A_364 = arith.constant 0 : i32
      %dma_start3A_365 = tpu.memref_slice %arg8[%dma_start3A, %dma_start3A_364] : memref<128x64xf32, #tpu.memory_space<vmem>> -> memref<120x64xf32, #tpu.memory_space<vmem>>
      %dma_start3A_366 = arith.constant 0 : i32
      %dma_start3A_367 = tpu.memref_slice %arg10[%add3A_323, %dma_start3A_366] : memref<10112x64xf32, #tpu.memory_space<vmem_shared>> -> memref<120x64xf32, #tpu.memory_space<vmem_shared>>
      %dma_start3A_368 = arith.constant 0 : i32
      %dma_start3A_369 = tpu.memref_slice %arg10[%add3A_323, %dma_start3A_368] : memref<10112x64xf32, #tpu.memory_space<vmem_shared>> -> memref<120x64xf32, #tpu.memory_space<vmem_shared>>
      %dma_start3A_370 = arith.constant 0 : i32
      %dma_start3A_371 = arith.constant 0 : i32
      %dma_start3A_372 = tpu.memref_slice %arg8[%dma_start3A_370, %dma_start3A_371] : memref<128x64xf32, #tpu.memory_space<vmem>> -> memref<120x64xf32, #tpu.memory_space<vmem>>
      tpu.enqueue_dma source(%dma_start3A_372 : memref<120x64xf32, #tpu.memory_space<vmem>>) target(%dma_start3A_369 : memref<120x64xf32, #tpu.memory_space<vmem_shared>>) target_semaphore(%run_scoped3A_363 : memref<!tpu.dma_semaphore, #tpu.memory_space<semaphore_mem>>)
      %dma_wait3A = arith.constant 0 : i32
      %dma_wait3A_373 = arith.constant 0 : i32
      %dma_wait3A_374 = tpu.memref_slice %arg8[%dma_wait3A, %dma_wait3A_373] : memref<128x64xf32, #tpu.memory_space<vmem>> -> memref<120x64xf32, #tpu.memory_space<vmem>>
      %dma_wait3A_375 = arith.constant 0 : i32
      %dma_wait3A_376 = tpu.memref_slice %arg10[%add3A_323, %dma_wait3A_375] : memref<10112x64xf32, #tpu.memory_space<vmem_shared>> -> memref<120x64xf32, #tpu.memory_space<vmem_shared>>
      %dma_wait3A_377 = arith.constant 0 : i32
      %dma_wait3A_378 = tpu.memref_slice %arg10[%add3A_323, %dma_wait3A_377] : memref<10112x64xf32, #tpu.memory_space<vmem_shared>> -> memref<120x64xf32, #tpu.memory_space<vmem_shared>>
      %dma_wait3A_379 = arith.constant 0 : i32
      %dma_wait3A_380 = arith.constant 0 : i32
      %dma_wait3A_381 = tpu.memref_slice %arg8[%dma_wait3A_379, %dma_wait3A_380] : memref<128x64xf32, #tpu.memory_space<vmem>> -> memref<120x64xf32, #tpu.memory_space<vmem>>
      tpu.wait_dma2 semaphore(%run_scoped3A_363 : memref<!tpu.dma_semaphore, #tpu.memory_space<semaphore_mem>>) src(%dma_wait3A_381 : memref<120x64xf32, #tpu.memory_space<vmem>>) dst(%dma_wait3A_378 : memref<120x64xf32, #tpu.memory_space<vmem_shared>>)
      tpu.yield
    }) : () -> ()
    %lt3A_324 = arith.constant 15 : i32
    %lt3A_325 = arith.cmpi slt, %arg1, %lt3A_324 : i32
    %convert_element_type3A_326 = arith.extui %lt3A_325 : i1 to i32
    %cond3A_327 = arith.constant 0 : i32
    %cond3A_328 = arith.cmpi ne, %convert_element_type3A_326, %cond3A_327 : i32
    scf.if %cond3A_328 {
      %add3A_363 = arith.constant 0 : i32
      %add3A_364 = arith.addi %mul3A_255, %add3A_363 : i32
      "tpu.region"() ({
        %run_scoped3A_373 = tpu.sem_alloc : memref<!tpu.dma_semaphore, #tpu.memory_space<semaphore_mem>>
        %dma_start3A = arith.constant 64 : i32
        %dma_start3A_374 = tpu.memref_slice %arg2[%add3A_364, %dma_start3A] : memref<10000x128xf32, #tpu.memory_space<hbm>> -> memref<128x64xf32, #tpu.memory_space<hbm>>
        %dma_start3A_375 = arith.constant 64 : i32
        %dma_start3A_376 = tpu.memref_slice %arg2[%add3A_364, %dma_start3A_375] : memref<10000x128xf32, #tpu.memory_space<hbm>> -> memref<128x64xf32, #tpu.memory_space<hbm>>
        tpu.enqueue_dma source(%dma_start3A_376 : memref<128x64xf32, #tpu.memory_space<hbm>>) target(%arg7 : memref<128x64xf32, #tpu.memory_space<vmem>>) target_semaphore(%run_scoped3A_373 : memref<!tpu.dma_semaphore, #tpu.memory_space<semaphore_mem>>)
        %dma_wait3A = arith.constant 64 : i32
        %dma_wait3A_377 = tpu.memref_slice %arg2[%add3A_364, %dma_wait3A] : memref<10000x128xf32, #tpu.memory_space<hbm>> -> memref<128x64xf32, #tpu.memory_space<hbm>>
        %dma_wait3A_378 = arith.constant 64 : i32
        %dma_wait3A_379 = tpu.memref_slice %arg2[%add3A_364, %dma_wait3A_378] : memref<10000x128xf32, #tpu.memory_space<hbm>> -> memref<128x64xf32, #tpu.memory_space<hbm>>
        tpu.wait_dma2 semaphore(%run_scoped3A_373 : memref<!tpu.dma_semaphore, #tpu.memory_space<semaphore_mem>>) src(%dma_wait3A_379 : memref<128x64xf32, #tpu.memory_space<hbm>>) dst(%arg7 : memref<128x64xf32, #tpu.memory_space<vmem>>)
        tpu.yield
      }) : () -> ()
      "tpu.region"() ({
        %run_scoped3A_373 = tpu.sem_alloc : memref<!tpu.dma_semaphore, #tpu.memory_space<semaphore_mem>>
        %dma_start3A = arith.constant 0 : i32
        %dma_start3A_374 = tpu.memref_slice %arg11[%add3A_364, %dma_start3A] : memref<10112x64xf32, #tpu.memory_space<vmem_shared>> -> memref<128x64xf32, #tpu.memory_space<vmem_shared>>
        %dma_start3A_375 = arith.constant 0 : i32
        %dma_start3A_376 = tpu.memref_slice %arg11[%add3A_364, %dma_start3A_375] : memref<10112x64xf32, #tpu.memory_space<vmem_shared>> -> memref<128x64xf32, #tpu.memory_space<vmem_shared>>
        tpu.enqueue_dma source(%arg7 : memref<128x64xf32, #tpu.memory_space<vmem>>) target(%dma_start3A_376 : memref<128x64xf32, #tpu.memory_space<vmem_shared>>) target_semaphore(%run_scoped3A_373 : memref<!tpu.dma_semaphore, #tpu.memory_space<semaphore_mem>>)
        %dma_wait3A = arith.constant 0 : i32
        %dma_wait3A_377 = tpu.memref_slice %arg11[%add3A_364, %dma_wait3A] : memref<10112x64xf32, #tpu.memory_space<vmem_shared>> -> memref<128x64xf32, #tpu.memory_space<vmem_shared>>
        %dma_wait3A_378 = arith.constant 0 : i32
        %dma_wait3A_379 = tpu.memref_slice %arg11[%add3A_364, %dma_wait3A_378] : memref<10112x64xf32, #tpu.memory_space<vmem_shared>> -> memref<128x64xf32, #tpu.memory_space<vmem_shared>>
        tpu.wait_dma2 semaphore(%run_scoped3A_373 : memref<!tpu.dma_semaphore, #tpu.memory_space<semaphore_mem>>) src(%arg7 : memref<128x64xf32, #tpu.memory_space<vmem>>) dst(%dma_wait3A_379 : memref<128x64xf32, #tpu.memory_space<vmem_shared>>)
        tpu.yield
      }) : () -> ()
      %add3A_365 = arith.constant 128 : i32
      %add3A_366 = arith.addi %mul3A_255, %add3A_365 : i32
      "tpu.region"() ({
        %run_scoped3A_373 = tpu.sem_alloc : memref<!tpu.dma_semaphore, #tpu.memory_space<semaphore_mem>>
        %dma_start3A = arith.constant 64 : i32
        %dma_start3A_374 = tpu.memref_slice %arg2[%add3A_366, %dma_start3A] : memref<10000x128xf32, #tpu.memory_space<hbm>> -> memref<128x64xf32, #tpu.memory_space<hbm>>
        %dma_start3A_375 = arith.constant 64 : i32
        %dma_start3A_376 = tpu.memref_slice %arg2[%add3A_366, %dma_start3A_375] : memref<10000x128xf32, #tpu.memory_space<hbm>> -> memref<128x64xf32, #tpu.memory_space<hbm>>
        tpu.enqueue_dma source(%dma_start3A_376 : memref<128x64xf32, #tpu.memory_space<hbm>>) target(%arg7 : memref<128x64xf32, #tpu.memory_space<vmem>>) target_semaphore(%run_scoped3A_373 : memref<!tpu.dma_semaphore, #tpu.memory_space<semaphore_mem>>)
        %dma_wait3A = arith.constant 64 : i32
        %dma_wait3A_377 = tpu.memref_slice %arg2[%add3A_366, %dma_wait3A] : memref<10000x128xf32, #tpu.memory_space<hbm>> -> memref<128x64xf32, #tpu.memory_space<hbm>>
        %dma_wait3A_378 = arith.constant 64 : i32
        %dma_wait3A_379 = tpu.memref_slice %arg2[%add3A_366, %dma_wait3A_378] : memref<10000x128xf32, #tpu.memory_space<hbm>> -> memref<128x64xf32, #tpu.memory_space<hbm>>
        tpu.wait_dma2 semaphore(%run_scoped3A_373 : memref<!tpu.dma_semaphore, #tpu.memory_space<semaphore_mem>>) src(%dma_wait3A_379 : memref<128x64xf32, #tpu.memory_space<hbm>>) dst(%arg7 : memref<128x64xf32, #tpu.memory_space<vmem>>)
        tpu.yield
      }) : () -> ()
      "tpu.region"() ({
        %run_scoped3A_373 = tpu.sem_alloc : memref<!tpu.dma_semaphore, #tpu.memory_space<semaphore_mem>>
        %dma_start3A = arith.constant 0 : i32
        %dma_start3A_374 = tpu.memref_slice %arg11[%add3A_366, %dma_start3A] : memref<10112x64xf32, #tpu.memory_space<vmem_shared>> -> memref<128x64xf32, #tpu.memory_space<vmem_shared>>
        %dma_start3A_375 = arith.constant 0 : i32
        %dma_start3A_376 = tpu.memref_slice %arg11[%add3A_366, %dma_start3A_375] : memref<10112x64xf32, #tpu.memory_space<vmem_shared>> -> memref<128x64xf32, #tpu.memory_space<vmem_shared>>
        tpu.enqueue_dma source(%arg7 : memref<128x64xf32, #tpu.memory_space<vmem>>) target(%dma_start3A_376 : memref<128x64xf32, #tpu.memory_space<vmem_shared>>) target_semaphore(%run_scoped3A_373 : memref<!tpu.dma_semaphore, #tpu.memory_space<semaphore_mem>>)
        %dma_wait3A = arith.constant 0 : i32
        %dma_wait3A_377 = tpu.memref_slice %arg11[%add3A_366, %dma_wait3A] : memref<10112x64xf32, #tpu.memory_space<vmem_shared>> -> memref<128x64xf32, #tpu.memory_space<vmem_shared>>
        %dma_wait3A_378 = arith.constant 0 : i32
        %dma_wait3A_379 = tpu.memref_slice %arg11[%add3A_366, %dma_wait3A_378] : memref<10112x64xf32, #tpu.memory_space<vmem_shared>> -> memref<128x64xf32, #tpu.memory_space<vmem_shared>>
        tpu.wait_dma2 semaphore(%run_scoped3A_373 : memref<!tpu.dma_semaphore, #tpu.memory_space<semaphore_mem>>) src(%arg7 : memref<128x64xf32, #tpu.memory_space<vmem>>) dst(%dma_wait3A_379 : memref<128x64xf32, #tpu.memory_space<vmem_shared>>)
        tpu.yield
      }) : () -> ()
      %add3A_367 = arith.constant 256 : i32
      %add3A_368 = arith.addi %mul3A_255, %add3A_367 : i32
      "tpu.region"() ({
        %run_scoped3A_373 = tpu.sem_alloc : memref<!tpu.dma_semaphore, #tpu.memory_space<semaphore_mem>>
        %dma_start3A = arith.constant 64 : i32
        %dma_start3A_374 = tpu.memref_slice %arg2[%add3A_368, %dma_start3A] : memref<10000x128xf32, #tpu.memory_space<hbm>> -> memref<128x64xf32, #tpu.memory_space<hbm>>
        %dma_start3A_375 = arith.constant 64 : i32
        %dma_start3A_376 = tpu.memref_slice %arg2[%add3A_368, %dma_start3A_375] : memref<10000x128xf32, #tpu.memory_space<hbm>> -> memref<128x64xf32, #tpu.memory_space<hbm>>
        tpu.enqueue_dma source(%dma_start3A_376 : memref<128x64xf32, #tpu.memory_space<hbm>>) target(%arg7 : memref<128x64xf32, #tpu.memory_space<vmem>>) target_semaphore(%run_scoped3A_373 : memref<!tpu.dma_semaphore, #tpu.memory_space<semaphore_mem>>)
        %dma_wait3A = arith.constant 64 : i32
        %dma_wait3A_377 = tpu.memref_slice %arg2[%add3A_368, %dma_wait3A] : memref<10000x128xf32, #tpu.memory_space<hbm>> -> memref<128x64xf32, #tpu.memory_space<hbm>>
        %dma_wait3A_378 = arith.constant 64 : i32
        %dma_wait3A_379 = tpu.memref_slice %arg2[%add3A_368, %dma_wait3A_378] : memref<10000x128xf32, #tpu.memory_space<hbm>> -> memref<128x64xf32, #tpu.memory_space<hbm>>
        tpu.wait_dma2 semaphore(%run_scoped3A_373 : memref<!tpu.dma_semaphore, #tpu.memory_space<semaphore_mem>>) src(%dma_wait3A_379 : memref<128x64xf32, #tpu.memory_space<hbm>>) dst(%arg7 : memref<128x64xf32, #tpu.memory_space<vmem>>)
        tpu.yield
      }) : () -> ()
      "tpu.region"() ({
        %run_scoped3A_373 = tpu.sem_alloc : memref<!tpu.dma_semaphore, #tpu.memory_space<semaphore_mem>>
        %dma_start3A = arith.constant 0 : i32
        %dma_start3A_374 = tpu.memref_slice %arg11[%add3A_368, %dma_start3A] : memref<10112x64xf32, #tpu.memory_space<vmem_shared>> -> memref<128x64xf32, #tpu.memory_space<vmem_shared>>
        %dma_start3A_375 = arith.constant 0 : i32
        %dma_start3A_376 = tpu.memref_slice %arg11[%add3A_368, %dma_start3A_375] : memref<10112x64xf32, #tpu.memory_space<vmem_shared>> -> memref<128x64xf32, #tpu.memory_space<vmem_shared>>
        tpu.enqueue_dma source(%arg7 : memref<128x64xf32, #tpu.memory_space<vmem>>) target(%dma_start3A_376 : memref<128x64xf32, #tpu.memory_space<vmem_shared>>) target_semaphore(%run_scoped3A_373 : memref<!tpu.dma_semaphore, #tpu.memory_space<semaphore_mem>>)
        %dma_wait3A = arith.constant 0 : i32
        %dma_wait3A_377 = tpu.memref_slice %arg11[%add3A_368, %dma_wait3A] : memref<10112x64xf32, #tpu.memory_space<vmem_shared>> -> memref<128x64xf32, #tpu.memory_space<vmem_shared>>
        %dma_wait3A_378 = arith.constant 0 : i32
        %dma_wait3A_379 = tpu.memref_slice %arg11[%add3A_368, %dma_wait3A_378] : memref<10112x64xf32, #tpu.memory_space<vmem_shared>> -> memref<128x64xf32, #tpu.memory_space<vmem_shared>>
        tpu.wait_dma2 semaphore(%run_scoped3A_373 : memref<!tpu.dma_semaphore, #tpu.memory_space<semaphore_mem>>) src(%arg7 : memref<128x64xf32, #tpu.memory_space<vmem>>) dst(%dma_wait3A_379 : memref<128x64xf32, #tpu.memory_space<vmem_shared>>)
        tpu.yield
      }) : () -> ()
      %add3A_369 = arith.constant 384 : i32
      %add3A_370 = arith.addi %mul3A_255, %add3A_369 : i32
      "tpu.region"() ({
        %run_scoped3A_373 = tpu.sem_alloc : memref<!tpu.dma_semaphore, #tpu.memory_space<semaphore_mem>>
        %dma_start3A = arith.constant 64 : i32
        %dma_start3A_374 = tpu.memref_slice %arg2[%add3A_370, %dma_start3A] : memref<10000x128xf32, #tpu.memory_space<hbm>> -> memref<128x64xf32, #tpu.memory_space<hbm>>
        %dma_start3A_375 = arith.constant 64 : i32
        %dma_start3A_376 = tpu.memref_slice %arg2[%add3A_370, %dma_start3A_375] : memref<10000x128xf32, #tpu.memory_space<hbm>> -> memref<128x64xf32, #tpu.memory_space<hbm>>
        tpu.enqueue_dma source(%dma_start3A_376 : memref<128x64xf32, #tpu.memory_space<hbm>>) target(%arg7 : memref<128x64xf32, #tpu.memory_space<vmem>>) target_semaphore(%run_scoped3A_373 : memref<!tpu.dma_semaphore, #tpu.memory_space<semaphore_mem>>)
        %dma_wait3A = arith.constant 64 : i32
        %dma_wait3A_377 = tpu.memref_slice %arg2[%add3A_370, %dma_wait3A] : memref<10000x128xf32, #tpu.memory_space<hbm>> -> memref<128x64xf32, #tpu.memory_space<hbm>>
        %dma_wait3A_378 = arith.constant 64 : i32
        %dma_wait3A_379 = tpu.memref_slice %arg2[%add3A_370, %dma_wait3A_378] : memref<10000x128xf32, #tpu.memory_space<hbm>> -> memref<128x64xf32, #tpu.memory_space<hbm>>
        tpu.wait_dma2 semaphore(%run_scoped3A_373 : memref<!tpu.dma_semaphore, #tpu.memory_space<semaphore_mem>>) src(%dma_wait3A_379 : memref<128x64xf32, #tpu.memory_space<hbm>>) dst(%arg7 : memref<128x64xf32, #tpu.memory_space<vmem>>)
        tpu.yield
      }) : () -> ()
      "tpu.region"() ({
        %run_scoped3A_373 = tpu.sem_alloc : memref<!tpu.dma_semaphore, #tpu.memory_space<semaphore_mem>>
        %dma_start3A = arith.constant 0 : i32
        %dma_start3A_374 = tpu.memref_slice %arg11[%add3A_370, %dma_start3A] : memref<10112x64xf32, #tpu.memory_space<vmem_shared>> -> memref<128x64xf32, #tpu.memory_space<vmem_shared>>
        %dma_start3A_375 = arith.constant 0 : i32
        %dma_start3A_376 = tpu.memref_slice %arg11[%add3A_370, %dma_start3A_375] : memref<10112x64xf32, #tpu.memory_space<vmem_shared>> -> memref<128x64xf32, #tpu.memory_space<vmem_shared>>
        tpu.enqueue_dma source(%arg7 : memref<128x64xf32, #tpu.memory_space<vmem>>) target(%dma_start3A_376 : memref<128x64xf32, #tpu.memory_space<vmem_shared>>) target_semaphore(%run_scoped3A_373 : memref<!tpu.dma_semaphore, #tpu.memory_space<semaphore_mem>>)
        %dma_wait3A = arith.constant 0 : i32
        %dma_wait3A_377 = tpu.memref_slice %arg11[%add3A_370, %dma_wait3A] : memref<10112x64xf32, #tpu.memory_space<vmem_shared>> -> memref<128x64xf32, #tpu.memory_space<vmem_shared>>
        %dma_wait3A_378 = arith.constant 0 : i32
        %dma_wait3A_379 = tpu.memref_slice %arg11[%add3A_370, %dma_wait3A_378] : memref<10112x64xf32, #tpu.memory_space<vmem_shared>> -> memref<128x64xf32, #tpu.memory_space<vmem_shared>>
        tpu.wait_dma2 semaphore(%run_scoped3A_373 : memref<!tpu.dma_semaphore, #tpu.memory_space<semaphore_mem>>) src(%arg7 : memref<128x64xf32, #tpu.memory_space<vmem>>) dst(%dma_wait3A_379 : memref<128x64xf32, #tpu.memory_space<vmem_shared>>)
        tpu.yield
      }) : () -> ()
      %add3A_371 = arith.constant 512 : i32
      %add3A_372 = arith.addi %mul3A_255, %add3A_371 : i32
      "tpu.region"() ({
        %run_scoped3A_373 = tpu.sem_alloc : memref<!tpu.dma_semaphore, #tpu.memory_space<semaphore_mem>>
        %dma_start3A = arith.constant 0 : i32
        %dma_start3A_374 = arith.constant 0 : i32
        %dma_start3A_375 = tpu.memref_slice %arg7[%dma_start3A, %dma_start3A_374] : memref<128x64xf32, #tpu.memory_space<vmem>> -> memref<120x64xf32, #tpu.memory_space<vmem>>
        %dma_start3A_376 = arith.constant 64 : i32
        %dma_start3A_377 = tpu.memref_slice %arg2[%add3A_372, %dma_start3A_376] : memref<10000x128xf32, #tpu.memory_space<hbm>> -> memref<120x64xf32, #tpu.memory_space<hbm>>
        %dma_start3A_378 = arith.constant 0 : i32
        %dma_start3A_379 = arith.constant 0 : i32
        %dma_start3A_380 = tpu.memref_slice %arg7[%dma_start3A_378, %dma_start3A_379] : memref<128x64xf32, #tpu.memory_space<vmem>> -> memref<120x64xf32, #tpu.memory_space<vmem>>
        %dma_start3A_381 = arith.constant 64 : i32
        %dma_start3A_382 = tpu.memref_slice %arg2[%add3A_372, %dma_start3A_381] : memref<10000x128xf32, #tpu.memory_space<hbm>> -> memref<120x64xf32, #tpu.memory_space<hbm>>
        tpu.enqueue_dma source(%dma_start3A_382 : memref<120x64xf32, #tpu.memory_space<hbm>>) target(%dma_start3A_380 : memref<120x64xf32, #tpu.memory_space<vmem>>) target_semaphore(%run_scoped3A_373 : memref<!tpu.dma_semaphore, #tpu.memory_space<semaphore_mem>>)
        %dma_wait3A = arith.constant 0 : i32
        %dma_wait3A_383 = arith.constant 0 : i32
        %dma_wait3A_384 = tpu.memref_slice %arg7[%dma_wait3A, %dma_wait3A_383] : memref<128x64xf32, #tpu.memory_space<vmem>> -> memref<120x64xf32, #tpu.memory_space<vmem>>
        %dma_wait3A_385 = arith.constant 64 : i32
        %dma_wait3A_386 = tpu.memref_slice %arg2[%add3A_372, %dma_wait3A_385] : memref<10000x128xf32, #tpu.memory_space<hbm>> -> memref<120x64xf32, #tpu.memory_space<hbm>>
        %dma_wait3A_387 = arith.constant 0 : i32
        %dma_wait3A_388 = arith.constant 0 : i32
        %dma_wait3A_389 = tpu.memref_slice %arg7[%dma_wait3A_387, %dma_wait3A_388] : memref<128x64xf32, #tpu.memory_space<vmem>> -> memref<120x64xf32, #tpu.memory_space<vmem>>
        %dma_wait3A_390 = arith.constant 64 : i32
        %dma_wait3A_391 = tpu.memref_slice %arg2[%add3A_372, %dma_wait3A_390] : memref<10000x128xf32, #tpu.memory_space<hbm>> -> memref<120x64xf32, #tpu.memory_space<hbm>>
        tpu.wait_dma2 semaphore(%run_scoped3A_373 : memref<!tpu.dma_semaphore, #tpu.memory_space<semaphore_mem>>) src(%dma_wait3A_391 : memref<120x64xf32, #tpu.memory_space<hbm>>) dst(%dma_wait3A_389 : memref<120x64xf32, #tpu.memory_space<vmem>>)
        tpu.yield
      }) : () -> ()
      "tpu.region"() ({
        %run_scoped3A_373 = tpu.sem_alloc : memref<!tpu.dma_semaphore, #tpu.memory_space<semaphore_mem>>
        %dma_start3A = arith.constant 0 : i32
        %dma_start3A_374 = arith.constant 0 : i32
        %dma_start3A_375 = tpu.memref_slice %arg7[%dma_start3A, %dma_start3A_374] : memref<128x64xf32, #tpu.memory_space<vmem>> -> memref<120x64xf32, #tpu.memory_space<vmem>>
        %dma_start3A_376 = arith.constant 0 : i32
        %dma_start3A_377 = tpu.memref_slice %arg11[%add3A_372, %dma_start3A_376] : memref<10112x64xf32, #tpu.memory_space<vmem_shared>> -> memref<120x64xf32, #tpu.memory_space<vmem_shared>>
        %dma_start3A_378 = arith.constant 0 : i32
        %dma_start3A_379 = tpu.memref_slice %arg11[%add3A_372, %dma_start3A_378] : memref<10112x64xf32, #tpu.memory_space<vmem_shared>> -> memref<120x64xf32, #tpu.memory_space<vmem_shared>>
        %dma_start3A_380 = arith.constant 0 : i32
        %dma_start3A_381 = arith.constant 0 : i32
        %dma_start3A_382 = tpu.memref_slice %arg7[%dma_start3A_380, %dma_start3A_381] : memref<128x64xf32, #tpu.memory_space<vmem>> -> memref<120x64xf32, #tpu.memory_space<vmem>>
        tpu.enqueue_dma source(%dma_start3A_382 : memref<120x64xf32, #tpu.memory_space<vmem>>) target(%dma_start3A_379 : memref<120x64xf32, #tpu.memory_space<vmem_shared>>) target_semaphore(%run_scoped3A_373 : memref<!tpu.dma_semaphore, #tpu.memory_space<semaphore_mem>>)
        %dma_wait3A = arith.constant 0 : i32
        %dma_wait3A_383 = arith.constant 0 : i32
        %dma_wait3A_384 = tpu.memref_slice %arg7[%dma_wait3A, %dma_wait3A_383] : memref<128x64xf32, #tpu.memory_space<vmem>> -> memref<120x64xf32, #tpu.memory_space<vmem>>
        %dma_wait3A_385 = arith.constant 0 : i32
        %dma_wait3A_386 = tpu.memref_slice %arg11[%add3A_372, %dma_wait3A_385] : memref<10112x64xf32, #tpu.memory_space<vmem_shared>> -> memref<120x64xf32, #tpu.memory_space<vmem_shared>>
        %dma_wait3A_387 = arith.constant 0 : i32
        %dma_wait3A_388 = tpu.memref_slice %arg11[%add3A_372, %dma_wait3A_387] : memref<10112x64xf32, #tpu.memory_space<vmem_shared>> -> memref<120x64xf32, #tpu.memory_space<vmem_shared>>
        %dma_wait3A_389 = arith.constant 0 : i32
        %dma_wait3A_390 = arith.constant 0 : i32
        %dma_wait3A_391 = tpu.memref_slice %arg7[%dma_wait3A_389, %dma_wait3A_390] : memref<128x64xf32, #tpu.memory_space<vmem>> -> memref<120x64xf32, #tpu.memory_space<vmem>>
        tpu.wait_dma2 semaphore(%run_scoped3A_373 : memref<!tpu.dma_semaphore, #tpu.memory_space<semaphore_mem>>) src(%dma_wait3A_391 : memref<120x64xf32, #tpu.memory_space<vmem>>) dst(%dma_wait3A_388 : memref<120x64xf32, #tpu.memory_space<vmem_shared>>)
        tpu.yield
      }) : () -> ()
    } else {
    }
    %eq3A_329 = arith.constant 15 : i32
    %eq3A_330 = arith.cmpi eq, %arg1, %eq3A_329 : i32
    %convert_element_type3A_331 = arith.extui %eq3A_330 : i1 to i32
    %cond3A_332 = arith.constant 0 : i32
    %cond3A_333 = arith.cmpi ne, %convert_element_type3A_331, %cond3A_332 : i32
    scf.if %cond3A_333 {
      %add3A_363 = arith.constant 0 : i32
      %add3A_364 = arith.addi %mul3A_255, %add3A_363 : i32
      "tpu.region"() ({
        %run_scoped3A_373 = tpu.sem_alloc : memref<!tpu.dma_semaphore, #tpu.memory_space<semaphore_mem>>
        %dma_start3A = arith.constant 64 : i32
        %dma_start3A_374 = tpu.memref_slice %arg2[%add3A_364, %dma_start3A] : memref<10000x128xf32, #tpu.memory_space<hbm>> -> memref<128x64xf32, #tpu.memory_space<hbm>>
        %dma_start3A_375 = arith.constant 64 : i32
        %dma_start3A_376 = tpu.memref_slice %arg2[%add3A_364, %dma_start3A_375] : memref<10000x128xf32, #tpu.memory_space<hbm>> -> memref<128x64xf32, #tpu.memory_space<hbm>>
        tpu.enqueue_dma source(%dma_start3A_376 : memref<128x64xf32, #tpu.memory_space<hbm>>) target(%arg7 : memref<128x64xf32, #tpu.memory_space<vmem>>) target_semaphore(%run_scoped3A_373 : memref<!tpu.dma_semaphore, #tpu.memory_space<semaphore_mem>>)
        %dma_wait3A = arith.constant 64 : i32
        %dma_wait3A_377 = tpu.memref_slice %arg2[%add3A_364, %dma_wait3A] : memref<10000x128xf32, #tpu.memory_space<hbm>> -> memref<128x64xf32, #tpu.memory_space<hbm>>
        %dma_wait3A_378 = arith.constant 64 : i32
        %dma_wait3A_379 = tpu.memref_slice %arg2[%add3A_364, %dma_wait3A_378] : memref<10000x128xf32, #tpu.memory_space<hbm>> -> memref<128x64xf32, #tpu.memory_space<hbm>>
        tpu.wait_dma2 semaphore(%run_scoped3A_373 : memref<!tpu.dma_semaphore, #tpu.memory_space<semaphore_mem>>) src(%dma_wait3A_379 : memref<128x64xf32, #tpu.memory_space<hbm>>) dst(%arg7 : memref<128x64xf32, #tpu.memory_space<vmem>>)
        tpu.yield
      }) : () -> ()
      "tpu.region"() ({
        %run_scoped3A_373 = tpu.sem_alloc : memref<!tpu.dma_semaphore, #tpu.memory_space<semaphore_mem>>
        %dma_start3A = arith.constant 0 : i32
        %dma_start3A_374 = tpu.memref_slice %arg11[%add3A_364, %dma_start3A] : memref<10112x64xf32, #tpu.memory_space<vmem_shared>> -> memref<128x64xf32, #tpu.memory_space<vmem_shared>>
        %dma_start3A_375 = arith.constant 0 : i32
        %dma_start3A_376 = tpu.memref_slice %arg11[%add3A_364, %dma_start3A_375] : memref<10112x64xf32, #tpu.memory_space<vmem_shared>> -> memref<128x64xf32, #tpu.memory_space<vmem_shared>>
        tpu.enqueue_dma source(%arg7 : memref<128x64xf32, #tpu.memory_space<vmem>>) target(%dma_start3A_376 : memref<128x64xf32, #tpu.memory_space<vmem_shared>>) target_semaphore(%run_scoped3A_373 : memref<!tpu.dma_semaphore, #tpu.memory_space<semaphore_mem>>)
        %dma_wait3A = arith.constant 0 : i32
        %dma_wait3A_377 = tpu.memref_slice %arg11[%add3A_364, %dma_wait3A] : memref<10112x64xf32, #tpu.memory_space<vmem_shared>> -> memref<128x64xf32, #tpu.memory_space<vmem_shared>>
        %dma_wait3A_378 = arith.constant 0 : i32
        %dma_wait3A_379 = tpu.memref_slice %arg11[%add3A_364, %dma_wait3A_378] : memref<10112x64xf32, #tpu.memory_space<vmem_shared>> -> memref<128x64xf32, #tpu.memory_space<vmem_shared>>
        tpu.wait_dma2 semaphore(%run_scoped3A_373 : memref<!tpu.dma_semaphore, #tpu.memory_space<semaphore_mem>>) src(%arg7 : memref<128x64xf32, #tpu.memory_space<vmem>>) dst(%dma_wait3A_379 : memref<128x64xf32, #tpu.memory_space<vmem_shared>>)
        tpu.yield
      }) : () -> ()
      %add3A_365 = arith.constant 128 : i32
      %add3A_366 = arith.addi %mul3A_255, %add3A_365 : i32
      "tpu.region"() ({
        %run_scoped3A_373 = tpu.sem_alloc : memref<!tpu.dma_semaphore, #tpu.memory_space<semaphore_mem>>
        %dma_start3A = arith.constant 64 : i32
        %dma_start3A_374 = tpu.memref_slice %arg2[%add3A_366, %dma_start3A] : memref<10000x128xf32, #tpu.memory_space<hbm>> -> memref<128x64xf32, #tpu.memory_space<hbm>>
        %dma_start3A_375 = arith.constant 64 : i32
        %dma_start3A_376 = tpu.memref_slice %arg2[%add3A_366, %dma_start3A_375] : memref<10000x128xf32, #tpu.memory_space<hbm>> -> memref<128x64xf32, #tpu.memory_space<hbm>>
        tpu.enqueue_dma source(%dma_start3A_376 : memref<128x64xf32, #tpu.memory_space<hbm>>) target(%arg7 : memref<128x64xf32, #tpu.memory_space<vmem>>) target_semaphore(%run_scoped3A_373 : memref<!tpu.dma_semaphore, #tpu.memory_space<semaphore_mem>>)
        %dma_wait3A = arith.constant 64 : i32
        %dma_wait3A_377 = tpu.memref_slice %arg2[%add3A_366, %dma_wait3A] : memref<10000x128xf32, #tpu.memory_space<hbm>> -> memref<128x64xf32, #tpu.memory_space<hbm>>
        %dma_wait3A_378 = arith.constant 64 : i32
        %dma_wait3A_379 = tpu.memref_slice %arg2[%add3A_366, %dma_wait3A_378] : memref<10000x128xf32, #tpu.memory_space<hbm>> -> memref<128x64xf32, #tpu.memory_space<hbm>>
        tpu.wait_dma2 semaphore(%run_scoped3A_373 : memref<!tpu.dma_semaphore, #tpu.memory_space<semaphore_mem>>) src(%dma_wait3A_379 : memref<128x64xf32, #tpu.memory_space<hbm>>) dst(%arg7 : memref<128x64xf32, #tpu.memory_space<vmem>>)
        tpu.yield
      }) : () -> ()
      "tpu.region"() ({
        %run_scoped3A_373 = tpu.sem_alloc : memref<!tpu.dma_semaphore, #tpu.memory_space<semaphore_mem>>
        %dma_start3A = arith.constant 0 : i32
        %dma_start3A_374 = tpu.memref_slice %arg11[%add3A_366, %dma_start3A] : memref<10112x64xf32, #tpu.memory_space<vmem_shared>> -> memref<128x64xf32, #tpu.memory_space<vmem_shared>>
        %dma_start3A_375 = arith.constant 0 : i32
        %dma_start3A_376 = tpu.memref_slice %arg11[%add3A_366, %dma_start3A_375] : memref<10112x64xf32, #tpu.memory_space<vmem_shared>> -> memref<128x64xf32, #tpu.memory_space<vmem_shared>>
        tpu.enqueue_dma source(%arg7 : memref<128x64xf32, #tpu.memory_space<vmem>>) target(%dma_start3A_376 : memref<128x64xf32, #tpu.memory_space<vmem_shared>>) target_semaphore(%run_scoped3A_373 : memref<!tpu.dma_semaphore, #tpu.memory_space<semaphore_mem>>)
        %dma_wait3A = arith.constant 0 : i32
        %dma_wait3A_377 = tpu.memref_slice %arg11[%add3A_366, %dma_wait3A] : memref<10112x64xf32, #tpu.memory_space<vmem_shared>> -> memref<128x64xf32, #tpu.memory_space<vmem_shared>>
        %dma_wait3A_378 = arith.constant 0 : i32
        %dma_wait3A_379 = tpu.memref_slice %arg11[%add3A_366, %dma_wait3A_378] : memref<10112x64xf32, #tpu.memory_space<vmem_shared>> -> memref<128x64xf32, #tpu.memory_space<vmem_shared>>
        tpu.wait_dma2 semaphore(%run_scoped3A_373 : memref<!tpu.dma_semaphore, #tpu.memory_space<semaphore_mem>>) src(%arg7 : memref<128x64xf32, #tpu.memory_space<vmem>>) dst(%dma_wait3A_379 : memref<128x64xf32, #tpu.memory_space<vmem_shared>>)
        tpu.yield
      }) : () -> ()
      %add3A_367 = arith.constant 256 : i32
      %add3A_368 = arith.addi %mul3A_255, %add3A_367 : i32
      "tpu.region"() ({
        %run_scoped3A_373 = tpu.sem_alloc : memref<!tpu.dma_semaphore, #tpu.memory_space<semaphore_mem>>
        %dma_start3A = arith.constant 64 : i32
        %dma_start3A_374 = tpu.memref_slice %arg2[%add3A_368, %dma_start3A] : memref<10000x128xf32, #tpu.memory_space<hbm>> -> memref<128x64xf32, #tpu.memory_space<hbm>>
        %dma_start3A_375 = arith.constant 64 : i32
        %dma_start3A_376 = tpu.memref_slice %arg2[%add3A_368, %dma_start3A_375] : memref<10000x128xf32, #tpu.memory_space<hbm>> -> memref<128x64xf32, #tpu.memory_space<hbm>>
        tpu.enqueue_dma source(%dma_start3A_376 : memref<128x64xf32, #tpu.memory_space<hbm>>) target(%arg7 : memref<128x64xf32, #tpu.memory_space<vmem>>) target_semaphore(%run_scoped3A_373 : memref<!tpu.dma_semaphore, #tpu.memory_space<semaphore_mem>>)
        %dma_wait3A = arith.constant 64 : i32
        %dma_wait3A_377 = tpu.memref_slice %arg2[%add3A_368, %dma_wait3A] : memref<10000x128xf32, #tpu.memory_space<hbm>> -> memref<128x64xf32, #tpu.memory_space<hbm>>
        %dma_wait3A_378 = arith.constant 64 : i32
        %dma_wait3A_379 = tpu.memref_slice %arg2[%add3A_368, %dma_wait3A_378] : memref<10000x128xf32, #tpu.memory_space<hbm>> -> memref<128x64xf32, #tpu.memory_space<hbm>>
        tpu.wait_dma2 semaphore(%run_scoped3A_373 : memref<!tpu.dma_semaphore, #tpu.memory_space<semaphore_mem>>) src(%dma_wait3A_379 : memref<128x64xf32, #tpu.memory_space<hbm>>) dst(%arg7 : memref<128x64xf32, #tpu.memory_space<vmem>>)
        tpu.yield
      }) : () -> ()
      "tpu.region"() ({
        %run_scoped3A_373 = tpu.sem_alloc : memref<!tpu.dma_semaphore, #tpu.memory_space<semaphore_mem>>
        %dma_start3A = arith.constant 0 : i32
        %dma_start3A_374 = tpu.memref_slice %arg11[%add3A_368, %dma_start3A] : memref<10112x64xf32, #tpu.memory_space<vmem_shared>> -> memref<128x64xf32, #tpu.memory_space<vmem_shared>>
        %dma_start3A_375 = arith.constant 0 : i32
        %dma_start3A_376 = tpu.memref_slice %arg11[%add3A_368, %dma_start3A_375] : memref<10112x64xf32, #tpu.memory_space<vmem_shared>> -> memref<128x64xf32, #tpu.memory_space<vmem_shared>>
        tpu.enqueue_dma source(%arg7 : memref<128x64xf32, #tpu.memory_space<vmem>>) target(%dma_start3A_376 : memref<128x64xf32, #tpu.memory_space<vmem_shared>>) target_semaphore(%run_scoped3A_373 : memref<!tpu.dma_semaphore, #tpu.memory_space<semaphore_mem>>)
        %dma_wait3A = arith.constant 0 : i32
        %dma_wait3A_377 = tpu.memref_slice %arg11[%add3A_368, %dma_wait3A] : memref<10112x64xf32, #tpu.memory_space<vmem_shared>> -> memref<128x64xf32, #tpu.memory_space<vmem_shared>>
        %dma_wait3A_378 = arith.constant 0 : i32
        %dma_wait3A_379 = tpu.memref_slice %arg11[%add3A_368, %dma_wait3A_378] : memref<10112x64xf32, #tpu.memory_space<vmem_shared>> -> memref<128x64xf32, #tpu.memory_space<vmem_shared>>
        tpu.wait_dma2 semaphore(%run_scoped3A_373 : memref<!tpu.dma_semaphore, #tpu.memory_space<semaphore_mem>>) src(%arg7 : memref<128x64xf32, #tpu.memory_space<vmem>>) dst(%dma_wait3A_379 : memref<128x64xf32, #tpu.memory_space<vmem_shared>>)
        tpu.yield
      }) : () -> ()
      %add3A_369 = arith.constant 384 : i32
      %add3A_370 = arith.addi %mul3A_255, %add3A_369 : i32
      "tpu.region"() ({
        %run_scoped3A_373 = tpu.sem_alloc : memref<!tpu.dma_semaphore, #tpu.memory_space<semaphore_mem>>
        %dma_start3A = arith.constant 64 : i32
        %dma_start3A_374 = tpu.memref_slice %arg2[%add3A_370, %dma_start3A] : memref<10000x128xf32, #tpu.memory_space<hbm>> -> memref<128x64xf32, #tpu.memory_space<hbm>>
        %dma_start3A_375 = arith.constant 64 : i32
        %dma_start3A_376 = tpu.memref_slice %arg2[%add3A_370, %dma_start3A_375] : memref<10000x128xf32, #tpu.memory_space<hbm>> -> memref<128x64xf32, #tpu.memory_space<hbm>>
        tpu.enqueue_dma source(%dma_start3A_376 : memref<128x64xf32, #tpu.memory_space<hbm>>) target(%arg7 : memref<128x64xf32, #tpu.memory_space<vmem>>) target_semaphore(%run_scoped3A_373 : memref<!tpu.dma_semaphore, #tpu.memory_space<semaphore_mem>>)
        %dma_wait3A = arith.constant 64 : i32
        %dma_wait3A_377 = tpu.memref_slice %arg2[%add3A_370, %dma_wait3A] : memref<10000x128xf32, #tpu.memory_space<hbm>> -> memref<128x64xf32, #tpu.memory_space<hbm>>
        %dma_wait3A_378 = arith.constant 64 : i32
        %dma_wait3A_379 = tpu.memref_slice %arg2[%add3A_370, %dma_wait3A_378] : memref<10000x128xf32, #tpu.memory_space<hbm>> -> memref<128x64xf32, #tpu.memory_space<hbm>>
        tpu.wait_dma2 semaphore(%run_scoped3A_373 : memref<!tpu.dma_semaphore, #tpu.memory_space<semaphore_mem>>) src(%dma_wait3A_379 : memref<128x64xf32, #tpu.memory_space<hbm>>) dst(%arg7 : memref<128x64xf32, #tpu.memory_space<vmem>>)
        tpu.yield
      }) : () -> ()
      "tpu.region"() ({
        %run_scoped3A_373 = tpu.sem_alloc : memref<!tpu.dma_semaphore, #tpu.memory_space<semaphore_mem>>
        %dma_start3A = arith.constant 0 : i32
        %dma_start3A_374 = tpu.memref_slice %arg11[%add3A_370, %dma_start3A] : memref<10112x64xf32, #tpu.memory_space<vmem_shared>> -> memref<128x64xf32, #tpu.memory_space<vmem_shared>>
        %dma_start3A_375 = arith.constant 0 : i32
        %dma_start3A_376 = tpu.memref_slice %arg11[%add3A_370, %dma_start3A_375] : memref<10112x64xf32, #tpu.memory_space<vmem_shared>> -> memref<128x64xf32, #tpu.memory_space<vmem_shared>>
        tpu.enqueue_dma source(%arg7 : memref<128x64xf32, #tpu.memory_space<vmem>>) target(%dma_start3A_376 : memref<128x64xf32, #tpu.memory_space<vmem_shared>>) target_semaphore(%run_scoped3A_373 : memref<!tpu.dma_semaphore, #tpu.memory_space<semaphore_mem>>)
        %dma_wait3A = arith.constant 0 : i32
        %dma_wait3A_377 = tpu.memref_slice %arg11[%add3A_370, %dma_wait3A] : memref<10112x64xf32, #tpu.memory_space<vmem_shared>> -> memref<128x64xf32, #tpu.memory_space<vmem_shared>>
        %dma_wait3A_378 = arith.constant 0 : i32
        %dma_wait3A_379 = tpu.memref_slice %arg11[%add3A_370, %dma_wait3A_378] : memref<10112x64xf32, #tpu.memory_space<vmem_shared>> -> memref<128x64xf32, #tpu.memory_space<vmem_shared>>
        tpu.wait_dma2 semaphore(%run_scoped3A_373 : memref<!tpu.dma_semaphore, #tpu.memory_space<semaphore_mem>>) src(%arg7 : memref<128x64xf32, #tpu.memory_space<vmem>>) dst(%dma_wait3A_379 : memref<128x64xf32, #tpu.memory_space<vmem_shared>>)
        tpu.yield
      }) : () -> ()
      %add3A_371 = arith.constant 512 : i32
      %add3A_372 = arith.addi %mul3A_255, %add3A_371 : i32
      "tpu.region"() ({
        %run_scoped3A_373 = tpu.sem_alloc : memref<!tpu.dma_semaphore, #tpu.memory_space<semaphore_mem>>
        %dma_start3A = arith.constant 0 : i32
        %dma_start3A_374 = arith.constant 0 : i32
        %dma_start3A_375 = tpu.memref_slice %arg7[%dma_start3A, %dma_start3A_374] : memref<128x64xf32, #tpu.memory_space<vmem>> -> memref<8x64xf32, #tpu.memory_space<vmem>>
        %dma_start3A_376 = arith.constant 64 : i32
        %dma_start3A_377 = tpu.memref_slice %arg2[%add3A_372, %dma_start3A_376] : memref<10000x128xf32, #tpu.memory_space<hbm>> -> memref<8x64xf32, #tpu.memory_space<hbm>>
        %dma_start3A_378 = arith.constant 0 : i32
        %dma_start3A_379 = arith.constant 0 : i32
        %dma_start3A_380 = tpu.memref_slice %arg7[%dma_start3A_378, %dma_start3A_379] : memref<128x64xf32, #tpu.memory_space<vmem>> -> memref<8x64xf32, #tpu.memory_space<vmem>>
        %dma_start3A_381 = arith.constant 64 : i32
        %dma_start3A_382 = tpu.memref_slice %arg2[%add3A_372, %dma_start3A_381] : memref<10000x128xf32, #tpu.memory_space<hbm>> -> memref<8x64xf32, #tpu.memory_space<hbm>>
        tpu.enqueue_dma source(%dma_start3A_382 : memref<8x64xf32, #tpu.memory_space<hbm>>) target(%dma_start3A_380 : memref<8x64xf32, #tpu.memory_space<vmem>>) target_semaphore(%run_scoped3A_373 : memref<!tpu.dma_semaphore, #tpu.memory_space<semaphore_mem>>)
        %dma_wait3A = arith.constant 0 : i32
        %dma_wait3A_383 = arith.constant 0 : i32
        %dma_wait3A_384 = tpu.memref_slice %arg7[%dma_wait3A, %dma_wait3A_383] : memref<128x64xf32, #tpu.memory_space<vmem>> -> memref<8x64xf32, #tpu.memory_space<vmem>>
        %dma_wait3A_385 = arith.constant 64 : i32
        %dma_wait3A_386 = tpu.memref_slice %arg2[%add3A_372, %dma_wait3A_385] : memref<10000x128xf32, #tpu.memory_space<hbm>> -> memref<8x64xf32, #tpu.memory_space<hbm>>
        %dma_wait3A_387 = arith.constant 0 : i32
        %dma_wait3A_388 = arith.constant 0 : i32
        %dma_wait3A_389 = tpu.memref_slice %arg7[%dma_wait3A_387, %dma_wait3A_388] : memref<128x64xf32, #tpu.memory_space<vmem>> -> memref<8x64xf32, #tpu.memory_space<vmem>>
        %dma_wait3A_390 = arith.constant 64 : i32
        %dma_wait3A_391 = tpu.memref_slice %arg2[%add3A_372, %dma_wait3A_390] : memref<10000x128xf32, #tpu.memory_space<hbm>> -> memref<8x64xf32, #tpu.memory_space<hbm>>
        tpu.wait_dma2 semaphore(%run_scoped3A_373 : memref<!tpu.dma_semaphore, #tpu.memory_space<semaphore_mem>>) src(%dma_wait3A_391 : memref<8x64xf32, #tpu.memory_space<hbm>>) dst(%dma_wait3A_389 : memref<8x64xf32, #tpu.memory_space<vmem>>)
        tpu.yield
      }) : () -> ()
      "tpu.region"() ({
        %run_scoped3A_373 = tpu.sem_alloc : memref<!tpu.dma_semaphore, #tpu.memory_space<semaphore_mem>>
        %dma_start3A = arith.constant 0 : i32
        %dma_start3A_374 = arith.constant 0 : i32
        %dma_start3A_375 = tpu.memref_slice %arg7[%dma_start3A, %dma_start3A_374] : memref<128x64xf32, #tpu.memory_space<vmem>> -> memref<8x64xf32, #tpu.memory_space<vmem>>
        %dma_start3A_376 = arith.constant 0 : i32
        %dma_start3A_377 = tpu.memref_slice %arg11[%add3A_372, %dma_start3A_376] : memref<10112x64xf32, #tpu.memory_space<vmem_shared>> -> memref<8x64xf32, #tpu.memory_space<vmem_shared>>
        %dma_start3A_378 = arith.constant 0 : i32
        %dma_start3A_379 = tpu.memref_slice %arg11[%add3A_372, %dma_start3A_378] : memref<10112x64xf32, #tpu.memory_space<vmem_shared>> -> memref<8x64xf32, #tpu.memory_space<vmem_shared>>
        %dma_start3A_380 = arith.constant 0 : i32
        %dma_start3A_381 = arith.constant 0 : i32
        %dma_start3A_382 = tpu.memref_slice %arg7[%dma_start3A_380, %dma_start3A_381] : memref<128x64xf32, #tpu.memory_space<vmem>> -> memref<8x64xf32, #tpu.memory_space<vmem>>
        tpu.enqueue_dma source(%dma_start3A_382 : memref<8x64xf32, #tpu.memory_space<vmem>>) target(%dma_start3A_379 : memref<8x64xf32, #tpu.memory_space<vmem_shared>>) target_semaphore(%run_scoped3A_373 : memref<!tpu.dma_semaphore, #tpu.memory_space<semaphore_mem>>)
        %dma_wait3A = arith.constant 0 : i32
        %dma_wait3A_383 = arith.constant 0 : i32
        %dma_wait3A_384 = tpu.memref_slice %arg7[%dma_wait3A, %dma_wait3A_383] : memref<128x64xf32, #tpu.memory_space<vmem>> -> memref<8x64xf32, #tpu.memory_space<vmem>>
        %dma_wait3A_385 = arith.constant 0 : i32
        %dma_wait3A_386 = tpu.memref_slice %arg11[%add3A_372, %dma_wait3A_385] : memref<10112x64xf32, #tpu.memory_space<vmem_shared>> -> memref<8x64xf32, #tpu.memory_space<vmem_shared>>
        %dma_wait3A_387 = arith.constant 0 : i32
        %dma_wait3A_388 = tpu.memref_slice %arg11[%add3A_372, %dma_wait3A_387] : memref<10112x64xf32, #tpu.memory_space<vmem_shared>> -> memref<8x64xf32, #tpu.memory_space<vmem_shared>>
        %dma_wait3A_389 = arith.constant 0 : i32
        %dma_wait3A_390 = arith.constant 0 : i32
        %dma_wait3A_391 = tpu.memref_slice %arg7[%dma_wait3A_389, %dma_wait3A_390] : memref<128x64xf32, #tpu.memory_space<vmem>> -> memref<8x64xf32, #tpu.memory_space<vmem>>
        tpu.wait_dma2 semaphore(%run_scoped3A_373 : memref<!tpu.dma_semaphore, #tpu.memory_space<semaphore_mem>>) src(%dma_wait3A_391 : memref<8x64xf32, #tpu.memory_space<vmem>>) dst(%dma_wait3A_388 : memref<8x64xf32, #tpu.memory_space<vmem_shared>>)
        tpu.yield
      }) : () -> ()
    } else {
    }
    %barrier3A_334 = arith.constant 0 : index
    tpu.barrier barrier_id(%barrier3A_334)
    %scan3A_335 = arith.constant 0 : i32
    %scan3A_336 = arith.constant 0 : i32
    %scan3A_337 = arith.constant 27 : i32
    %scan3A_338 = arith.addi %scan3A_336, %scan3A_337 : i32
    %scan3A_339 = arith.constant 1 : i32
    %scan3A_340 = scf.for %scan3A_363 = %scan3A_336 to %scan3A_338 step %scan3A_339 iter_args(%scan3A_364 = %scan3A_335) -> (i32)  : i32 {
      %mul3A_365 = arith.constant 3 : i32
      %mul3A_366 = arith.muli %scan3A_363, %mul3A_365 : i32
      %add3A_367 = arith.constant 0 : i32
      %add3A_368 = arith.addi %mul3A_366, %add3A_367 : i32
      %mul3A_369 = arith.constant 128 : i32
      %mul3A_370 = arith.muli %add3A_368, %mul3A_369 : i32
      %dma_start3A = tpu.memref_slice %arg5[%mul3A_370] : memref<10368xi32, #tpu.memory_space<vmem>> -> memref<128xi32, #tpu.memory_space<vmem>>
      %dma_start3A_371 = arith.constant 0 : i32
      %dma_start3A_372 = arith.constant 0 : i32
      %dma_start3A_373 = tpu.memref_slice %arg11[%dma_start3A_371, %dma_start3A_372] : memref<10112x64xf32, #tpu.memory_space<vmem_shared>> -> memref<10112x64xf32, #tpu.memory_space<vmem_shared>>
      tpu.enqueue_indirect_dma source(%dma_start3A_373 : memref<10112x64xf32, #tpu.memory_space<vmem_shared>>) target(%arg7 : memref<128x64xf32, #tpu.memory_space<vmem>>) offsets(%dma_start3A : memref<128xi32, #tpu.memory_space<vmem>>) semaphore(%arg12 : memref<!tpu.dma_semaphore, #tpu.memory_space<semaphore_mem>>)
      %add3A_374 = arith.constant 1 : i32
      %add3A_375 = arith.addi %mul3A_366, %add3A_374 : i32
      %mul3A_376 = arith.constant 128 : i32
      %mul3A_377 = arith.muli %add3A_375, %mul3A_376 : i32
      %dma_start3A_378 = tpu.memref_slice %arg5[%mul3A_377] : memref<10368xi32, #tpu.memory_space<vmem>> -> memref<128xi32, #tpu.memory_space<vmem>>
      %dma_start3A_379 = arith.constant 0 : i32
      %dma_start3A_380 = arith.constant 0 : i32
      %dma_start3A_381 = tpu.memref_slice %arg11[%dma_start3A_379, %dma_start3A_380] : memref<10112x64xf32, #tpu.memory_space<vmem_shared>> -> memref<10112x64xf32, #tpu.memory_space<vmem_shared>>
      tpu.enqueue_indirect_dma source(%dma_start3A_381 : memref<10112x64xf32, #tpu.memory_space<vmem_shared>>) target(%arg8 : memref<128x64xf32, #tpu.memory_space<vmem>>) offsets(%dma_start3A_378 : memref<128xi32, #tpu.memory_space<vmem>>) semaphore(%arg12 : memref<!tpu.dma_semaphore, #tpu.memory_space<semaphore_mem>>)
      %add3A_382 = arith.constant 2 : i32
      %add3A_383 = arith.addi %mul3A_366, %add3A_382 : i32
      %mul3A_384 = arith.constant 128 : i32
      %mul3A_385 = arith.muli %add3A_383, %mul3A_384 : i32
      %dma_start3A_386 = tpu.memref_slice %arg5[%mul3A_385] : memref<10368xi32, #tpu.memory_space<vmem>> -> memref<128xi32, #tpu.memory_space<vmem>>
      %dma_start3A_387 = arith.constant 0 : i32
      %dma_start3A_388 = arith.constant 0 : i32
      %dma_start3A_389 = tpu.memref_slice %arg11[%dma_start3A_387, %dma_start3A_388] : memref<10112x64xf32, #tpu.memory_space<vmem_shared>> -> memref<10112x64xf32, #tpu.memory_space<vmem_shared>>
      tpu.enqueue_indirect_dma source(%dma_start3A_389 : memref<10112x64xf32, #tpu.memory_space<vmem_shared>>) target(%arg9 : memref<128x64xf32, #tpu.memory_space<vmem>>) offsets(%dma_start3A_386 : memref<128xi32, #tpu.memory_space<vmem>>) semaphore(%arg12 : memref<!tpu.dma_semaphore, #tpu.memory_space<semaphore_mem>>)
      %dma_wait3A = tpu.memref_slice %arg5[%mul3A_370] : memref<10368xi32, #tpu.memory_space<vmem>> -> memref<128xi32, #tpu.memory_space<vmem>>
      %dma_wait3A_390 = arith.constant 0 : i32
      %dma_wait3A_391 = arith.constant 0 : i32
      %dma_wait3A_392 = tpu.memref_slice %arg11[%dma_wait3A_390, %dma_wait3A_391] : memref<10112x64xf32, #tpu.memory_space<vmem_shared>> -> memref<10112x64xf32, #tpu.memory_space<vmem_shared>>
      tpu.wait_indirect_dma semaphore(%arg12 : memref<!tpu.dma_semaphore, #tpu.memory_space<semaphore_mem>>) src(%dma_wait3A_392 : memref<10112x64xf32, #tpu.memory_space<vmem_shared>>) dst(%arg7 : memref<128x64xf32, #tpu.memory_space<vmem>>)
      %dma_wait3A_393 = tpu.memref_slice %arg5[%mul3A_377] : memref<10368xi32, #tpu.memory_space<vmem>> -> memref<128xi32, #tpu.memory_space<vmem>>
      %dma_wait3A_394 = arith.constant 0 : i32
      %dma_wait3A_395 = arith.constant 0 : i32
      %dma_wait3A_396 = tpu.memref_slice %arg11[%dma_wait3A_394, %dma_wait3A_395] : memref<10112x64xf32, #tpu.memory_space<vmem_shared>> -> memref<10112x64xf32, #tpu.memory_space<vmem_shared>>
      tpu.wait_indirect_dma semaphore(%arg12 : memref<!tpu.dma_semaphore, #tpu.memory_space<semaphore_mem>>) src(%dma_wait3A_396 : memref<10112x64xf32, #tpu.memory_space<vmem_shared>>) dst(%arg8 : memref<128x64xf32, #tpu.memory_space<vmem>>)
      %dma_wait3A_397 = tpu.memref_slice %arg5[%mul3A_385] : memref<10368xi32, #tpu.memory_space<vmem>> -> memref<128xi32, #tpu.memory_space<vmem>>
      %dma_wait3A_398 = arith.constant 0 : i32
      %dma_wait3A_399 = arith.constant 0 : i32
      %dma_wait3A_400 = tpu.memref_slice %arg11[%dma_wait3A_398, %dma_wait3A_399] : memref<10112x64xf32, #tpu.memory_space<vmem_shared>> -> memref<10112x64xf32, #tpu.memory_space<vmem_shared>>
      tpu.wait_indirect_dma semaphore(%arg12 : memref<!tpu.dma_semaphore, #tpu.memory_space<semaphore_mem>>) src(%dma_wait3A_400 : memref<10112x64xf32, #tpu.memory_space<vmem_shared>>) dst(%arg9 : memref<128x64xf32, #tpu.memory_space<vmem>>)
      %add3A_401 = arith.constant 0 : i32
      %add3A_402 = arith.addi %mul3A_366, %add3A_401 : i32
      %dma_start3A_403 = arith.constant 0 : i32
      %dma_start3A_404 = tpu.memref_slice %arg6[%add3A_402, %dma_start3A_403] : memref<81x128xi32, #tpu.memory_space<vmem>> -> memref<1x128xi32, #tpu.memory_space<vmem>>
      %dma_start3A_405 = tpu.memref_squeeze %dma_start3A_404 : memref<1x128xi32, #tpu.memory_space<vmem>> -> memref<128xi32, #tpu.memory_space<vmem>>
      %dma_start3A_406 = arith.constant 0 : i32
      %dma_start3A_407 = arith.constant 0 : i32
      %dma_start3A_408 = tpu.memref_slice %arg10[%dma_start3A_406, %dma_start3A_407] : memref<10112x64xf32, #tpu.memory_space<vmem_shared>> -> memref<10112x64xf32, #tpu.memory_space<vmem_shared>>
      tpu.enqueue_indirect_dma source(%arg7 : memref<128x64xf32, #tpu.memory_space<vmem>>) target(%dma_start3A_408 : memref<10112x64xf32, #tpu.memory_space<vmem_shared>>) offsets(%dma_start3A_405 : memref<128xi32, #tpu.memory_space<vmem>>) semaphore(%arg13 : memref<!tpu.dma_semaphore, #tpu.memory_space<semaphore_mem>>) {add = true}
      %add3A_409 = arith.constant 1 : i32
      %add3A_410 = arith.addi %mul3A_366, %add3A_409 : i32
      %dma_start3A_411 = arith.constant 0 : i32
      %dma_start3A_412 = tpu.memref_slice %arg6[%add3A_410, %dma_start3A_411] : memref<81x128xi32, #tpu.memory_space<vmem>> -> memref<1x128xi32, #tpu.memory_space<vmem>>
      %dma_start3A_413 = tpu.memref_squeeze %dma_start3A_412 : memref<1x128xi32, #tpu.memory_space<vmem>> -> memref<128xi32, #tpu.memory_space<vmem>>
      %dma_start3A_414 = arith.constant 0 : i32
      %dma_start3A_415 = arith.constant 0 : i32
      %dma_start3A_416 = tpu.memref_slice %arg10[%dma_start3A_414, %dma_start3A_415] : memref<10112x64xf32, #tpu.memory_space<vmem_shared>> -> memref<10112x64xf32, #tpu.memory_space<vmem_shared>>
      tpu.enqueue_indirect_dma source(%arg8 : memref<128x64xf32, #tpu.memory_space<vmem>>) target(%dma_start3A_416 : memref<10112x64xf32, #tpu.memory_space<vmem_shared>>) offsets(%dma_start3A_413 : memref<128xi32, #tpu.memory_space<vmem>>) semaphore(%arg13 : memref<!tpu.dma_semaphore, #tpu.memory_space<semaphore_mem>>) {add = true}
      %add3A_417 = arith.constant 2 : i32
      %add3A_418 = arith.addi %mul3A_366, %add3A_417 : i32
      %dma_start3A_419 = arith.constant 0 : i32
      %dma_start3A_420 = tpu.memref_slice %arg6[%add3A_418, %dma_start3A_419] : memref<81x128xi32, #tpu.memory_space<vmem>> -> memref<1x128xi32, #tpu.memory_space<vmem>>
      %dma_start3A_421 = tpu.memref_squeeze %dma_start3A_420 : memref<1x128xi32, #tpu.memory_space<vmem>> -> memref<128xi32, #tpu.memory_space<vmem>>
      %dma_start3A_422 = arith.constant 0 : i32
      %dma_start3A_423 = arith.constant 0 : i32
      %dma_start3A_424 = tpu.memref_slice %arg10[%dma_start3A_422, %dma_start3A_423] : memref<10112x64xf32, #tpu.memory_space<vmem_shared>> -> memref<10112x64xf32, #tpu.memory_space<vmem_shared>>
      tpu.enqueue_indirect_dma source(%arg9 : memref<128x64xf32, #tpu.memory_space<vmem>>) target(%dma_start3A_424 : memref<10112x64xf32, #tpu.memory_space<vmem_shared>>) offsets(%dma_start3A_421 : memref<128xi32, #tpu.memory_space<vmem>>) semaphore(%arg13 : memref<!tpu.dma_semaphore, #tpu.memory_space<semaphore_mem>>) {add = true}
      %dma_wait3A_425 = arith.constant 0 : i32
      %dma_wait3A_426 = tpu.memref_slice %arg6[%add3A_402, %dma_wait3A_425] : memref<81x128xi32, #tpu.memory_space<vmem>> -> memref<1x128xi32, #tpu.memory_space<vmem>>
      %dma_wait3A_427 = tpu.memref_squeeze %dma_wait3A_426 : memref<1x128xi32, #tpu.memory_space<vmem>> -> memref<128xi32, #tpu.memory_space<vmem>>
      %dma_wait3A_428 = arith.constant 0 : i32
      %dma_wait3A_429 = arith.constant 0 : i32
      %dma_wait3A_430 = tpu.memref_slice %arg10[%dma_wait3A_428, %dma_wait3A_429] : memref<10112x64xf32, #tpu.memory_space<vmem_shared>> -> memref<10112x64xf32, #tpu.memory_space<vmem_shared>>
      tpu.wait_indirect_dma semaphore(%arg13 : memref<!tpu.dma_semaphore, #tpu.memory_space<semaphore_mem>>) src(%arg7 : memref<128x64xf32, #tpu.memory_space<vmem>>) dst(%dma_wait3A_430 : memref<10112x64xf32, #tpu.memory_space<vmem_shared>>)
      %dma_wait3A_431 = arith.constant 0 : i32
      %dma_wait3A_432 = tpu.memref_slice %arg6[%add3A_410, %dma_wait3A_431] : memref<81x128xi32, #tpu.memory_space<vmem>> -> memref<1x128xi32, #tpu.memory_space<vmem>>
      %dma_wait3A_433 = tpu.memref_squeeze %dma_wait3A_432 : memref<1x128xi32, #tpu.memory_space<vmem>> -> memref<128xi32, #tpu.memory_space<vmem>>
      %dma_wait3A_434 = arith.constant 0 : i32
      %dma_wait3A_435 = arith.constant 0 : i32
      %dma_wait3A_436 = tpu.memref_slice %arg10[%dma_wait3A_434, %dma_wait3A_435] : memref<10112x64xf32, #tpu.memory_space<vmem_shared>> -> memref<10112x64xf32, #tpu.memory_space<vmem_shared>>
      tpu.wait_indirect_dma semaphore(%arg13 : memref<!tpu.dma_semaphore, #tpu.memory_space<semaphore_mem>>) src(%arg8 : memref<128x64xf32, #tpu.memory_space<vmem>>) dst(%dma_wait3A_436 : memref<10112x64xf32, #tpu.memory_space<vmem_shared>>)
      %dma_wait3A_437 = arith.constant 0 : i32
      %dma_wait3A_438 = tpu.memref_slice %arg6[%add3A_418, %dma_wait3A_437] : memref<81x128xi32, #tpu.memory_space<vmem>> -> memref<1x128xi32, #tpu.memory_space<vmem>>
      %dma_wait3A_439 = tpu.memref_squeeze %dma_wait3A_438 : memref<1x128xi32, #tpu.memory_space<vmem>> -> memref<128xi32, #tpu.memory_space<vmem>>
      %dma_wait3A_440 = arith.constant 0 : i32
      %dma_wait3A_441 = arith.constant 0 : i32
      %dma_wait3A_442 = tpu.memref_slice %arg10[%dma_wait3A_440, %dma_wait3A_441] : memref<10112x64xf32, #tpu.memory_space<vmem_shared>> -> memref<10112x64xf32, #tpu.memory_space<vmem_shared>>
      tpu.wait_indirect_dma semaphore(%arg13 : memref<!tpu.dma_semaphore, #tpu.memory_space<semaphore_mem>>) src(%arg9 : memref<128x64xf32, #tpu.memory_space<vmem>>) dst(%dma_wait3A_442 : memref<10112x64xf32, #tpu.memory_space<vmem_shared>>)
      %scan3A_443 = arith.constant 0 : i32
      scf.yield %scan3A_443 : i32
    }
    %scan3A_341 = arith.constant 27 : i32
    %barrier3A_342 = arith.constant 0 : index
    tpu.barrier barrier_id(%barrier3A_342)
    %add3A_343 = arith.constant 0 : i32
    %add3A_344 = arith.addi %mul3A_255, %add3A_343 : i32
    "tpu.region"() ({
      %run_scoped3A_363 = tpu.sem_alloc : memref<!tpu.dma_semaphore, #tpu.memory_space<semaphore_mem>>
      %dma_start3A = arith.constant 0 : i32
      %dma_start3A_364 = tpu.memref_slice %arg10[%add3A_344, %dma_start3A] : memref<10112x64xf32, #tpu.memory_space<vmem_shared>> -> memref<128x64xf32, #tpu.memory_space<vmem_shared>>
      %dma_start3A_365 = arith.constant 0 : i32
      %dma_start3A_366 = tpu.memref_slice %arg10[%add3A_344, %dma_start3A_365] : memref<10112x64xf32, #tpu.memory_space<vmem_shared>> -> memref<128x64xf32, #tpu.memory_space<vmem_shared>>
      tpu.enqueue_dma source(%dma_start3A_366 : memref<128x64xf32, #tpu.memory_space<vmem_shared>>) target(%arg7 : memref<128x64xf32, #tpu.memory_space<vmem>>) target_semaphore(%run_scoped3A_363 : memref<!tpu.dma_semaphore, #tpu.memory_space<semaphore_mem>>)
      %dma_wait3A = arith.constant 0 : i32
      %dma_wait3A_367 = tpu.memref_slice %arg10[%add3A_344, %dma_wait3A] : memref<10112x64xf32, #tpu.memory_space<vmem_shared>> -> memref<128x64xf32, #tpu.memory_space<vmem_shared>>
      %dma_wait3A_368 = arith.constant 0 : i32
      %dma_wait3A_369 = tpu.memref_slice %arg10[%add3A_344, %dma_wait3A_368] : memref<10112x64xf32, #tpu.memory_space<vmem_shared>> -> memref<128x64xf32, #tpu.memory_space<vmem_shared>>
      tpu.wait_dma2 semaphore(%run_scoped3A_363 : memref<!tpu.dma_semaphore, #tpu.memory_space<semaphore_mem>>) src(%dma_wait3A_369 : memref<128x64xf32, #tpu.memory_space<vmem_shared>>) dst(%arg7 : memref<128x64xf32, #tpu.memory_space<vmem>>)
      tpu.yield
    }) : () -> ()
    %add3A_345 = arith.constant 0 : i32
    %add3A_346 = arith.addi %mul3A_255, %add3A_345 : i32
    "tpu.region"() ({
      %run_scoped3A_363 = tpu.sem_alloc : memref<!tpu.dma_semaphore, #tpu.memory_space<semaphore_mem>>
      %dma_start3A = arith.constant 64 : i32
      %dma_start3A_364 = tpu.memref_slice %arg4[%arg0, %add3A_346, %dma_start3A] : memref<2x10112x128xf32, #tpu.memory_space<hbm>> -> memref<1x128x64xf32, #tpu.memory_space<hbm>>
      %dma_start3A_365 = tpu.memref_squeeze %dma_start3A_364 : memref<1x128x64xf32, #tpu.memory_space<hbm>> -> memref<128x64xf32, #tpu.memory_space<hbm>>
      %dma_start3A_366 = arith.constant 64 : i32
      %dma_start3A_367 = tpu.memref_slice %arg4[%arg0, %add3A_346, %dma_start3A_366] : memref<2x10112x128xf32, #tpu.memory_space<hbm>> -> memref<1x128x64xf32, #tpu.memory_space<hbm>>
      %dma_start3A_368 = tpu.memref_squeeze %dma_start3A_367 : memref<1x128x64xf32, #tpu.memory_space<hbm>> -> memref<128x64xf32, #tpu.memory_space<hbm>>
      tpu.enqueue_dma source(%arg7 : memref<128x64xf32, #tpu.memory_space<vmem>>) target(%dma_start3A_368 : memref<128x64xf32, #tpu.memory_space<hbm>>) target_semaphore(%run_scoped3A_363 : memref<!tpu.dma_semaphore, #tpu.memory_space<semaphore_mem>>)
      %dma_wait3A = arith.constant 64 : i32
      %dma_wait3A_369 = tpu.memref_slice %arg4[%arg0, %add3A_346, %dma_wait3A] : memref<2x10112x128xf32, #tpu.memory_space<hbm>> -> memref<1x128x64xf32, #tpu.memory_space<hbm>>
      %dma_wait3A_370 = tpu.memref_squeeze %dma_wait3A_369 : memref<1x128x64xf32, #tpu.memory_space<hbm>> -> memref<128x64xf32, #tpu.memory_space<hbm>>
      %dma_wait3A_371 = arith.constant 64 : i32
      %dma_wait3A_372 = tpu.memref_slice %arg4[%arg0, %add3A_346, %dma_wait3A_371] : memref<2x10112x128xf32, #tpu.memory_space<hbm>> -> memref<1x128x64xf32, #tpu.memory_space<hbm>>
      %dma_wait3A_373 = tpu.memref_squeeze %dma_wait3A_372 : memref<1x128x64xf32, #tpu.memory_space<hbm>> -> memref<128x64xf32, #tpu.memory_space<hbm>>
      tpu.wait_dma2 semaphore(%run_scoped3A_363 : memref<!tpu.dma_semaphore, #tpu.memory_space<semaphore_mem>>) src(%arg7 : memref<128x64xf32, #tpu.memory_space<vmem>>) dst(%dma_wait3A_373 : memref<128x64xf32, #tpu.memory_space<hbm>>)
      tpu.yield
    }) : () -> ()
    %add3A_347 = arith.constant 128 : i32
    %add3A_348 = arith.addi %mul3A_255, %add3A_347 : i32
    "tpu.region"() ({
      %run_scoped3A_363 = tpu.sem_alloc : memref<!tpu.dma_semaphore, #tpu.memory_space<semaphore_mem>>
      %dma_start3A = arith.constant 0 : i32
      %dma_start3A_364 = tpu.memref_slice %arg10[%add3A_348, %dma_start3A] : memref<10112x64xf32, #tpu.memory_space<vmem_shared>> -> memref<128x64xf32, #tpu.memory_space<vmem_shared>>
      %dma_start3A_365 = arith.constant 0 : i32
      %dma_start3A_366 = tpu.memref_slice %arg10[%add3A_348, %dma_start3A_365] : memref<10112x64xf32, #tpu.memory_space<vmem_shared>> -> memref<128x64xf32, #tpu.memory_space<vmem_shared>>
      tpu.enqueue_dma source(%dma_start3A_366 : memref<128x64xf32, #tpu.memory_space<vmem_shared>>) target(%arg7 : memref<128x64xf32, #tpu.memory_space<vmem>>) target_semaphore(%run_scoped3A_363 : memref<!tpu.dma_semaphore, #tpu.memory_space<semaphore_mem>>)
      %dma_wait3A = arith.constant 0 : i32
      %dma_wait3A_367 = tpu.memref_slice %arg10[%add3A_348, %dma_wait3A] : memref<10112x64xf32, #tpu.memory_space<vmem_shared>> -> memref<128x64xf32, #tpu.memory_space<vmem_shared>>
      %dma_wait3A_368 = arith.constant 0 : i32
      %dma_wait3A_369 = tpu.memref_slice %arg10[%add3A_348, %dma_wait3A_368] : memref<10112x64xf32, #tpu.memory_space<vmem_shared>> -> memref<128x64xf32, #tpu.memory_space<vmem_shared>>
      tpu.wait_dma2 semaphore(%run_scoped3A_363 : memref<!tpu.dma_semaphore, #tpu.memory_space<semaphore_mem>>) src(%dma_wait3A_369 : memref<128x64xf32, #tpu.memory_space<vmem_shared>>) dst(%arg7 : memref<128x64xf32, #tpu.memory_space<vmem>>)
      tpu.yield
    }) : () -> ()
    %add3A_349 = arith.constant 128 : i32
    %add3A_350 = arith.addi %mul3A_255, %add3A_349 : i32
    "tpu.region"() ({
      %run_scoped3A_363 = tpu.sem_alloc : memref<!tpu.dma_semaphore, #tpu.memory_space<semaphore_mem>>
      %dma_start3A = arith.constant 64 : i32
      %dma_start3A_364 = tpu.memref_slice %arg4[%arg0, %add3A_350, %dma_start3A] : memref<2x10112x128xf32, #tpu.memory_space<hbm>> -> memref<1x128x64xf32, #tpu.memory_space<hbm>>
      %dma_start3A_365 = tpu.memref_squeeze %dma_start3A_364 : memref<1x128x64xf32, #tpu.memory_space<hbm>> -> memref<128x64xf32, #tpu.memory_space<hbm>>
      %dma_start3A_366 = arith.constant 64 : i32
      %dma_start3A_367 = tpu.memref_slice %arg4[%arg0, %add3A_350, %dma_start3A_366] : memref<2x10112x128xf32, #tpu.memory_space<hbm>> -> memref<1x128x64xf32, #tpu.memory_space<hbm>>
      %dma_start3A_368 = tpu.memref_squeeze %dma_start3A_367 : memref<1x128x64xf32, #tpu.memory_space<hbm>> -> memref<128x64xf32, #tpu.memory_space<hbm>>
      tpu.enqueue_dma source(%arg7 : memref<128x64xf32, #tpu.memory_space<vmem>>) target(%dma_start3A_368 : memref<128x64xf32, #tpu.memory_space<hbm>>) target_semaphore(%run_scoped3A_363 : memref<!tpu.dma_semaphore, #tpu.memory_space<semaphore_mem>>)
      %dma_wait3A = arith.constant 64 : i32
      %dma_wait3A_369 = tpu.memref_slice %arg4[%arg0, %add3A_350, %dma_wait3A] : memref<2x10112x128xf32, #tpu.memory_space<hbm>> -> memref<1x128x64xf32, #tpu.memory_space<hbm>>
      %dma_wait3A_370 = tpu.memref_squeeze %dma_wait3A_369 : memref<1x128x64xf32, #tpu.memory_space<hbm>> -> memref<128x64xf32, #tpu.memory_space<hbm>>
      %dma_wait3A_371 = arith.constant 64 : i32
      %dma_wait3A_372 = tpu.memref_slice %arg4[%arg0, %add3A_350, %dma_wait3A_371] : memref<2x10112x128xf32, #tpu.memory_space<hbm>> -> memref<1x128x64xf32, #tpu.memory_space<hbm>>
      %dma_wait3A_373 = tpu.memref_squeeze %dma_wait3A_372 : memref<1x128x64xf32, #tpu.memory_space<hbm>> -> memref<128x64xf32, #tpu.memory_space<hbm>>
      tpu.wait_dma2 semaphore(%run_scoped3A_363 : memref<!tpu.dma_semaphore, #tpu.memory_space<semaphore_mem>>) src(%arg7 : memref<128x64xf32, #tpu.memory_space<vmem>>) dst(%dma_wait3A_373 : memref<128x64xf32, #tpu.memory_space<hbm>>)
      tpu.yield
    }) : () -> ()
    %add3A_351 = arith.constant 256 : i32
    %add3A_352 = arith.addi %mul3A_255, %add3A_351 : i32
    "tpu.region"() ({
      %run_scoped3A_363 = tpu.sem_alloc : memref<!tpu.dma_semaphore, #tpu.memory_space<semaphore_mem>>
      %dma_start3A = arith.constant 0 : i32
      %dma_start3A_364 = tpu.memref_slice %arg10[%add3A_352, %dma_start3A] : memref<10112x64xf32, #tpu.memory_space<vmem_shared>> -> memref<128x64xf32, #tpu.memory_space<vmem_shared>>
      %dma_start3A_365 = arith.constant 0 : i32
      %dma_start3A_366 = tpu.memref_slice %arg10[%add3A_352, %dma_start3A_365] : memref<10112x64xf32, #tpu.memory_space<vmem_shared>> -> memref<128x64xf32, #tpu.memory_space<vmem_shared>>
      tpu.enqueue_dma source(%dma_start3A_366 : memref<128x64xf32, #tpu.memory_space<vmem_shared>>) target(%arg7 : memref<128x64xf32, #tpu.memory_space<vmem>>) target_semaphore(%run_scoped3A_363 : memref<!tpu.dma_semaphore, #tpu.memory_space<semaphore_mem>>)
      %dma_wait3A = arith.constant 0 : i32
      %dma_wait3A_367 = tpu.memref_slice %arg10[%add3A_352, %dma_wait3A] : memref<10112x64xf32, #tpu.memory_space<vmem_shared>> -> memref<128x64xf32, #tpu.memory_space<vmem_shared>>
      %dma_wait3A_368 = arith.constant 0 : i32
      %dma_wait3A_369 = tpu.memref_slice %arg10[%add3A_352, %dma_wait3A_368] : memref<10112x64xf32, #tpu.memory_space<vmem_shared>> -> memref<128x64xf32, #tpu.memory_space<vmem_shared>>
      tpu.wait_dma2 semaphore(%run_scoped3A_363 : memref<!tpu.dma_semaphore, #tpu.memory_space<semaphore_mem>>) src(%dma_wait3A_369 : memref<128x64xf32, #tpu.memory_space<vmem_shared>>) dst(%arg7 : memref<128x64xf32, #tpu.memory_space<vmem>>)
      tpu.yield
    }) : () -> ()
    %add3A_353 = arith.constant 256 : i32
    %add3A_354 = arith.addi %mul3A_255, %add3A_353 : i32
    "tpu.region"() ({
      %run_scoped3A_363 = tpu.sem_alloc : memref<!tpu.dma_semaphore, #tpu.memory_space<semaphore_mem>>
      %dma_start3A = arith.constant 64 : i32
      %dma_start3A_364 = tpu.memref_slice %arg4[%arg0, %add3A_354, %dma_start3A] : memref<2x10112x128xf32, #tpu.memory_space<hbm>> -> memref<1x128x64xf32, #tpu.memory_space<hbm>>
      %dma_start3A_365 = tpu.memref_squeeze %dma_start3A_364 : memref<1x128x64xf32, #tpu.memory_space<hbm>> -> memref<128x64xf32, #tpu.memory_space<hbm>>
      %dma_start3A_366 = arith.constant 64 : i32
      %dma_start3A_367 = tpu.memref_slice %arg4[%arg0, %add3A_354, %dma_start3A_366] : memref<2x10112x128xf32, #tpu.memory_space<hbm>> -> memref<1x128x64xf32, #tpu.memory_space<hbm>>
      %dma_start3A_368 = tpu.memref_squeeze %dma_start3A_367 : memref<1x128x64xf32, #tpu.memory_space<hbm>> -> memref<128x64xf32, #tpu.memory_space<hbm>>
      tpu.enqueue_dma source(%arg7 : memref<128x64xf32, #tpu.memory_space<vmem>>) target(%dma_start3A_368 : memref<128x64xf32, #tpu.memory_space<hbm>>) target_semaphore(%run_scoped3A_363 : memref<!tpu.dma_semaphore, #tpu.memory_space<semaphore_mem>>)
      %dma_wait3A = arith.constant 64 : i32
      %dma_wait3A_369 = tpu.memref_slice %arg4[%arg0, %add3A_354, %dma_wait3A] : memref<2x10112x128xf32, #tpu.memory_space<hbm>> -> memref<1x128x64xf32, #tpu.memory_space<hbm>>
      %dma_wait3A_370 = tpu.memref_squeeze %dma_wait3A_369 : memref<1x128x64xf32, #tpu.memory_space<hbm>> -> memref<128x64xf32, #tpu.memory_space<hbm>>
      %dma_wait3A_371 = arith.constant 64 : i32
      %dma_wait3A_372 = tpu.memref_slice %arg4[%arg0, %add3A_354, %dma_wait3A_371] : memref<2x10112x128xf32, #tpu.memory_space<hbm>> -> memref<1x128x64xf32, #tpu.memory_space<hbm>>
      %dma_wait3A_373 = tpu.memref_squeeze %dma_wait3A_372 : memref<1x128x64xf32, #tpu.memory_space<hbm>> -> memref<128x64xf32, #tpu.memory_space<hbm>>
      tpu.wait_dma2 semaphore(%run_scoped3A_363 : memref<!tpu.dma_semaphore, #tpu.memory_space<semaphore_mem>>) src(%arg7 : memref<128x64xf32, #tpu.memory_space<vmem>>) dst(%dma_wait3A_373 : memref<128x64xf32, #tpu.memory_space<hbm>>)
      tpu.yield
    }) : () -> ()
    %add3A_355 = arith.constant 384 : i32
    %add3A_356 = arith.addi %mul3A_255, %add3A_355 : i32
    "tpu.region"() ({
      %run_scoped3A_363 = tpu.sem_alloc : memref<!tpu.dma_semaphore, #tpu.memory_space<semaphore_mem>>
      %dma_start3A = arith.constant 0 : i32
      %dma_start3A_364 = tpu.memref_slice %arg10[%add3A_356, %dma_start3A] : memref<10112x64xf32, #tpu.memory_space<vmem_shared>> -> memref<128x64xf32, #tpu.memory_space<vmem_shared>>
      %dma_start3A_365 = arith.constant 0 : i32
      %dma_start3A_366 = tpu.memref_slice %arg10[%add3A_356, %dma_start3A_365] : memref<10112x64xf32, #tpu.memory_space<vmem_shared>> -> memref<128x64xf32, #tpu.memory_space<vmem_shared>>
      tpu.enqueue_dma source(%dma_start3A_366 : memref<128x64xf32, #tpu.memory_space<vmem_shared>>) target(%arg7 : memref<128x64xf32, #tpu.memory_space<vmem>>) target_semaphore(%run_scoped3A_363 : memref<!tpu.dma_semaphore, #tpu.memory_space<semaphore_mem>>)
      %dma_wait3A = arith.constant 0 : i32
      %dma_wait3A_367 = tpu.memref_slice %arg10[%add3A_356, %dma_wait3A] : memref<10112x64xf32, #tpu.memory_space<vmem_shared>> -> memref<128x64xf32, #tpu.memory_space<vmem_shared>>
      %dma_wait3A_368 = arith.constant 0 : i32
      %dma_wait3A_369 = tpu.memref_slice %arg10[%add3A_356, %dma_wait3A_368] : memref<10112x64xf32, #tpu.memory_space<vmem_shared>> -> memref<128x64xf32, #tpu.memory_space<vmem_shared>>
      tpu.wait_dma2 semaphore(%run_scoped3A_363 : memref<!tpu.dma_semaphore, #tpu.memory_space<semaphore_mem>>) src(%dma_wait3A_369 : memref<128x64xf32, #tpu.memory_space<vmem_shared>>) dst(%arg7 : memref<128x64xf32, #tpu.memory_space<vmem>>)
      tpu.yield
    }) : () -> ()
    %add3A_357 = arith.constant 384 : i32
    %add3A_358 = arith.addi %mul3A_255, %add3A_357 : i32
    "tpu.region"() ({
      %run_scoped3A_363 = tpu.sem_alloc : memref<!tpu.dma_semaphore, #tpu.memory_space<semaphore_mem>>
      %dma_start3A = arith.constant 64 : i32
      %dma_start3A_364 = tpu.memref_slice %arg4[%arg0, %add3A_358, %dma_start3A] : memref<2x10112x128xf32, #tpu.memory_space<hbm>> -> memref<1x128x64xf32, #tpu.memory_space<hbm>>
      %dma_start3A_365 = tpu.memref_squeeze %dma_start3A_364 : memref<1x128x64xf32, #tpu.memory_space<hbm>> -> memref<128x64xf32, #tpu.memory_space<hbm>>
      %dma_start3A_366 = arith.constant 64 : i32
      %dma_start3A_367 = tpu.memref_slice %arg4[%arg0, %add3A_358, %dma_start3A_366] : memref<2x10112x128xf32, #tpu.memory_space<hbm>> -> memref<1x128x64xf32, #tpu.memory_space<hbm>>
      %dma_start3A_368 = tpu.memref_squeeze %dma_start3A_367 : memref<1x128x64xf32, #tpu.memory_space<hbm>> -> memref<128x64xf32, #tpu.memory_space<hbm>>
      tpu.enqueue_dma source(%arg7 : memref<128x64xf32, #tpu.memory_space<vmem>>) target(%dma_start3A_368 : memref<128x64xf32, #tpu.memory_space<hbm>>) target_semaphore(%run_scoped3A_363 : memref<!tpu.dma_semaphore, #tpu.memory_space<semaphore_mem>>)
      %dma_wait3A = arith.constant 64 : i32
      %dma_wait3A_369 = tpu.memref_slice %arg4[%arg0, %add3A_358, %dma_wait3A] : memref<2x10112x128xf32, #tpu.memory_space<hbm>> -> memref<1x128x64xf32, #tpu.memory_space<hbm>>
      %dma_wait3A_370 = tpu.memref_squeeze %dma_wait3A_369 : memref<1x128x64xf32, #tpu.memory_space<hbm>> -> memref<128x64xf32, #tpu.memory_space<hbm>>
      %dma_wait3A_371 = arith.constant 64 : i32
      %dma_wait3A_372 = tpu.memref_slice %arg4[%arg0, %add3A_358, %dma_wait3A_371] : memref<2x10112x128xf32, #tpu.memory_space<hbm>> -> memref<1x128x64xf32, #tpu.memory_space<hbm>>
      %dma_wait3A_373 = tpu.memref_squeeze %dma_wait3A_372 : memref<1x128x64xf32, #tpu.memory_space<hbm>> -> memref<128x64xf32, #tpu.memory_space<hbm>>
      tpu.wait_dma2 semaphore(%run_scoped3A_363 : memref<!tpu.dma_semaphore, #tpu.memory_space<semaphore_mem>>) src(%arg7 : memref<128x64xf32, #tpu.memory_space<vmem>>) dst(%dma_wait3A_373 : memref<128x64xf32, #tpu.memory_space<hbm>>)
      tpu.yield
    }) : () -> ()
    %add3A_359 = arith.constant 512 : i32
    %add3A_360 = arith.addi %mul3A_255, %add3A_359 : i32
    "tpu.region"() ({
      %run_scoped3A_363 = tpu.sem_alloc : memref<!tpu.dma_semaphore, #tpu.memory_space<semaphore_mem>>
      %dma_start3A = arith.constant 0 : i32
      %dma_start3A_364 = arith.constant 0 : i32
      %dma_start3A_365 = tpu.memref_slice %arg7[%dma_start3A, %dma_start3A_364] : memref<128x64xf32, #tpu.memory_space<vmem>> -> memref<120x64xf32, #tpu.memory_space<vmem>>
      %dma_start3A_366 = arith.constant 0 : i32
      %dma_start3A_367 = tpu.memref_slice %arg10[%add3A_360, %dma_start3A_366] : memref<10112x64xf32, #tpu.memory_space<vmem_shared>> -> memref<120x64xf32, #tpu.memory_space<vmem_shared>>
      %dma_start3A_368 = arith.constant 0 : i32
      %dma_start3A_369 = arith.constant 0 : i32
      %dma_start3A_370 = tpu.memref_slice %arg7[%dma_start3A_368, %dma_start3A_369] : memref<128x64xf32, #tpu.memory_space<vmem>> -> memref<120x64xf32, #tpu.memory_space<vmem>>
      %dma_start3A_371 = arith.constant 0 : i32
      %dma_start3A_372 = tpu.memref_slice %arg10[%add3A_360, %dma_start3A_371] : memref<10112x64xf32, #tpu.memory_space<vmem_shared>> -> memref<120x64xf32, #tpu.memory_space<vmem_shared>>
      tpu.enqueue_dma source(%dma_start3A_372 : memref<120x64xf32, #tpu.memory_space<vmem_shared>>) target(%dma_start3A_370 : memref<120x64xf32, #tpu.memory_space<vmem>>) target_semaphore(%run_scoped3A_363 : memref<!tpu.dma_semaphore, #tpu.memory_space<semaphore_mem>>)
      %dma_wait3A = arith.constant 0 : i32
      %dma_wait3A_373 = arith.constant 0 : i32
      %dma_wait3A_374 = tpu.memref_slice %arg7[%dma_wait3A, %dma_wait3A_373] : memref<128x64xf32, #tpu.memory_space<vmem>> -> memref<120x64xf32, #tpu.memory_space<vmem>>
      %dma_wait3A_375 = arith.constant 0 : i32
      %dma_wait3A_376 = tpu.memref_slice %arg10[%add3A_360, %dma_wait3A_375] : memref<10112x64xf32, #tpu.memory_space<vmem_shared>> -> memref<120x64xf32, #tpu.memory_space<vmem_shared>>
      %dma_wait3A_377 = arith.constant 0 : i32
      %dma_wait3A_378 = arith.constant 0 : i32
      %dma_wait3A_379 = tpu.memref_slice %arg7[%dma_wait3A_377, %dma_wait3A_378] : memref<128x64xf32, #tpu.memory_space<vmem>> -> memref<120x64xf32, #tpu.memory_space<vmem>>
      %dma_wait3A_380 = arith.constant 0 : i32
      %dma_wait3A_381 = tpu.memref_slice %arg10[%add3A_360, %dma_wait3A_380] : memref<10112x64xf32, #tpu.memory_space<vmem_shared>> -> memref<120x64xf32, #tpu.memory_space<vmem_shared>>
      tpu.wait_dma2 semaphore(%run_scoped3A_363 : memref<!tpu.dma_semaphore, #tpu.memory_space<semaphore_mem>>) src(%dma_wait3A_381 : memref<120x64xf32, #tpu.memory_space<vmem_shared>>) dst(%dma_wait3A_379 : memref<120x64xf32, #tpu.memory_space<vmem>>)
      tpu.yield
    }) : () -> ()
    %add3A_361 = arith.constant 512 : i32
    %add3A_362 = arith.addi %mul3A_255, %add3A_361 : i32
    "tpu.region"() ({
      %run_scoped3A_363 = tpu.sem_alloc : memref<!tpu.dma_semaphore, #tpu.memory_space<semaphore_mem>>
      %dma_start3A = arith.constant 0 : i32
      %dma_start3A_364 = arith.constant 0 : i32
      %dma_start3A_365 = tpu.memref_slice %arg7[%dma_start3A, %dma_start3A_364] : memref<128x64xf32, #tpu.memory_space<vmem>> -> memref<120x64xf32, #tpu.memory_space<vmem>>
      %dma_start3A_366 = arith.constant 64 : i32
      %dma_start3A_367 = tpu.memref_slice %arg4[%arg0, %add3A_362, %dma_start3A_366] : memref<2x10112x128xf32, #tpu.memory_space<hbm>> -> memref<1x120x64xf32, #tpu.memory_space<hbm>>
      %dma_start3A_368 = tpu.memref_squeeze %dma_start3A_367 : memref<1x120x64xf32, #tpu.memory_space<hbm>> -> memref<120x64xf32, #tpu.memory_space<hbm>>
      %dma_start3A_369 = arith.constant 64 : i32
      %dma_start3A_370 = tpu.memref_slice %arg4[%arg0, %add3A_362, %dma_start3A_369] : memref<2x10112x128xf32, #tpu.memory_space<hbm>> -> memref<1x120x64xf32, #tpu.memory_space<hbm>>
      %dma_start3A_371 = tpu.memref_squeeze %dma_start3A_370 : memref<1x120x64xf32, #tpu.memory_space<hbm>> -> memref<120x64xf32, #tpu.memory_space<hbm>>
      %dma_start3A_372 = arith.constant 0 : i32
      %dma_start3A_373 = arith.constant 0 : i32
      %dma_start3A_374 = tpu.memref_slice %arg7[%dma_start3A_372, %dma_start3A_373] : memref<128x64xf32, #tpu.memory_space<vmem>> -> memref<120x64xf32, #tpu.memory_space<vmem>>
      tpu.enqueue_dma source(%dma_start3A_374 : memref<120x64xf32, #tpu.memory_space<vmem>>) target(%dma_start3A_371 : memref<120x64xf32, #tpu.memory_space<hbm>>) target_semaphore(%run_scoped3A_363 : memref<!tpu.dma_semaphore, #tpu.memory_space<semaphore_mem>>)
      %dma_wait3A = arith.constant 0 : i32
      %dma_wait3A_375 = arith.constant 0 : i32
      %dma_wait3A_376 = tpu.memref_slice %arg7[%dma_wait3A, %dma_wait3A_375] : memref<128x64xf32, #tpu.memory_space<vmem>> -> memref<120x64xf32, #tpu.memory_space<vmem>>
      %dma_wait3A_377 = arith.constant 64 : i32
      %dma_wait3A_378 = tpu.memref_slice %arg4[%arg0, %add3A_362, %dma_wait3A_377] : memref<2x10112x128xf32, #tpu.memory_space<hbm>> -> memref<1x120x64xf32, #tpu.memory_space<hbm>>
      %dma_wait3A_379 = tpu.memref_squeeze %dma_wait3A_378 : memref<1x120x64xf32, #tpu.memory_space<hbm>> -> memref<120x64xf32, #tpu.memory_space<hbm>>
      %dma_wait3A_380 = arith.constant 64 : i32
      %dma_wait3A_381 = tpu.memref_slice %arg4[%arg0, %add3A_362, %dma_wait3A_380] : memref<2x10112x128xf32, #tpu.memory_space<hbm>> -> memref<1x120x64xf32, #tpu.memory_space<hbm>>
      %dma_wait3A_382 = tpu.memref_squeeze %dma_wait3A_381 : memref<1x120x64xf32, #tpu.memory_space<hbm>> -> memref<120x64xf32, #tpu.memory_space<hbm>>
      %dma_wait3A_383 = arith.constant 0 : i32
      %dma_wait3A_384 = arith.constant 0 : i32
      %dma_wait3A_385 = tpu.memref_slice %arg7[%dma_wait3A_383, %dma_wait3A_384] : memref<128x64xf32, #tpu.memory_space<vmem>> -> memref<120x64xf32, #tpu.memory_space<vmem>>
      tpu.wait_dma2 semaphore(%run_scoped3A_363 : memref<!tpu.dma_semaphore, #tpu.memory_space<semaphore_mem>>) src(%dma_wait3A_385 : memref<120x64xf32, #tpu.memory_space<vmem>>) dst(%dma_wait3A_382 : memref<120x64xf32, #tpu.memory_space<hbm>>)
      tpu.yield
    }) : () -> ()
    return
  }
}

module attributes {stable_mosaic.version = 14 : i64} {
  func.func @_add_body(%arg0: i32, %arg1: memref<1x2000x128xf32, #tpu.memory_space<vmem>>, %arg2: memref<1x2000x128xf32, #tpu.memory_space<vmem>>, %arg3: memref<2000x128xf32, #tpu.memory_space<vmem>>) attributes {dimension_semantics = [#tpu.dimension_semantics<arbitrary>], iteration_bounds = array<i64: 5>, scalar_prefetch = 0 : i64, scratch_operands = 0 : i64, tpu.core_type = #tpu.core_type<tc>, window_params = [{transform_indices = @transform_0, window_bounds = array<i64: 1, 2000, 128>}, {transform_indices = @transform_1, window_bounds = array<i64: 1, 2000, 128>}, {transform_indices = @transform_2, window_bounds = array<i64: 2000, 128>}]} {
    %get3A = arith.constant 0 : index
    %get3A_0 = arith.constant 0 : index
    %get3A_1 = arith.constant 0 : index
    %get3A_2 = vector.load %arg1[%get3A, %get3A_0, %get3A_1] : memref<1x2000x128xf32, #tpu.memory_space<vmem>>, vector<1x2000x128xf32>
    %get3A_3 = vector.shape_cast %get3A_2 : vector<1x2000x128xf32> to vector<2000x128xf32>
    %get3A_4 = arith.constant 0 : index
    %get3A_5 = arith.constant 0 : index
    %get3A_6 = arith.constant 0 : index
    %get3A_7 = vector.load %arg2[%get3A_4, %get3A_5, %get3A_6] : memref<1x2000x128xf32, #tpu.memory_space<vmem>>, vector<1x2000x128xf32>
    %get3A_8 = vector.shape_cast %get3A_7 : vector<1x2000x128xf32> to vector<2000x128xf32>
    %add3A = arith.addf %get3A_3, %get3A_8 : vector<2000x128xf32>
    %swap3A = arith.constant 0 : index
    %swap3A_9 = arith.constant 0 : index
    %swap3A_10 = vector.load %arg3[%swap3A, %swap3A_9] : memref<2000x128xf32, #tpu.memory_space<vmem>>, vector<2000x128xf32>
    tpu.vector_store %arg3[%swap3A, %swap3A_9], %add3A {strides = array<i32>} : memref<2000x128xf32, #tpu.memory_space<vmem>>, vector<2000x128xf32>,
    return
  }
  func.func @transform_0(%arg0: i32) -> (i32, i32, i32) {
    %c0_i32 = arith.constant 0 : i32
    %c0_i32_0 = arith.constant 0 : i32
    %c0_i32_1 = arith.constant 0 : i32
    return %c0_i32, %arg0, %c0_i32_0 : i32, i32, i32
  }
  func.func @transform_1(%arg0: i32) -> (i32, i32, i32) {
    %c1_i32 = arith.constant 1 : i32
    %c0_i32 = arith.constant 0 : i32
    %c0_i32_0 = arith.constant 0 : i32
    return %c1_i32, %arg0, %c0_i32 : i32, i32, i32
  }
  func.func @transform_2(%arg0: i32) -> (i32, i32) {
    %c0_i32 = arith.constant 0 : i32
    %c0_i32_0 = arith.constant 0 : i32
    return %arg0, %c0_i32 : i32, i32
  }
}

</mosaic_0001>

<sc_bundles>
// kernel: kernel.4.cloned.1.call-start
scs
__scs_entry_jumppad:
0x0: {  	(pc) =	sbr.rel $0x88, $3  }
0x1: {  	(tag) =	ssettag $0x0;
	lr =	simm.s32 $0x1  }
0x2: {  	[smem:$0x3F9F] =	sst lr;
	_ =	strace $0xD0000000  }
0x3: {  	_ = 	snop  }
0x4: {  	_ = 	snop  }
0x5: {  	_ = 	snop  }
0x6: {  	_ = 	snop  }
0x7: {  	_ = 	snop  }
__scs_overlays_trampoline_lowered:
0x8: {  	[smem:$0x3FAE] =	sst s0  }
0x9: {  	[smem:$0x3FAF] =	sst s1  }
0xa: {  	[smem:$0x3FB0] =	sst s2  }
0xb: {  	[smem:$0x3FB1] =	sst s3  }
0xc: {  	[smem:$0x3FB2] =	sst s4  }
0xd: {  	[smem:$0x3FB3] =	sst s5  }
0xe: {  	[smem:$0x3FB4] =	sst s6  }
0xf: {  	[smem:$0x3FB5] =	sst s7  }
0x10: {  	[smem:$0x3FB6] =	sst s8  }
0x11: {  	[smem:$0x3FB7] =	sst s9;
	s0 =	simm.s32 @!p0 $0x0  }
0x12: {  	s1 =	sld [smem:$0x3F9D];
	s0 =	simm.s32 @p0 $0x1  }
0x13: {  	[smem:$0x3FB8] =	sst s0;
	s0 =	simm.s32 @!p1 $0x0  }
0x14: {  	s2 =	sld [smem:$0x3F9C];
	s0 =	simm.s32 @p1 $0x1  }
0x15: {  	[smem:$0x3FB9] =	sst s0;
	s0 =	simm.s32 @!p2 $0x0  }
0x16: {  	s3 =	sld [smem:$0x3FDB];
	s0 =	simm.s32 @p2 $0x1  }
0x17: {  	s4 =	simm.s32 $0x1BF5;
	[smem:$0x3FBB] =	sst s0  }
0x18: {  	s0 =	sld [smem:$0x3F9E];
	_ =	swait.ge [sflag:s4], $0x0  }
0x19: {  	s7 =	sld [smem:$0x3F9F]  }
0x1a: {  	s8 =	sadd.s32 $0xFFFFE003, lr  }
0x1b: {  	s9 =	sadd.s32 $0xFFFFFEF7, lr;
	s5 =	simm.s32 $0xFFFFFFFF;
	p2 =	slt.u32 s8, $0xFFFFF086  }
0x1c: {  	p1 =	slt.u32 s9, $0xF7A;
	s5 =	simm.s32 @!p2 $0x0  }
0x1d: {  	s5 =	simm.s32 @p1 $0x1;
	p0 =	seq.s32 s7, s2  }
0x1e: {  	s7 =	smul.u32 @!p0 $0xF7A, s2;
	p2 =	seq.s32 @!p0 s5, $0x0  }
0x1f: {  	s9 =	smul.u32 $0xF7A, s1;
	s8 =	simm.s32 @!p0 $0x1BF5;
	p2 =	por !p2, p0  }
0x20: {  	[sflag:s8] =	ssyncset.s32 @!p0 $0xFFFFF086;
	s6 =	sadd.s32 @!p0 s3, s7;
	s7 =	simm.s32 @!p0 $0x108  }
0x21: {  	s3 =	sadd.s32 s3, s9;
	s6 =	sadd.s32 @!p0 $0x88, s6;
	s7 =	simm.s32 @p2 $0x1082  }
0x22: {  	[simem:s7], [sflag:s8] =	dma.local @!p0 [hbm:s6], $0xF7A  }
0x23: {  	s9 =	sor.u32 $0xD0000000, s2;
	s6 =	simm.s32 $0x108;
	_ =	swait.ge @!p0 [sflag:s8], $0x0  }
0x24: {  	s3 =	sadd.s32 $0x88, s3;
	s6 =	simm.s32 @!p1 $0x1082;
	[sflag:s4] =	ssyncset.s32 $0xFFFFF086  }
0x25: {  	[simem:s6], [sflag:s4] =	dma.local [hbm:s3], $0xF7A  }
0x26: {  	[smem:$0x3F9F] =	sst s1;
	(tag) =	ssettag s2;
	_ =	strace s9  }
0x27: {  	s1 =	sld [smem:$0x3FAF]  }
0x28: {  	s2 =	sld [smem:$0x3FB0]  }
0x29: {  	s4 =	sld [smem:$0x3FB2]  }
0x2a: {  	p0 =	seq.s32 s5, $0x0;
	s5 =	sld [smem:$0x3FB3]  }
0x2b: {  	s6 =	sld [smem:$0x3FB4]  }
0x2c: {  	s7 =	sld [smem:$0x3FB5]  }
0x2d: {  	s3 =	simm.s32 $0x108;
	s8 =	sld [smem:$0x3FB6]  }
0x2e: {  	s3 =	simm.s32 @!p0 $0x1082;
	s9 =	sld [smem:$0x3FB7]  }
0x2f: {  	lr =	sadd.s32 s0, s3;
	s0 =	sld [smem:$0x3FAE]  }
0x30: {  	s3 =	sld [smem:$0x3FB1]  }
0x31: {  	[smem:$0x3FBA] =	sst s10  }
0x32: {  	s10 =	sld [smem:$0x3FB8];
	_ =	sdelay $0x3  }
0x33: {  	p0 =	seq.s32 s10, $0x1;
	s10 =	sld [smem:$0x3FBA];
	_ =	sdelay $0x3  }
0x34: {  	[smem:$0x3FBA] =	sst s10  }
0x35: {  	s10 =	sld [smem:$0x3FB9];
	_ =	sdelay $0x3  }
0x36: {  	p1 =	seq.s32 s10, $0x1;
	s10 =	sld [smem:$0x3FBA];
	_ =	sdelay $0x3  }
0x37: {  	[smem:$0x3FBA] =	sst s10  }
0x38: {  	s10 =	sld [smem:$0x3FBB]  }
0x39: {  	_ = 	snop;
	(pc) =	sbr.ind lr, $3  }
0x3a: {  	_ = 	snop  }
0x3b: {  	_ = 	snop  }
0x3c: {  	p2 =	seq.s32 s10, $0x1;
	s10 =	sld [smem:$0x3FBA]  }
0x3d: {  	_ =	shalt  }
0x3e: {  	_ =	shalt  }
0x3f: {  	_ =	shalt  }
0x40: {  	_ =	shalt  }
0x41: {  	_ =	shalt  }
0x42: {  	_ =	shalt  }
0x43: {  	_ =	shalt  }
0x44: {  	_ =	shalt  }
0x45: {  	_ =	shalt  }
0x46: {  	_ =	shalt  }
0x47: {  	_ =	shalt  }
0x48: {  	_ =	shalt  }
0x49: {  	_ =	shalt  }
0x4a: {  	_ =	shalt  }
0x4b: {  	_ =	shalt  }
0x4c: {  	_ =	shalt  }
0x4d: {  	_ =	shalt  }
0x4e: {  	_ =	shalt  }
0x4f: {  	_ =	shalt  }
0x50: {  	_ =	shalt  }
0x51: {  	_ =	shalt  }
0x52: {  	_ =	shalt  }
0x53: {  	_ =	shalt  }
0x54: {  	_ =	shalt  }
0x55: {  	_ =	shalt  }
0x56: {  	_ =	shalt  }
0x57: {  	_ =	shalt  }
0x58: {  	_ =	shalt  }
0x59: {  	_ =	shalt  }
0x5a: {  	_ =	shalt  }
0x5b: {  	_ =	shalt  }
0x5c: {  	_ =	shalt  }
0x5d: {  	_ =	shalt  }
0x5e: {  	_ =	shalt  }
0x5f: {  	_ =	shalt  }
0x60: {  	_ =	shalt  }
0x61: {  	_ =	shalt  }
0x62: {  	_ =	shalt  }
0x63: {  	_ =	shalt  }
0x64: {  	_ =	shalt  }
0x65: {  	_ =	shalt  }
0x66: {  	_ =	shalt  }
0x67: {  	_ =	shalt  }
0x68: {  	_ =	shalt  }
0x69: {  	_ =	shalt  }
0x6a: {  	_ =	shalt  }
0x6b: {  	_ =	shalt  }
0x6c: {  	_ =	shalt  }
0x6d: {  	_ =	shalt  }
0x6e: {  	_ =	shalt  }
0x6f: {  	_ =	shalt  }
0x70: {  	_ =	shalt  }
0x71: {  	_ =	shalt  }
0x72: {  	_ =	shalt  }
0x73: {  	_ =	shalt  }
0x74: {  	_ =	shalt  }
0x75: {  	_ =	shalt  }
0x76: {  	_ =	shalt  }
0x77: {  	_ =	shalt  }
0x78: {  	_ =	shalt  }
0x79: {  	_ =	shalt  }
0x7a: {  	_ =	shalt  }
0x7b: {  	_ =	shalt  }
0x7c: {  	_ =	shalt  }
0x7d: {  	_ =	shalt  }
0x7e: {  	_ =	shalt  }
0x7f: {  	_ =	shalt  }
0x80: {  	_ =	shalt  }
0x81: {  	_ =	shalt  }
0x82: {  	_ =	shalt  }
0x83: {  	_ =	shalt  }
0x84: {  	_ =	shalt  }
0x85: {  	_ =	shalt  }
0x86: {  	_ =	shalt  }
0x87: {  	_ =	shalt  }
.Lfunc_end0:
.L_simem_size_0:
called_computation_lowered:
.L_overlay_start_0:
0x88: {  	s2 =	sld [smem:$0x3FD9]  }
0x89: {  	s3 =	sld [smem:$0x3FFE];
	_ =	sdelay $0x1  }
0x8a: {  	s1 =	srdreg.scid  }
0x8b: {  	s0 =	sand.u32 $0x1, s1  }
0x8c: {  	s17 =	sshll.u32 s0, $0xA;
	s2 =	sadd.s32 s3, s2  }
0x8d: {  	s2 =	sadd.s32 s2, s17  }
0x8e: {  	[smem:$0x3FC6] =	sst s2  }
0x8f: {  	_ = 	snop  }
0x90: {  	s2 =	sld [smem:$0x3FC9]  }
0x91: {  	s18 =	sld [smem:$0x3FD0];
	(tm) =	ssettm $0x1  }
0x92: {  	s4 =	sld [smem:$0x3FFB];
	_ =	sdelay $0x3  }
0x93: {  	_ =	strace s4  }
0x94: {  	s4 =	sld [smem:$0x3FFC];
	_ =	sdelay $0x3  }
0x95: {  	_ =	strace s4  }
0x96: {  	s4 =	sld [smem:$0x3FFD];
	_ =	sdelay $0x3  }
0x97: {  	_ =	strace s4  }
0x98: {  	_ =	strace $0x8FFFFFFF  }
0x99: {  	s19 =	sld [smem:$0x3FDB];
	_ =	sdelay $0x1  }
0x9a: {  	s5 =	simm.s32 $_scs_section_size  }
0x9b: {  	s6 =	simm.s32 $_size__tile_overlayer_lowered;
	s7 =	simm.s32 $_tile_overlayer_lowered  }
0x9c: {  	s22 =	simm.s32 $0x1BFF;
	s21 =	sshll.u32 s7, $0x1;
	s4 =	sadd.s32 s5, s19  }
0x9d: {  	s8 =	simm.s32 $0x0;
	s20 =	sshll.u32 s6, $0x1;
	s6 =	sadd.s32 s21, s4  }
0x9e: {  	[timem:s8], [sflag:s22] =	dma.local [hbm:s6], s20  }
0x9f: {  	_ =	swait.ge [sflag:s22], s20  }
0xa0: {  	s5 =	ssub.s32 $0x0, s20;
	[sflag:s22] =	ssyncset.done $0x0  }
0xa1: {  	[sflag:s22] =	ssyncadd.s32 s5;
	_ =	sdelay $0x1  }
0xa2: {  	s23 =	simm.s32 $0x1B8B  }
0xa3: {  	_ =	swait.ge [sflag:s23], $0x1  }
0xa4: {  	[sflag:s23] =	ssyncset.done $0x0  }
0xa5: {  	s25 =	simm.s32 $0x1B8E;
	s24 =	sld [smem:$0x3FFE];
	[sflag:s23] =	ssyncadd.s32 $0xFFFFFFFF  }
0xa6: {  	s26 =	simm.s32 $execute0_lowered;
	[smem:$0x3FD2] =	sst s25  }
0xa7: {  	s6 =	sshll.u32 s26, $0x1;
	_ =	strace $0x80000046;
	[dreg:$0x1] =	wrdreg $0xFFFFFFFF  }
0xa8: {  	s28 =	simm.s32 $_size_execute0_lowered;
	s4 =	sadd.s32 s4, s6;
	[dreg:$0x0] =	wrdreg $0x0  }
0xa9: {  	s6 =	sshll.u32 s28, $0x1;
	[dreg:$0x2] =	wrdreg s4  }
0xaa: {  	[dreg:$0x3] =	wrdreg s6  }
0xab: {  	[dreg:$0x4] =	wrdreg $0xC0  }
0xac: {  	_ =	task [dreg:s8], $0x5FFFF  }
0xad: {  	[dreg:$0x1] =	wrdreg $0xFFFFFFFF  }
0xae: {  	[dreg:$0x0] =	wrdreg $0x60  }
0xaf: {  	[dreg:$0x2] =	wrdreg s2  }
0xb0: {  	[dreg:$0x3] =	wrdreg s18  }
0xb1: {  	[dreg:$0x4] =	wrdreg s24  }
0xb2: {  	[dreg:$0x5] =	wrdreg $0xB1000  }
0xb3: {  	[dreg:$0x6] =	wrdreg $0x14F000  }
0xb4: {  	[dreg:$0x7] =	wrdreg $0x9  }
0xb5: {  	_ =	task.clear_ibuf [dreg:s8], $0x8FFFF;
	_ =	strace $0x90000046  }
0xb6: {  	s29 =	simm.s32 $0x9;
	_ =	strace $0x80000048  }
0xb7: {  	_ =	swait.ge [sflag:s29], $0x1  }
0xb8: {  	[sflag:s29] =	ssyncadd.s32 $0xFFFFFFFF  }
0xb9: {  	_ =	strace $0x90000048  }
0xba: {  	_ =	sfence  }
0xbb: {  	s30 =	sld [smem:$0x0];
	_ =	sdelay $0x2  }
0xbc: {  	s31 =	sshll.u32 s1, $0xD;
	s1 =	sshrl.u32 s1, $0x2  }
0xbd: {  	s3 =	sand.u32 $0x4000, s31;
	s1 =	sadd.s32 s1, s30  }
0xbe: {  	s0 =	sor.u32 s3, s0;
	s1 =	sshll.u32 s1, $0x11  }
0xbf: {  	s0 =	sor.u32 s1, s0  }
0xc0: {  	s0 =	sadd.s32 $0x8F2B, s0  }
0xc1: {  	[sflag:s0] =	ssyncadd.remote.s32 $0x1  }
0xc2: {  	_ =	sfence.sel $0xFFFF  }
0xc3: {  	[dreg:$0x0] =	wrdreg $0xFFFFFFFF;
	(pc) =	sbr.abs _section_cstart, $3  }
0xc4: {  	[dreg:$0x1] =	wrdreg $0xFFFFFFFF  }
0xc5: {  	_ =	task.clear_ibuf [dreg:s8], $0x2FFFF;
	_ =	strace $0x9FFFFFFF  }
0xc6: {  	(tm) =	ssettm $0x7FFFFFFF  }
0xc7: {  	_ =	shalt  }
tec
execute0_lowered:
.L_overlay_start_1:
0x0: {  	(tag) =	ssettag $0x1  }
0x1: {  	s0 =	rddreg [dreg:$0x0]  }
0x2: {  	s5 =	rddreg [dreg:$0x1]  }
0x3: {  	s1 =	srdreg.scid;
	s6 =	rddreg [dreg:$0x2]  }
0x4: {  	s2 =	rddreg [dreg:$0x3];
	s30 =	stileid.u32  }
0x5: {  	s3 =	rddreg [dreg:$0x4];
	s9 =	smul.u32 $0x278, s30  }
0x6: {  	s4 =	simm.s32 $0x0;
	s31 =	simm.s32 $0x3;
	s13 =	smul.u32 $0x13C00, s30  }
0x7: {  	s7 =	sand.u32 $0x1, s1;
	s10 =	sadd.s32 $0x600, s6;
	s21 =	smul.u32 $0x2710, s30  }
0x8: {  	s6 =	sadd.s32 $0x608, s6;
	[smem:$0x7FF] =	sst s4;
	p0 =	seq.s32 s30, $0xF  }
0x9: {  	s1 =	sshll.u32 s7, $0x4;
	s24 =	ssub.s32 $0x2, s7;
	s12 =	smul.u32 $0x13C000, s7  }
0xa: {  	s7 =	smul.u32 $0x27100, s7;
	s1 =	sor.u32 s30, s1;
	s11 =	sshrl.u32 s24, $0x1  }
0xb: {  	s14 =	sadd.s32 $0x100, s9;
	s15 =	sadd.s32 $0x180, s9;
	s8 =	smul.u32 $0x2710, s1  }
0xc: {  	s1 =	ssub.s32 s24, s11;
	s11 =	sadd.s32 $0x80, s9;
	s9 =	sadd.s32 $0x200, s9  }
0xd: {  	s17 =	sadd.s32 s13, s12;
	s18 =	sshll.u32 s14, $0x7;
	s26 =	sshll.u32 s15, $0x7  }
0xe: {  	s7 =	sadd.s32 s21, s7;
	s16 =	sshll.u32 s11, $0x7;
	s17 =	sshrl.u32 s17, $0x3  }
0xf: {  	s18 =	sadd.s32 s12, s18;
	s20 =	sshll.u32 s9, $0x7;
	s7 =	sadd.s32 $0x4E200, s7  }
0x10: {  	s16 =	sadd.s32 s12, s16;
	s19 =	sadd.s32 s10, s17;
	s18 =	sshrl.u32 s18, $0x3  }
0x11: {  	s22 =	sadd.s32 s17, s6;
	s8 =	sshrl.u32 s8, $0x3;
	s7 =	sshrl.u32 s7, $0x3  }
0x12: {  	s17 =	sshll.u32 s11, $0x4;
	s16 =	sshrl.u32 s16, $0x3;
	[dreg:$0x6] =	wrdreg s19  }
0x13: {  	s19 =	sadd.s32 s12, s26;
	s12 =	sadd.s32 s12, s20;
	s28 =	sadd.s32 s10, s18  }
0x14: {  	[dreg:$0xb] =	wrdreg s22;
	s24 =	sadd.s32 s18, s6;
	s26 =	smul.u32 $0x9E00, s30  }
0x15: {  	s25 =	sadd.s32 s10, s16;
	[dreg:$0x8] =	wrdreg s28;
	s19 =	sshrl.u32 s19, $0x3  }
0x16: {  	s12 =	sshrl.u32 s12, $0x3;
	s23 =	sadd.s32 s16, s6;
	[dreg:$0xd] =	wrdreg s24  }
0x17: {  	s28 =	smul.u32 $0x2780, s30;
	s16 =	sadd.s32 s7, s5;
	[dreg:$0x7] =	wrdreg s25  }
0x18: {  	s21 =	sadd.s32 s10, s19;
	s10 =	sadd.s32 s10, s12;
	[dreg:$0xc] =	wrdreg s23  }
0x19: {  	s25 =	sadd.s32 s19, s6;
	s6 =	sadd.s32 s12, s6;
	[dreg:$0x9] =	wrdreg s21  }
0x1a: {  	s12 =	sadd.s32 s5, s8;
	s18 =	sadd.s32 s26, s2;
	[dreg:$0xa] =	wrdreg s10  }
0x1b: {  	s19 =	sadd.s32 s26, s3;
	s26 =	sshll.u32 s14, $0x4;
	[dreg:$0xe] =	wrdreg s25  }
0x1c: {  	[dreg:$0xf] =	wrdreg s6;
	s8 =	sadd.s32 s0, s28;
	s10 =	sshll.u32 s11, $0x6  }
0x1d: {  	s25 =	sshll.u32 s14, $0x6;
	s28 =	sshll.u32 s15, $0x6;
	s11 =	sshrl.u32 s13, $0x3  }
0x1e: {  	s13 =	sadd.s32 $0x8, s0;
	_ =	strace $0x80000047;
	[dreg:$0x10] =	wrdreg s8  }
0x1f: {  	s20 =	sadd.s32 s10, s2;
	s21 =	sadd.s32 s10, s3;
	s8 =	sadd.s32 s11, s13  }
0x20: {  	s10 =	sshll.u32 s15, $0x4;
	s15 =	sadd.s32 s0, s17;
	[dreg:$0x11] =	wrdreg s8  }
0x21: {  	s14 =	sshll.u32 s9, $0x6;
	s6 =	sadd.s32 s17, s13;
	[dreg:$0x12] =	wrdreg s15  }
0x22: {  	s9 =	sshll.u32 s9, $0x4;
	s17 =	sadd.s32 s0, s26;
	[dreg:$0x13] =	wrdreg s6  }
0x23: {  	s22 =	sadd.s32 s25, s2;
	s26 =	sadd.s32 s26, s13;
	[dreg:$0x14] =	wrdreg s17  }
0x24: {  	s23 =	sadd.s32 s25, s3;
	s7 =	sadd.s32 s9, s13;
	[dreg:$0x15] =	wrdreg s26  }
0x25: {  	s24 =	sadd.s32 s28, s2;
	s11 =	sadd.s32 $0x26080, s0;
	[dreg:$0x18] =	wrdreg s7  }
0x26: {  	s25 =	sadd.s32 s28, s3;
	s28 =	sadd.s32 s0, s10;
	[dreg:$0x1c] =	wrdreg s11  }
0x27: {  	s29 =	smax.u32 s1, $0x1;
	s5 =	sadd.s32 s10, s13;
	[dreg:$0x16] =	wrdreg s28  }
0x28: {  	s1 =	simm.s32 $0x2;
	s8 =	sadd.s32 s0, s9;
	[dreg:$0x17] =	wrdreg s5  }
0x29: {  	s30 =	sadd.s32 $0xA120, s12;
	s9 =	sadd.s32 $0x25080, s0;
	[dreg:$0x19] =	wrdreg s8  }
0x2a: {  	s7 =	sadd.s32 s14, s2;
	s10 =	sadd.s32 $0x25880, s0;
	[dreg:$0x1a] =	wrdreg s9  }
0x2b: {  	s13 =	sadd.s32 $0x26880, s0;
	s15 =	sadd.s32 $0x25088, s0;
	[dreg:$0x1b] =	wrdreg s10  }
0x2c: {  	s17 =	sadd.s32 $0x25888, s0;
	s26 =	sadd.s32 $0x26088, s0;
	[dreg:$0x1d] =	wrdreg s13  }
0x2d: {  	s6 =	simm.s32 $0x5100;
	s11 =	simm.s32 $0x40;
	[dreg:$0x1f] =	wrdreg s15  }
0x2e: {  	s8 =	sadd.s32 s14, s3;
	s14 =	sadd.s32 $0x27080, s0;
	[smem:$0x7FA] =	sst s17  }
0x2f: {  	[smem:$0x7FB] =	sst s26;
	s28 =	sadd.s32 $0x26888, s0;
	s0 =	sadd.s32 $0x27088, s0  }
0x30: {  	s26 =	smov.u32 s12;
	s5 =	simm.s32 $0x80;
	[dreg:$0x1e] =	wrdreg s14  }
0x31: {  	s9 =	simm.s32 $0x9100;
	s10 =	simm.s32 $0x1;
	[smem:$0x7FC] =	sst s28  }
0x32: {  	v0 =	vimm.s32 $0x0;
	v1 =	vimm.s32 $0x2710;
	v2 =	vimm.f32 $0.0e+00;
	s12 =	simm.s32 $0x0;
	[smem:$0x7FD] =	sst s0;
	s0 =	simm.s32 $0x7100  }
.LBB2_1:
0x33: {  	[tilespmem:s4], [sflag:$0x3] =	stream.linear.gather [hbm4b:s26+s4], $0x2710, $0x38;
	[tilespmem:$0x1ED00] =	vst v63  }
0x34: {  	_ =	swait.ge [sflag:s31], $0x2710  }
0x35: {  	s13 =	simm.s32 $0x2880;
	s14 =	simm.s32 $0x10;
	[sflag:s31] =	ssyncset.done $0x0  }
0x36: {  	s15 =	sadd.s32 $0x0, s16;
	s17 =	simm.s32 $0x2900;
	[sflag:s31] =	ssyncadd.s32 $0xFFFFD8F0  }
.LBB2_2:
0x37: {  	[tilespmem:s13], [sflag:$0x2] =	stream.linear.gather [hbm4b:s15+s4], $0x80, $0x38;
	[tilespmem:$0x1ED00] =	vst v63  }
0x38: {  	s15 =	smov.u32 s14;
	s13 =	smov.u32 s17;
	p1 =	sne.s32 s14, $0x4D0  }
.Ltmp0:
0x39: {  	s14 =	sadd.s32 $0x10, s14;
	(pc) =	sbr.rel @p1 .LBB2_2-.Ltmp0, $2  }
0x3a: {  	_ =	sdelay $0x2  }
0x3b: {  	s17 =	sadd.s32 $0x80, s17;
	s15 =	sadd.s32 s15, s16  }
0x3c: {  	[tilespmem:s13], [sflag:$0x2] =	stream.linear.gather [hbm4b:s15+s4], $0x80, $0x38;
	[tilespmem:$0x1ED00] =	vst v63  }
0x3d: {  	s28 =	simm.s32 $0x4F80  }
0x3e: {  	[tilespmem:s28], [sflag:$0x3] =	stream.linear.gather [hbm4b:s30+s4], $0x10, $0x38;
	[tilespmem:$0x1ED00] =	vst v63  }
0x3f: {  	_ =	swait.ge [sflag:s31], $0x10  }
0x40: {  	[sflag:s31] =	ssyncset.done $0x0  }
0x41: {  	[sflag:s31] =	ssyncadd.s32 $0xFFFFFFF0  }
0x42: {  	[tilespmem:$0x2710] =	vst v0  }
0x43: {  	[tilespmem:$0x4F90] =	vst v1  }
0x44: {  	[tilespmem:$0x2720] =	vst v0  }
0x45: {  	[tilespmem:$0x4FA0] =	vst v1  }
0x46: {  	[tilespmem:$0x2730] =	vst v0  }
0x47: {  	[tilespmem:$0x4FB0] =	vst v1  }
0x48: {  	[tilespmem:$0x2740] =	vst v0  }
0x49: {  	[tilespmem:$0x4FC0] =	vst v1  }
0x4a: {  	[tilespmem:$0x2750] =	vst v0  }
0x4b: {  	[tilespmem:$0x4FD0] =	vst v1  }
0x4c: {  	[tilespmem:$0x2760] =	vst v0  }
0x4d: {  	[tilespmem:$0x4FE0] =	vst v1  }
0x4e: {  	[tilespmem:$0x2770] =	vst v0  }
0x4f: {  	[tilespmem:$0x4FF0] =	vst v1  }
0x50: {  	[tilespmem:$0x2780] =	vst v0  }
0x51: {  	[tilespmem:$0x5000] =	vst v1  }
0x52: {  	[tilespmem:$0x2790] =	vst v0  }
0x53: {  	[tilespmem:$0x5010] =	vst v1  }
0x54: {  	[tilespmem:$0x27A0] =	vst v0  }
0x55: {  	[tilespmem:$0x5020] =	vst v1  }
0x56: {  	[tilespmem:$0x27B0] =	vst v0  }
0x57: {  	[tilespmem:$0x5030] =	vst v1  }
0x58: {  	[tilespmem:$0x27C0] =	vst v0  }
0x59: {  	[tilespmem:$0x5040] =	vst v1  }
0x5a: {  	[tilespmem:$0x27D0] =	vst v0  }
0x5b: {  	[tilespmem:$0x5050] =	vst v1  }
0x5c: {  	[tilespmem:$0x27E0] =	vst v0  }
0x5d: {  	[tilespmem:$0x5060] =	vst v1  }
0x5e: {  	[tilespmem:$0x27F0] =	vst v0  }
0x5f: {  	[tilespmem:$0x5070] =	vst v1  }
0x60: {  	[tilespmem:$0x2800] =	vst v0  }
0x61: {  	[tilespmem:$0x5080] =	vst v1  }
0x62: {  	[tilespmem:$0x2810] =	vst v0  }
0x63: {  	[tilespmem:$0x5090] =	vst v1  }
0x64: {  	[tilespmem:$0x2820] =	vst v0  }
0x65: {  	[tilespmem:$0x50A0] =	vst v1  }
0x66: {  	[tilespmem:$0x2830] =	vst v0  }
0x67: {  	[tilespmem:$0x50B0] =	vst v1  }
0x68: {  	[tilespmem:$0x2840] =	vst v0  }
0x69: {  	[tilespmem:$0x50C0] =	vst v1  }
0x6a: {  	[tilespmem:$0x2850] =	vst v0  }
0x6b: {  	[tilespmem:$0x50D0] =	vst v1  }
0x6c: {  	[tilespmem:$0x2860] =	vst v0  }
0x6d: {  	[tilespmem:$0x50E0] =	vst v1  }
0x6e: {  	[tilespmem:$0x2870] =	vst v0  }
0x6f: {  	s13 =	simm.s32 $0x4E;
	[tilespmem:$0x50F0] =	vst v1  }
.LBB2_4:
0x70: {  	p1 =	sne.s32 s13, $0x1  }
.Ltmp1:
0x71: {  	_ = 	snop;
	(pc) =	sbr.rel @p1 .LBB2_4-.Ltmp1, $4  }
0x72: {  	_ = 	snop  }
0x73: {  	_ =	swait.ge [sflag:s1], $0x80  }
0x74: {  	[sflag:s1] =	ssyncset.done $0x0  }
0x75: {  	s13 =	sadd.s32 $0xFFFFFFFF, s13;
	[sflag:s1] =	ssyncadd.s32 $0xFFFFFF80  }
0x76: {  	s14 =	simm.s32 $0x100;
	s13 =	simm.s32 $0x0  }
.LBB2_6:
0x77: {  	p1 =	sne.s32 s14, $0x7F00;
	[tilespmem:s13+$0x7130] =	vst v2;
	s15 =	smov.u32 s14;
	s14 =	sadd.s32 $0x100, s14  }
.Ltmp2:
0x78: {  	[tilespmem:s13+$0x7120] =	vst v2;
	(pc) =	sbr.rel @p1 .LBB2_6-.Ltmp2, $3  }
0x79: {  	[tilespmem:s13+$0x7100] =	vst v2  }
0x7a: {  	[tilespmem:s13+$0x7110] =	vst v2;
	_ =	sdelay $0x1  }
0x7b: {  	s13 =	sshra.s32 s15, $0x2  }
0x7c: {  	[tilespmem:s13+$0x7130] =	vst v2  }
0x7d: {  	[tilespmem:s13+$0x7120] =	vst v2  }
0x7e: {  	[tilespmem:s13+$0x7100] =	vst v2  }
0x7f: {  	[tilespmem:s13+$0x7110] =	vst v2  }
0x80: {  	[spmem:s18] =	stream.linear.scatter [tilespmem:s0], [sflag:$0x3], $0x2000, $0x38;
	[tilespmem:$0x1ED00] =	vst v63  }
0x81: {  	_ =	swait.ge [sflag:s31], $0x2000  }
0x82: {  	[sflag:s31] =	ssyncset.done $0x0  }
0x83: {  	[sflag:s31] =	ssyncadd.s32 $0xFFFFE000  }
0x84: {  	[spmem:s20] =	stream.linear.scatter [tilespmem:s0], [sflag:$0x3], $0x2000, $0x38;
	[tilespmem:$0x1ED00] =	vst v63  }
0x85: {  	_ =	swait.ge [sflag:s31], $0x2000  }
0x86: {  	[sflag:s31] =	ssyncset.done $0x0  }
0x87: {  	[sflag:s31] =	ssyncadd.s32 $0xFFFFE000  }
0x88: {  	[spmem:s22] =	stream.linear.scatter [tilespmem:s0], [sflag:$0x3], $0x2000, $0x38;
	[tilespmem:$0x1ED00] =	vst v63  }
0x89: {  	_ =	swait.ge [sflag:s31], $0x2000  }
0x8a: {  	[sflag:s31] =	ssyncset.done $0x0  }
0x8b: {  	[sflag:s31] =	ssyncadd.s32 $0xFFFFE000  }
0x8c: {  	[spmem:s24] =	stream.linear.scatter [tilespmem:s0], [sflag:$0x3], $0x2000, $0x38;
	[tilespmem:$0x1ED00] =	vst v63  }
0x8d: {  	_ =	swait.ge [sflag:s31], $0x2000  }
0x8e: {  	[sflag:s31] =	ssyncset.done $0x0  }
0x8f: {  	[sflag:s31] =	ssyncadd.s32 $0xFFFFE000  }
0x90: {  	[spmem:s7] =	stream.linear.scatter [tilespmem:s0], [sflag:$0x3], $0x1E00, $0x38;
	[tilespmem:$0x1ED00] =	vst v63  }
0x91: {  	_ =	swait.ge [sflag:s31], $0x1E00  }
0x92: {  	s13 =	simm.s32 @p0 $0x40;
	s14 =	simm.s32 @p0 $0x80;
	[sflag:s31] =	ssyncset.done $0x0  }
0x93: {  	s15 =	simm.s32 @p0 $0x5100;
	s17 =	rddreg [dreg:$0x1a];
	[sflag:s31] =	ssyncadd.s32 $0xFFFFE200  }
0x94: {  	[tilespmem:s15], [sflag:$0x3] =	stream.strided.gather @p0 [hbm4b:s17+s13], $0x2000, s14, s13, $0x38;
	[tilespmem:$0x1ED00] =	vst v63  }
0x95: {  	s17 =	simm.s32 @p0 $0x3  }
0x96: {  	_ =	swait.ge @p0 [sflag:s17], $0x2000  }
0x97: {  	[sflag:s17] =	ssyncset.done @p0 $0x0  }
0x98: {  	[sflag:s17] =	ssyncadd.s32 @p0 $0xFFFFE000  }
0x99: {  	[spmem:s19] =	stream.linear.scatter @p0 [tilespmem:s15], [sflag:$0x3], $0x2000, $0x38;
	[tilespmem:$0x1ED00] =	vst v63  }
0x9a: {  	_ =	swait.ge @p0 [sflag:s17], $0x2000  }
0x9b: {  	[sflag:s17] =	ssyncset.done @p0 $0x0  }
0x9c: {  	s28 =	rddreg [dreg:$0x1b];
	[sflag:s17] =	ssyncadd.s32 @p0 $0xFFFFE000  }
0x9d: {  	[tilespmem:s15], [sflag:$0x3] =	stream.strided.gather @p0 [hbm4b:s28+s13], $0x2000, s14, s13, $0x38;
	[tilespmem:$0x1ED00] =	vst v63  }
0x9e: {  	_ =	swait.ge @p0 [sflag:s17], $0x2000  }
0x9f: {  	[sflag:s17] =	ssyncset.done @p0 $0x0  }
0xa0: {  	[sflag:s17] =	ssyncadd.s32 @p0 $0xFFFFE000  }
0xa1: {  	[spmem:s21] =	stream.linear.scatter @p0 [tilespmem:s15], [sflag:$0x3], $0x2000, $0x38;
	[tilespmem:$0x1ED00] =	vst v63  }
0xa2: {  	_ =	swait.ge @p0 [sflag:s17], $0x2000  }
0xa3: {  	[sflag:s17] =	ssyncset.done @p0 $0x0  }
0xa4: {  	s28 =	rddreg [dreg:$0x1c];
	[sflag:s17] =	ssyncadd.s32 @p0 $0xFFFFE000  }
0xa5: {  	[tilespmem:s15], [sflag:$0x3] =	stream.strided.gather @p0 [hbm4b:s28+s13], $0x2000, s14, s13, $0x38;
	[tilespmem:$0x1ED00] =	vst v63  }
0xa6: {  	_ =	swait.ge @p0 [sflag:s17], $0x2000  }
0xa7: {  	[sflag:s17] =	ssyncset.done @p0 $0x0  }
0xa8: {  	[sflag:s17] =	ssyncadd.s32 @p0 $0xFFFFE000  }
0xa9: {  	[spmem:s23] =	stream.linear.scatter @p0 [tilespmem:s15], [sflag:$0x3], $0x2000, $0x38;
	[tilespmem:$0x1ED00] =	vst v63  }
0xaa: {  	_ =	swait.ge @p0 [sflag:s17], $0x2000  }
0xab: {  	[sflag:s17] =	ssyncset.done @p0 $0x0  }
0xac: {  	s28 =	rddreg [dreg:$0x1d];
	[sflag:s17] =	ssyncadd.s32 @p0 $0xFFFFE000  }
0xad: {  	[tilespmem:s15], [sflag:$0x3] =	stream.strided.gather @p0 [hbm4b:s28+s13], $0x2000, s14, s13, $0x38;
	[tilespmem:$0x1ED00] =	vst v63  }
0xae: {  	_ =	swait.ge @p0 [sflag:s17], $0x2000  }
0xaf: {  	[sflag:s17] =	ssyncset.done @p0 $0x0  }
0xb0: {  	[sflag:s17] =	ssyncadd.s32 @p0 $0xFFFFE000  }
0xb1: {  	[spmem:s25] =	stream.linear.scatter @p0 [tilespmem:s15], [sflag:$0x3], $0x2000, $0x38;
	[tilespmem:$0x1ED00] =	vst v63  }
0xb2: {  	_ =	swait.ge @p0 [sflag:s17], $0x2000  }
0xb3: {  	[sflag:s17] =	ssyncset.done @p0 $0x0  }
0xb4: {  	s28 =	rddreg [dreg:$0x1e];
	[sflag:s17] =	ssyncadd.s32 @p0 $0xFFFFE000  }
0xb5: {  	[tilespmem:s15], [sflag:$0x3] =	stream.strided.gather @p0 [hbm4b:s28+s13], $0x200, s14, s13, $0x38;
	[tilespmem:$0x1ED00] =	vst v63  }
0xb6: {  	_ =	swait.ge @p0 [sflag:s17], $0x200  }
0xb7: {  	[sflag:s17] =	ssyncset.done @p0 $0x0  }
0xb8: {  	[sflag:s17] =	ssyncadd.s32 @p0 $0xFFFFFE00  }
0xb9: {  	[spmem:s8] =	stream.linear.scatter @p0 [tilespmem:s15], [sflag:$0x3], $0x200, $0x38;
	[tilespmem:$0x1ED00] =	vst v63  }
0xba: {  	_ =	swait.ge @p0 [sflag:s17], $0x200  }
0xbb: {  	s13 =	simm.s32 @!p0 $0x40;
	s14 =	simm.s32 @!p0 $0x80;
	[sflag:s17] =	ssyncset.done @p0 $0x0  }
0xbc: {  	s15 =	simm.s32 @!p0 $0x5100;
	[sflag:s17] =	ssyncadd.s32 @p0 $0xFFFFFE00;
	s17 =	rddreg [dreg:$0x10]  }
0xbd: {  	[tilespmem:s15], [sflag:$0x3] =	stream.strided.gather @!p0 [hbm4b:s17+s13], $0x2000, s14, s13, $0x38;
	[tilespmem:$0x1ED00] =	vst v63  }
0xbe: {  	s17 =	simm.s32 @!p0 $0x3  }
0xbf: {  	_ =	swait.ge @!p0 [sflag:s17], $0x2000  }
0xc0: {  	[sflag:s17] =	ssyncset.done @!p0 $0x0  }
0xc1: {  	[sflag:s17] =	ssyncadd.s32 @!p0 $0xFFFFE000  }
0xc2: {  	[spmem:s19] =	stream.linear.scatter @!p0 [tilespmem:s15], [sflag:$0x3], $0x2000, $0x38;
	[tilespmem:$0x1ED00] =	vst v63  }
0xc3: {  	_ =	swait.ge @!p0 [sflag:s17], $0x2000  }
0xc4: {  	[sflag:s17] =	ssyncset.done @!p0 $0x0  }
0xc5: {  	s28 =	rddreg [dreg:$0x12];
	[sflag:s17] =	ssyncadd.s32 @!p0 $0xFFFFE000  }
0xc6: {  	[tilespmem:s15], [sflag:$0x3] =	stream.strided.gather @!p0 [hbm4b:s28+s13], $0x2000, s14, s13, $0x38;
	[tilespmem:$0x1ED00] =	vst v63  }
0xc7: {  	_ =	swait.ge @!p0 [sflag:s17], $0x2000  }
0xc8: {  	[sflag:s17] =	ssyncset.done @!p0 $0x0  }
0xc9: {  	[sflag:s17] =	ssyncadd.s32 @!p0 $0xFFFFE000  }
0xca: {  	[spmem:s21] =	stream.linear.scatter @!p0 [tilespmem:s15], [sflag:$0x3], $0x2000, $0x38;
	[tilespmem:$0x1ED00] =	vst v63  }
0xcb: {  	_ =	swait.ge @!p0 [sflag:s17], $0x2000  }
0xcc: {  	[sflag:s17] =	ssyncset.done @!p0 $0x0  }
0xcd: {  	s28 =	rddreg [dreg:$0x14];
	[sflag:s17] =	ssyncadd.s32 @!p0 $0xFFFFE000  }
0xce: {  	[tilespmem:s15], [sflag:$0x3] =	stream.strided.gather @!p0 [hbm4b:s28+s13], $0x2000, s14, s13, $0x38;
	[tilespmem:$0x1ED00] =	vst v63  }
0xcf: {  	_ =	swait.ge @!p0 [sflag:s17], $0x2000  }
0xd0: {  	[sflag:s17] =	ssyncset.done @!p0 $0x0  }
0xd1: {  	[sflag:s17] =	ssyncadd.s32 @!p0 $0xFFFFE000  }
0xd2: {  	[spmem:s23] =	stream.linear.scatter @!p0 [tilespmem:s15], [sflag:$0x3], $0x2000, $0x38;
	[tilespmem:$0x1ED00] =	vst v63  }
0xd3: {  	_ =	swait.ge @!p0 [sflag:s17], $0x2000  }
0xd4: {  	[sflag:s17] =	ssyncset.done @!p0 $0x0  }
0xd5: {  	s28 =	rddreg [dreg:$0x16];
	[sflag:s17] =	ssyncadd.s32 @!p0 $0xFFFFE000  }
0xd6: {  	[tilespmem:s15], [sflag:$0x3] =	stream.strided.gather @!p0 [hbm4b:s28+s13], $0x2000, s14, s13, $0x38;
	[tilespmem:$0x1ED00] =	vst v63  }
0xd7: {  	_ =	swait.ge @!p0 [sflag:s17], $0x2000  }
0xd8: {  	[sflag:s17] =	ssyncset.done @!p0 $0x0  }
0xd9: {  	[sflag:s17] =	ssyncadd.s32 @!p0 $0xFFFFE000  }
0xda: {  	[spmem:s25] =	stream.linear.scatter @!p0 [tilespmem:s15], [sflag:$0x3], $0x2000, $0x38;
	[tilespmem:$0x1ED00] =	vst v63  }
0xdb: {  	_ =	swait.ge @!p0 [sflag:s17], $0x2000  }
0xdc: {  	[sflag:s17] =	ssyncset.done @!p0 $0x0  }
0xdd: {  	s28 =	rddreg [dreg:$0x19];
	[sflag:s17] =	ssyncadd.s32 @!p0 $0xFFFFE000  }
0xde: {  	[tilespmem:s15], [sflag:$0x3] =	stream.strided.gather @!p0 [hbm4b:s28+s13], $0x1E00, s14, s13, $0x38;
	[tilespmem:$0x1ED00] =	vst v63  }
0xdf: {  	_ =	swait.ge @!p0 [sflag:s17], $0x1E00  }
0xe0: {  	[sflag:s17] =	ssyncset.done @!p0 $0x0  }
0xe1: {  	[sflag:s17] =	ssyncadd.s32 @!p0 $0xFFFFE200  }
0xe2: {  	[spmem:s8] =	stream.linear.scatter @!p0 [tilespmem:s15], [sflag:$0x3], $0x1E00, $0x38;
	[tilespmem:$0x1ED00] =	vst v63  }
0xe3: {  	_ =	swait.ge @!p0 [sflag:s17], $0x1E00  }
0xe4: {  	[sflag:s17] =	ssyncset.done @!p0 $0x0  }
0xe5: {  	[sflag:s17] =	ssyncadd.s32 @!p0 $0xFFFFE200  }
0xe6: {  	s17 =	simm.s32 $0x0;
	[bflag:$0x0] =	sbarrier.arrive $0xFFFF  }
0xe7: {  	[tilespmem:s6], [sflag:$0x1] =	stream.indirect.gather [spmem:s3], $0x40, s17, s5, $0xb8;
	[tilespmem:$0x1ED00] =	vst v63  }
0xe8: {  	s28 =	simm.s32 $0x80  }
0xe9: {  	[tilespmem:s0], [sflag:$0x1] =	stream.indirect.gather [spmem:s3], $0x40, s28, s5, $0xb8;
	[tilespmem:$0x1ED00] =	vst v63  }
0xea: {  	s14 =	simm.s32 $0x100  }
0xeb: {  	[tilespmem:s9], [sflag:$0x1] =	stream.indirect.gather [spmem:s3], $0x40, s14, s5, $0xb8;
	[tilespmem:$0x1ED00] =	vst v63  }
0xec: {  	_ =	swait.ge [sflag:s10], $0x2000  }
0xed: {  	[sflag:s10] =	ssyncset.done $0x0  }
0xee: {  	[sflag:s10] =	ssyncadd.s32 $0xFFFFE000  }
0xef: {  	_ =	swait.ge [sflag:s10], $0x2000  }
0xf0: {  	[sflag:s10] =	ssyncset.done $0x0  }
0xf1: {  	[sflag:s10] =	ssyncadd.s32 $0xFFFFE000  }
0xf2: {  	_ =	swait.ge [sflag:s10], $0x2000  }
0xf3: {  	[sflag:s10] =	ssyncset.done $0x0  }
0xf4: {  	s15 =	simm.s32 $0x2880;
	[sflag:s10] =	ssyncadd.s32 $0xFFFFE000  }
0xf5: {  	[spmem:s2] =	stream.indirect.scatter.add.f32 [tilespmem:s6], [sflag:$0x2], $0x40, s15, s5, $0xb8;
	[tilespmem:$0x1ED00] =	vst v63  }
0xf6: {  	s17 =	simm.s32 $0x2900  }
0xf7: {  	[spmem:s2] =	stream.indirect.scatter.add.f32 [tilespmem:s0], [sflag:$0x2], $0x40, s17, s5, $0xb8;
	[tilespmem:$0x1ED00] =	vst v63  }
0xf8: {  	s28 =	simm.s32 $0x2980  }
0xf9: {  	[spmem:s2] =	stream.indirect.scatter.add.f32 [tilespmem:s9], [sflag:$0x2], $0x40, s28, s5, $0xb8;
	[tilespmem:$0x1ED00] =	vst v63  }
0xfa: {  	_ =	swait.ge [sflag:s1], $0x2000  }
0xfb: {  	[sflag:s1] =	ssyncset.done $0x0  }
0xfc: {  	[sflag:s1] =	ssyncadd.s32 $0xFFFFE000  }
0xfd: {  	_ =	swait.ge [sflag:s1], $0x2000  }
0xfe: {  	[sflag:s1] =	ssyncset.done $0x0  }
0xff: {  	[sflag:s1] =	ssyncadd.s32 $0xFFFFE000  }
0x100: {  	_ =	swait.ge [sflag:s1], $0x2000  }
0x101: {  	s13 =	simm.s32 $0x600;
	s14 =	simm.s32 $0xC00;
	[sflag:s1] =	ssyncset.done $0x0  }
.LBB2_8:
0x102: {  	s15 =	sshra.s32 s13, $0x2  }
0x103: {  	[sflag:s1] =	ssyncadd.s32 $0xFFFFE000;
	s13 =	smov.u32 s14;
	s17 =	sadd.s32 $0x600, s14  }
0x104: {  	[tilespmem:s6], [sflag:$0x1] =	stream.indirect.gather [spmem:s3], $0x40, s15, s5, $0xb8;
	[tilespmem:$0x1ED00] =	vst v63  }
0x105: {  	p1 =	sne.s32 s14, $0x9C00;
	s14 =	sadd.s32 $0x80, s15  }
0x106: {  	[tilespmem:s0], [sflag:$0x1] =	stream.indirect.gather [spmem:s3], $0x40, s14, s5, $0xb8;
	[tilespmem:$0x1ED00] =	vst v63  }
0x107: {  	s14 =	sadd.s32 $0x100, s15  }
0x108: {  	[tilespmem:s9], [sflag:$0x1] =	stream.indirect.gather [spmem:s3], $0x40, s14, s5, $0xb8;
	[tilespmem:$0x1ED00] =	vst v63  }
0x109: {  	_ =	swait.ge [sflag:s10], $0x2000  }
0x10a: {  	[sflag:s10] =	ssyncset.done $0x0  }
0x10b: {  	[sflag:s10] =	ssyncadd.s32 $0xFFFFE000  }
0x10c: {  	_ =	swait.ge [sflag:s10], $0x2000  }
0x10d: {  	[sflag:s10] =	ssyncset.done $0x0  }
0x10e: {  	[sflag:s10] =	ssyncadd.s32 $0xFFFFE000  }
0x10f: {  	_ =	swait.ge [sflag:s10], $0x2000  }
0x110: {  	[sflag:s10] =	ssyncset.done $0x0  }
0x111: {  	s14 =	sadd.s32 $0x2880, s15;
	[sflag:s10] =	ssyncadd.s32 $0xFFFFE000  }
0x112: {  	[spmem:s2] =	stream.indirect.scatter.add.f32 [tilespmem:s6], [sflag:$0x2], $0x40, s14, s5, $0xb8;
	[tilespmem:$0x1ED00] =	vst v63  }
0x113: {  	s14 =	sadd.s32 $0x2900, s15  }
0x114: {  	[spmem:s2] =	stream.indirect.scatter.add.f32 [tilespmem:s0], [sflag:$0x2], $0x40, s14, s5, $0xb8;
	[tilespmem:$0x1ED00] =	vst v63  }
0x115: {  	s14 =	sadd.s32 $0x2980, s15  }
0x116: {  	[spmem:s2] =	stream.indirect.scatter.add.f32 [tilespmem:s9], [sflag:$0x2], $0x40, s14, s5, $0xb8;
	[tilespmem:$0x1ED00] =	vst v63  }
0x117: {  	_ =	swait.ge [sflag:s1], $0x2000  }
0x118: {  	[sflag:s1] =	ssyncset.done $0x0  }
0x119: {  	[sflag:s1] =	ssyncadd.s32 $0xFFFFE000  }
.Ltmp3:
0x11a: {  	_ =	swait.ge [sflag:s1], $0x2000;
	(pc) =	sbr.rel @p1 .LBB2_8-.Ltmp3, $4  }
0x11b: {  	[sflag:s1] =	ssyncset.done $0x0  }
0x11c: {  	[sflag:s1] =	ssyncadd.s32 $0xFFFFE000  }
0x11d: {  	_ =	swait.ge [sflag:s1], $0x2000  }
0x11e: {  	s14 =	smov.u32 s17;
	[sflag:s1] =	ssyncset.done $0x0  }
0x11f: {  	s13 =	sshra.s32 s13, $0x2;
	[sflag:s1] =	ssyncadd.s32 $0xFFFFE000  }
0x120: {  	[tilespmem:s6], [sflag:$0x1] =	stream.indirect.gather [spmem:s3], $0x40, s13, s5, $0xb8;
	[tilespmem:$0x1ED00] =	vst v63  }
0x121: {  	s14 =	sadd.s32 $0x80, s13  }
0x122: {  	[tilespmem:s0], [sflag:$0x1] =	stream.indirect.gather [spmem:s3], $0x40, s14, s5, $0xb8;
	[tilespmem:$0x1ED00] =	vst v63  }
0x123: {  	s28 =	sadd.s32 $0x100, s13  }
0x124: {  	[tilespmem:s9], [sflag:$0x1] =	stream.indirect.gather [spmem:s3], $0x40, s28, s5, $0xb8;
	[tilespmem:$0x1ED00] =	vst v63  }
0x125: {  	_ =	swait.ge [sflag:s10], $0x2000  }
0x126: {  	[sflag:s10] =	ssyncset.done $0x0  }
0x127: {  	[sflag:s10] =	ssyncadd.s32 $0xFFFFE000  }
0x128: {  	_ =	swait.ge [sflag:s10], $0x2000  }
0x129: {  	[sflag:s10] =	ssyncset.done $0x0  }
0x12a: {  	[sflag:s10] =	ssyncadd.s32 $0xFFFFE000  }
0x12b: {  	_ =	swait.ge [sflag:s10], $0x2000  }
0x12c: {  	[sflag:s10] =	ssyncset.done $0x0  }
0x12d: {  	s15 =	sadd.s32 $0x2880, s13;
	[sflag:s10] =	ssyncadd.s32 $0xFFFFE000  }
0x12e: {  	[spmem:s2] =	stream.indirect.scatter.add.f32 [tilespmem:s6], [sflag:$0x2], $0x40, s15, s5, $0xb8;
	[tilespmem:$0x1ED00] =	vst v63  }
0x12f: {  	s17 =	sadd.s32 $0x2900, s13  }
0x130: {  	[spmem:s2] =	stream.indirect.scatter.add.f32 [tilespmem:s0], [sflag:$0x2], $0x40, s17, s5, $0xb8;
	[tilespmem:$0x1ED00] =	vst v63  }
0x131: {  	s13 =	sadd.s32 $0x2980, s13  }
0x132: {  	[spmem:s2] =	stream.indirect.scatter.add.f32 [tilespmem:s9], [sflag:$0x2], $0x40, s13, s5, $0xb8;
	[tilespmem:$0x1ED00] =	vst v63  }
0x133: {  	_ =	swait.ge [sflag:s1], $0x2000  }
0x134: {  	[sflag:s1] =	ssyncset.done $0x0  }
0x135: {  	[sflag:s1] =	ssyncadd.s32 $0xFFFFE000  }
0x136: {  	_ =	swait.ge [sflag:s1], $0x2000  }
0x137: {  	[sflag:s1] =	ssyncset.done $0x0  }
0x138: {  	[sflag:s1] =	ssyncadd.s32 $0xFFFFE000  }
0x139: {  	_ =	swait.ge [sflag:s1], $0x2000  }
0x13a: {  	[sflag:s1] =	ssyncset.done $0x0  }
0x13b: {  	[sflag:s1] =	ssyncadd.s32 $0xFFFFE000  }
0x13c: {  	[bflag:$0x0] =	sbarrier.arrive $0xFFFF  }
0x13d: {  	[tilespmem:s6], [sflag:$0x3] =	stream.linear.gather [spmem:s18], $0x2000, $0x38;
	[tilespmem:$0x1ED00] =	vst v63  }
0x13e: {  	_ =	swait.ge [sflag:s31], $0x2000  }
0x13f: {  	[sflag:s31] =	ssyncset.done $0x0  }
0x140: {  	s28 =	rddreg [dreg:$0x6];
	[sflag:s31] =	ssyncadd.s32 $0xFFFFE000  }
0x141: {  	[hbm4b:s28+s11] =	stream.strided.scatter [tilespmem:s6], [sflag:$0x3], $0x2000, s5, s11, $0x38;
	[tilespmem:$0x1ED00] =	vst v63  }
0x142: {  	_ =	swait.ge [sflag:s31], $0x2000  }
0x143: {  	[sflag:s31] =	ssyncset.done $0x0  }
0x144: {  	[sflag:s31] =	ssyncadd.s32 $0xFFFFE000  }
0x145: {  	[tilespmem:s6], [sflag:$0x3] =	stream.linear.gather [spmem:s20], $0x2000, $0x38;
	[tilespmem:$0x1ED00] =	vst v63  }
0x146: {  	_ =	swait.ge [sflag:s31], $0x2000  }
0x147: {  	[sflag:s31] =	ssyncset.done $0x0  }
0x148: {  	s14 =	rddreg [dreg:$0x7];
	[sflag:s31] =	ssyncadd.s32 $0xFFFFE000  }
0x149: {  	[hbm4b:s14+s11] =	stream.strided.scatter [tilespmem:s6], [sflag:$0x3], $0x2000, s5, s11, $0x38;
	[tilespmem:$0x1ED00] =	vst v63  }
0x14a: {  	_ =	swait.ge [sflag:s31], $0x2000  }
0x14b: {  	[sflag:s31] =	ssyncset.done $0x0  }
0x14c: {  	[sflag:s31] =	ssyncadd.s32 $0xFFFFE000  }
0x14d: {  	[tilespmem:s6], [sflag:$0x3] =	stream.linear.gather [spmem:s22], $0x2000, $0x38;
	[tilespmem:$0x1ED00] =	vst v63  }
0x14e: {  	_ =	swait.ge [sflag:s31], $0x2000  }
0x14f: {  	[sflag:s31] =	ssyncset.done $0x0  }
0x150: {  	s15 =	rddreg [dreg:$0x8];
	[sflag:s31] =	ssyncadd.s32 $0xFFFFE000  }
0x151: {  	[hbm4b:s15+s11] =	stream.strided.scatter [tilespmem:s6], [sflag:$0x3], $0x2000, s5, s11, $0x38;
	[tilespmem:$0x1ED00] =	vst v63  }
0x152: {  	_ =	swait.ge [sflag:s31], $0x2000  }
0x153: {  	[sflag:s31] =	ssyncset.done $0x0  }
0x154: {  	[sflag:s31] =	ssyncadd.s32 $0xFFFFE000  }
0x155: {  	[tilespmem:s6], [sflag:$0x3] =	stream.linear.gather [spmem:s24], $0x2000, $0x38;
	[tilespmem:$0x1ED00] =	vst v63  }
0x156: {  	_ =	swait.ge [sflag:s31], $0x2000  }
0x157: {  	[sflag:s31] =	ssyncset.done $0x0  }
0x158: {  	s17 =	rddreg [dreg:$0x9];
	[sflag:s31] =	ssyncadd.s32 $0xFFFFE000  }
0x159: {  	[hbm4b:s17+s11] =	stream.strided.scatter [tilespmem:s6], [sflag:$0x3], $0x2000, s5, s11, $0x38;
	[tilespmem:$0x1ED00] =	vst v63  }
0x15a: {  	_ =	swait.ge [sflag:s31], $0x2000  }
0x15b: {  	[sflag:s31] =	ssyncset.done $0x0  }
0x15c: {  	[sflag:s31] =	ssyncadd.s32 $0xFFFFE000  }
0x15d: {  	[tilespmem:s6], [sflag:$0x3] =	stream.linear.gather [spmem:s7], $0x1E00, $0x38;
	[tilespmem:$0x1ED00] =	vst v63  }
0x15e: {  	_ =	swait.ge [sflag:s31], $0x1E00  }
0x15f: {  	[sflag:s31] =	ssyncset.done $0x0  }
0x160: {  	s28 =	rddreg [dreg:$0xa];
	[sflag:s31] =	ssyncadd.s32 $0xFFFFE200  }
0x161: {  	[hbm4b:s28+s11] =	stream.strided.scatter [tilespmem:s6], [sflag:$0x3], $0x1E00, s5, s11, $0x38;
	[tilespmem:$0x1ED00] =	vst v63  }
0x162: {  	_ =	swait.ge [sflag:s31], $0x1E00  }
0x163: {  	[sflag:s31] =	ssyncset.done $0x0  }
0x164: {  	s13 =	simm.s32 $0x0;
	s14 =	simm.s32 $0x100;
	[sflag:s31] =	ssyncadd.s32 $0xFFFFE200  }
.LBB2_10:
0x165: {  	p1 =	sne.s32 s14, $0x7F00;
	[tilespmem:s13+$0x7130] =	vst v2;
	s15 =	smov.u32 s14;
	s14 =	sadd.s32 $0x100, s14  }
.Ltmp4:
0x166: {  	[tilespmem:s13+$0x7120] =	vst v2;
	(pc) =	sbr.rel @p1 .LBB2_10-.Ltmp4, $3  }
0x167: {  	[tilespmem:s13+$0x7100] =	vst v2  }
0x168: {  	[tilespmem:s13+$0x7110] =	vst v2;
	_ =	sdelay $0x1  }
0x169: {  	s13 =	sshra.s32 s15, $0x2  }
0x16a: {  	[tilespmem:s13+$0x7130] =	vst v2  }
0x16b: {  	[tilespmem:s13+$0x7120] =	vst v2  }
0x16c: {  	[tilespmem:s13+$0x7100] =	vst v2  }
0x16d: {  	[tilespmem:s13+$0x7110] =	vst v2  }
0x16e: {  	[spmem:s18] =	stream.linear.scatter [tilespmem:s0], [sflag:$0x3], $0x2000, $0x38;
	[tilespmem:$0x1ED00] =	vst v63  }
0x16f: {  	_ =	swait.ge [sflag:s31], $0x2000  }
0x170: {  	[sflag:s31] =	ssyncset.done $0x0  }
0x171: {  	[sflag:s31] =	ssyncadd.s32 $0xFFFFE000  }
0x172: {  	[spmem:s20] =	stream.linear.scatter [tilespmem:s0], [sflag:$0x3], $0x2000, $0x38;
	[tilespmem:$0x1ED00] =	vst v63  }
0x173: {  	_ =	swait.ge [sflag:s31], $0x2000  }
0x174: {  	[sflag:s31] =	ssyncset.done $0x0  }
0x175: {  	[sflag:s31] =	ssyncadd.s32 $0xFFFFE000  }
0x176: {  	[spmem:s22] =	stream.linear.scatter [tilespmem:s0], [sflag:$0x3], $0x2000, $0x38;
	[tilespmem:$0x1ED00] =	vst v63  }
0x177: {  	_ =	swait.ge [sflag:s31], $0x2000  }
0x178: {  	[sflag:s31] =	ssyncset.done $0x0  }
0x179: {  	[sflag:s31] =	ssyncadd.s32 $0xFFFFE000  }
0x17a: {  	[spmem:s24] =	stream.linear.scatter [tilespmem:s0], [sflag:$0x3], $0x2000, $0x38;
	[tilespmem:$0x1ED00] =	vst v63  }
0x17b: {  	_ =	swait.ge [sflag:s31], $0x2000  }
0x17c: {  	[sflag:s31] =	ssyncset.done $0x0  }
0x17d: {  	[sflag:s31] =	ssyncadd.s32 $0xFFFFE000  }
0x17e: {  	[spmem:s7] =	stream.linear.scatter [tilespmem:s0], [sflag:$0x3], $0x1E00, $0x38;
	[tilespmem:$0x1ED00] =	vst v63  }
0x17f: {  	_ =	swait.ge [sflag:s31], $0x1E00  }
0x180: {  	s13 =	simm.s32 @p0 $0x40;
	s14 =	simm.s32 @p0 $0x80;
	[sflag:s31] =	ssyncset.done $0x0  }
0x181: {  	s15 =	simm.s32 @p0 $0x5100;
	s17 =	rddreg [dreg:$0x1f];
	[sflag:s31] =	ssyncadd.s32 $0xFFFFE200  }
0x182: {  	[tilespmem:s15], [sflag:$0x3] =	stream.strided.gather @p0 [hbm4b:s17+s13], $0x2000, s14, s13, $0x38;
	[tilespmem:$0x1ED00] =	vst v63  }
0x183: {  	s17 =	simm.s32 @p0 $0x3  }
0x184: {  	_ =	swait.ge @p0 [sflag:s17], $0x2000  }
0x185: {  	[sflag:s17] =	ssyncset.done @p0 $0x0  }
0x186: {  	[sflag:s17] =	ssyncadd.s32 @p0 $0xFFFFE000  }
0x187: {  	[spmem:s19] =	stream.linear.scatter @p0 [tilespmem:s15], [sflag:$0x3], $0x2000, $0x38;
	[tilespmem:$0x1ED00] =	vst v63  }
0x188: {  	_ =	swait.ge @p0 [sflag:s17], $0x2000  }
0x189: {  	s28 =	sld [smem:$0x7FA]  }
0x18a: {  	[sflag:s17] =	ssyncset.done @p0 $0x0  }
0x18b: {  	[sflag:s17] =	ssyncadd.s32 @p0 $0xFFFFE000  }
0x18c: {  	[tilespmem:s15], [sflag:$0x3] =	stream.strided.gather @p0 [hbm4b:s28+s13], $0x2000, s14, s13, $0x38;
	[tilespmem:$0x1ED00] =	vst v63  }
0x18d: {  	_ =	swait.ge @p0 [sflag:s17], $0x2000  }
0x18e: {  	[sflag:s17] =	ssyncset.done @p0 $0x0  }
0x18f: {  	[sflag:s17] =	ssyncadd.s32 @p0 $0xFFFFE000  }
0x190: {  	[spmem:s21] =	stream.linear.scatter @p0 [tilespmem:s15], [sflag:$0x3], $0x2000, $0x38;
	[tilespmem:$0x1ED00] =	vst v63  }
0x191: {  	_ =	swait.ge @p0 [sflag:s17], $0x2000  }
0x192: {  	s28 =	sld [smem:$0x7FB]  }
0x193: {  	[sflag:s17] =	ssyncset.done @p0 $0x0  }
0x194: {  	[sflag:s17] =	ssyncadd.s32 @p0 $0xFFFFE000  }
0x195: {  	[tilespmem:s15], [sflag:$0x3] =	stream.strided.gather @p0 [hbm4b:s28+s13], $0x2000, s14, s13, $0x38;
	[tilespmem:$0x1ED00] =	vst v63  }
0x196: {  	_ =	swait.ge @p0 [sflag:s17], $0x2000  }
0x197: {  	[sflag:s17] =	ssyncset.done @p0 $0x0  }
0x198: {  	[sflag:s17] =	ssyncadd.s32 @p0 $0xFFFFE000  }
0x199: {  	[spmem:s23] =	stream.linear.scatter @p0 [tilespmem:s15], [sflag:$0x3], $0x2000, $0x38;
	[tilespmem:$0x1ED00] =	vst v63  }
0x19a: {  	_ =	swait.ge @p0 [sflag:s17], $0x2000  }
0x19b: {  	s28 =	sld [smem:$0x7FC]  }
0x19c: {  	[sflag:s17] =	ssyncset.done @p0 $0x0  }
0x19d: {  	[sflag:s17] =	ssyncadd.s32 @p0 $0xFFFFE000  }
0x19e: {  	[tilespmem:s15], [sflag:$0x3] =	stream.strided.gather @p0 [hbm4b:s28+s13], $0x2000, s14, s13, $0x38;
	[tilespmem:$0x1ED00] =	vst v63  }
0x19f: {  	_ =	swait.ge @p0 [sflag:s17], $0x2000  }
0x1a0: {  	[sflag:s17] =	ssyncset.done @p0 $0x0  }
0x1a1: {  	[sflag:s17] =	ssyncadd.s32 @p0 $0xFFFFE000  }
0x1a2: {  	[spmem:s25] =	stream.linear.scatter @p0 [tilespmem:s15], [sflag:$0x3], $0x2000, $0x38;
	[tilespmem:$0x1ED00] =	vst v63  }
0x1a3: {  	_ =	swait.ge @p0 [sflag:s17], $0x2000  }
0x1a4: {  	s28 =	sld [smem:$0x7FD]  }
0x1a5: {  	[sflag:s17] =	ssyncset.done @p0 $0x0  }
0x1a6: {  	[sflag:s17] =	ssyncadd.s32 @p0 $0xFFFFE000  }
0x1a7: {  	[tilespmem:s15], [sflag:$0x3] =	stream.strided.gather @p0 [hbm4b:s28+s13], $0x200, s14, s13, $0x38;
	[tilespmem:$0x1ED00] =	vst v63  }
0x1a8: {  	_ =	swait.ge @p0 [sflag:s17], $0x200  }
0x1a9: {  	[sflag:s17] =	ssyncset.done @p0 $0x0  }
0x1aa: {  	[sflag:s17] =	ssyncadd.s32 @p0 $0xFFFFFE00  }
0x1ab: {  	[spmem:s8] =	stream.linear.scatter @p0 [tilespmem:s15], [sflag:$0x3], $0x200, $0x38;
	[tilespmem:$0x1ED00] =	vst v63  }
0x1ac: {  	_ =	swait.ge @p0 [sflag:s17], $0x200  }
0x1ad: {  	s13 =	simm.s32 @!p0 $0x40;
	s14 =	simm.s32 @!p0 $0x80;
	[sflag:s17] =	ssyncset.done @p0 $0x0  }
0x1ae: {  	s15 =	simm.s32 @!p0 $0x5100;
	[sflag:s17] =	ssyncadd.s32 @p0 $0xFFFFFE00;
	s17 =	rddreg [dreg:$0x11]  }
0x1af: {  	[tilespmem:s15], [sflag:$0x3] =	stream.strided.gather @!p0 [hbm4b:s17+s13], $0x2000, s14, s13, $0x38;
	[tilespmem:$0x1ED00] =	vst v63  }
0x1b0: {  	s17 =	simm.s32 @!p0 $0x3  }
0x1b1: {  	_ =	swait.ge @!p0 [sflag:s17], $0x2000  }
0x1b2: {  	[sflag:s17] =	ssyncset.done @!p0 $0x0  }
0x1b3: {  	[sflag:s17] =	ssyncadd.s32 @!p0 $0xFFFFE000  }
0x1b4: {  	[spmem:s19] =	stream.linear.scatter @!p0 [tilespmem:s15], [sflag:$0x3], $0x2000, $0x38;
	[tilespmem:$0x1ED00] =	vst v63  }
0x1b5: {  	_ =	swait.ge @!p0 [sflag:s17], $0x2000  }
0x1b6: {  	[sflag:s17] =	ssyncset.done @!p0 $0x0  }
0x1b7: {  	s28 =	rddreg [dreg:$0x13];
	[sflag:s17] =	ssyncadd.s32 @!p0 $0xFFFFE000  }
0x1b8: {  	[tilespmem:s15], [sflag:$0x3] =	stream.strided.gather @!p0 [hbm4b:s28+s13], $0x2000, s14, s13, $0x38;
	[tilespmem:$0x1ED00] =	vst v63  }
0x1b9: {  	_ =	swait.ge @!p0 [sflag:s17], $0x2000  }
0x1ba: {  	[sflag:s17] =	ssyncset.done @!p0 $0x0  }
0x1bb: {  	[sflag:s17] =	ssyncadd.s32 @!p0 $0xFFFFE000  }
0x1bc: {  	[spmem:s21] =	stream.linear.scatter @!p0 [tilespmem:s15], [sflag:$0x3], $0x2000, $0x38;
	[tilespmem:$0x1ED00] =	vst v63  }
0x1bd: {  	_ =	swait.ge @!p0 [sflag:s17], $0x2000  }
0x1be: {  	[sflag:s17] =	ssyncset.done @!p0 $0x0  }
0x1bf: {  	s28 =	rddreg [dreg:$0x15];
	[sflag:s17] =	ssyncadd.s32 @!p0 $0xFFFFE000  }
0x1c0: {  	[tilespmem:s15], [sflag:$0x3] =	stream.strided.gather @!p0 [hbm4b:s28+s13], $0x2000, s14, s13, $0x38;
	[tilespmem:$0x1ED00] =	vst v63  }
0x1c1: {  	_ =	swait.ge @!p0 [sflag:s17], $0x2000  }
0x1c2: {  	[sflag:s17] =	ssyncset.done @!p0 $0x0  }
0x1c3: {  	[sflag:s17] =	ssyncadd.s32 @!p0 $0xFFFFE000  }
0x1c4: {  	[spmem:s23] =	stream.linear.scatter @!p0 [tilespmem:s15], [sflag:$0x3], $0x2000, $0x38;
	[tilespmem:$0x1ED00] =	vst v63  }
0x1c5: {  	_ =	swait.ge @!p0 [sflag:s17], $0x2000  }
0x1c6: {  	[sflag:s17] =	ssyncset.done @!p0 $0x0  }
0x1c7: {  	s28 =	rddreg [dreg:$0x17];
	[sflag:s17] =	ssyncadd.s32 @!p0 $0xFFFFE000  }
0x1c8: {  	[tilespmem:s15], [sflag:$0x3] =	stream.strided.gather @!p0 [hbm4b:s28+s13], $0x2000, s14, s13, $0x38;
	[tilespmem:$0x1ED00] =	vst v63  }
0x1c9: {  	_ =	swait.ge @!p0 [sflag:s17], $0x2000  }
0x1ca: {  	[sflag:s17] =	ssyncset.done @!p0 $0x0  }
0x1cb: {  	[sflag:s17] =	ssyncadd.s32 @!p0 $0xFFFFE000  }
0x1cc: {  	[spmem:s25] =	stream.linear.scatter @!p0 [tilespmem:s15], [sflag:$0x3], $0x2000, $0x38;
	[tilespmem:$0x1ED00] =	vst v63  }
0x1cd: {  	_ =	swait.ge @!p0 [sflag:s17], $0x2000  }
0x1ce: {  	[sflag:s17] =	ssyncset.done @!p0 $0x0  }
0x1cf: {  	s28 =	rddreg [dreg:$0x18];
	[sflag:s17] =	ssyncadd.s32 @!p0 $0xFFFFE000  }
0x1d0: {  	[tilespmem:s15], [sflag:$0x3] =	stream.strided.gather @!p0 [hbm4b:s28+s13], $0x1E00, s14, s13, $0x38;
	[tilespmem:$0x1ED00] =	vst v63  }
0x1d1: {  	_ =	swait.ge @!p0 [sflag:s17], $0x1E00  }
0x1d2: {  	[sflag:s17] =	ssyncset.done @!p0 $0x0  }
0x1d3: {  	[sflag:s17] =	ssyncadd.s32 @!p0 $0xFFFFE200  }
0x1d4: {  	[spmem:s8] =	stream.linear.scatter @!p0 [tilespmem:s15], [sflag:$0x3], $0x1E00, $0x38;
	[tilespmem:$0x1ED00] =	vst v63  }
0x1d5: {  	_ =	swait.ge @!p0 [sflag:s17], $0x1E00  }
0x1d6: {  	[sflag:s17] =	ssyncset.done @!p0 $0x0  }
0x1d7: {  	[sflag:s17] =	ssyncadd.s32 @!p0 $0xFFFFE200  }
0x1d8: {  	s17 =	simm.s32 $0x0;
	[bflag:$0x0] =	sbarrier.arrive $0xFFFF  }
0x1d9: {  	[tilespmem:s6], [sflag:$0x1] =	stream.indirect.gather [spmem:s3], $0x40, s17, s5, $0xb8;
	[tilespmem:$0x1ED00] =	vst v63  }
0x1da: {  	s28 =	simm.s32 $0x80  }
0x1db: {  	[tilespmem:s0], [sflag:$0x1] =	stream.indirect.gather [spmem:s3], $0x40, s28, s5, $0xb8;
	[tilespmem:$0x1ED00] =	vst v63  }
0x1dc: {  	s14 =	simm.s32 $0x100  }
0x1dd: {  	[tilespmem:s9], [sflag:$0x1] =	stream.indirect.gather [spmem:s3], $0x40, s14, s5, $0xb8;
	[tilespmem:$0x1ED00] =	vst v63  }
0x1de: {  	_ =	swait.ge [sflag:s10], $0x2000  }
0x1df: {  	[sflag:s10] =	ssyncset.done $0x0  }
0x1e0: {  	[sflag:s10] =	ssyncadd.s32 $0xFFFFE000  }
0x1e1: {  	_ =	swait.ge [sflag:s10], $0x2000  }
0x1e2: {  	[sflag:s10] =	ssyncset.done $0x0  }
0x1e3: {  	[sflag:s10] =	ssyncadd.s32 $0xFFFFE000  }
0x1e4: {  	_ =	swait.ge [sflag:s10], $0x2000  }
0x1e5: {  	[sflag:s10] =	ssyncset.done $0x0  }
0x1e6: {  	s15 =	simm.s32 $0x2880;
	[sflag:s10] =	ssyncadd.s32 $0xFFFFE000  }
0x1e7: {  	[spmem:s2] =	stream.indirect.scatter.add.f32 [tilespmem:s6], [sflag:$0x2], $0x40, s15, s5, $0xb8;
	[tilespmem:$0x1ED00] =	vst v63  }
0x1e8: {  	s17 =	simm.s32 $0x2900  }
0x1e9: {  	[spmem:s2] =	stream.indirect.scatter.add.f32 [tilespmem:s0], [sflag:$0x2], $0x40, s17, s5, $0xb8;
	[tilespmem:$0x1ED00] =	vst v63  }
0x1ea: {  	s28 =	simm.s32 $0x2980  }
0x1eb: {  	[spmem:s2] =	stream.indirect.scatter.add.f32 [tilespmem:s9], [sflag:$0x2], $0x40, s28, s5, $0xb8;
	[tilespmem:$0x1ED00] =	vst v63  }
0x1ec: {  	_ =	swait.ge [sflag:s1], $0x2000  }
0x1ed: {  	[sflag:s1] =	ssyncset.done $0x0  }
0x1ee: {  	[sflag:s1] =	ssyncadd.s32 $0xFFFFE000  }
0x1ef: {  	_ =	swait.ge [sflag:s1], $0x2000  }
0x1f0: {  	[sflag:s1] =	ssyncset.done $0x0  }
0x1f1: {  	[sflag:s1] =	ssyncadd.s32 $0xFFFFE000  }
0x1f2: {  	_ =	swait.ge [sflag:s1], $0x2000  }
0x1f3: {  	s13 =	simm.s32 $0x600;
	s14 =	simm.s32 $0xC00;
	[sflag:s1] =	ssyncset.done $0x0  }
.LBB2_12:
0x1f4: {  	s15 =	sshra.s32 s13, $0x2  }
0x1f5: {  	[sflag:s1] =	ssyncadd.s32 $0xFFFFE000;
	s13 =	smov.u32 s14;
	s17 =	sadd.s32 $0x600, s14  }
0x1f6: {  	[tilespmem:s6], [sflag:$0x1] =	stream.indirect.gather [spmem:s3], $0x40, s15, s5, $0xb8;
	[tilespmem:$0x1ED00] =	vst v63  }
0x1f7: {  	p1 =	sne.s32 s14, $0x9C00;
	s14 =	sadd.s32 $0x80, s15  }
0x1f8: {  	[tilespmem:s0], [sflag:$0x1] =	stream.indirect.gather [spmem:s3], $0x40, s14, s5, $0xb8;
	[tilespmem:$0x1ED00] =	vst v63  }
0x1f9: {  	s14 =	sadd.s32 $0x100, s15  }
0x1fa: {  	[tilespmem:s9], [sflag:$0x1] =	stream.indirect.gather [spmem:s3], $0x40, s14, s5, $0xb8;
	[tilespmem:$0x1ED00] =	vst v63  }
0x1fb: {  	_ =	swait.ge [sflag:s10], $0x2000  }
0x1fc: {  	[sflag:s10] =	ssyncset.done $0x0  }
0x1fd: {  	[sflag:s10] =	ssyncadd.s32 $0xFFFFE000  }
0x1fe: {  	_ =	swait.ge [sflag:s10], $0x2000  }
0x1ff: {  	[sflag:s10] =	ssyncset.done $0x0  }
0x200: {  	[sflag:s10] =	ssyncadd.s32 $0xFFFFE000  }
0x201: {  	_ =	swait.ge [sflag:s10], $0x2000  }
0x202: {  	[sflag:s10] =	ssyncset.done $0x0  }
0x203: {  	s14 =	sadd.s32 $0x2880, s15;
	[sflag:s10] =	ssyncadd.s32 $0xFFFFE000  }
0x204: {  	[spmem:s2] =	stream.indirect.scatter.add.f32 [tilespmem:s6], [sflag:$0x2], $0x40, s14, s5, $0xb8;
	[tilespmem:$0x1ED00] =	vst v63  }
0x205: {  	s14 =	sadd.s32 $0x2900, s15  }
0x206: {  	[spmem:s2] =	stream.indirect.scatter.add.f32 [tilespmem:s0], [sflag:$0x2], $0x40, s14, s5, $0xb8;
	[tilespmem:$0x1ED00] =	vst v63  }
0x207: {  	s14 =	sadd.s32 $0x2980, s15  }
0x208: {  	[spmem:s2] =	stream.indirect.scatter.add.f32 [tilespmem:s9], [sflag:$0x2], $0x40, s14, s5, $0xb8;
	[tilespmem:$0x1ED00] =	vst v63  }
0x209: {  	_ =	swait.ge [sflag:s1], $0x2000  }
0x20a: {  	[sflag:s1] =	ssyncset.done $0x0  }
0x20b: {  	[sflag:s1] =	ssyncadd.s32 $0xFFFFE000  }
.Ltmp5:
0x20c: {  	_ =	swait.ge [sflag:s1], $0x2000;
	(pc) =	sbr.rel @p1 .LBB2_12-.Ltmp5, $4  }
0x20d: {  	[sflag:s1] =	ssyncset.done $0x0  }
0x20e: {  	[sflag:s1] =	ssyncadd.s32 $0xFFFFE000  }
0x20f: {  	_ =	swait.ge [sflag:s1], $0x2000  }
0x210: {  	s14 =	smov.u32 s17;
	[sflag:s1] =	ssyncset.done $0x0  }
0x211: {  	s13 =	sshra.s32 s13, $0x2;
	[sflag:s1] =	ssyncadd.s32 $0xFFFFE000  }
0x212: {  	[tilespmem:s6], [sflag:$0x1] =	stream.indirect.gather [spmem:s3], $0x40, s13, s5, $0xb8;
	[tilespmem:$0x1ED00] =	vst v63  }
0x213: {  	s14 =	sadd.s32 $0x80, s13  }
0x214: {  	[tilespmem:s0], [sflag:$0x1] =	stream.indirect.gather [spmem:s3], $0x40, s14, s5, $0xb8;
	[tilespmem:$0x1ED00] =	vst v63  }
0x215: {  	s28 =	sadd.s32 $0x100, s13  }
0x216: {  	[tilespmem:s9], [sflag:$0x1] =	stream.indirect.gather [spmem:s3], $0x40, s28, s5, $0xb8;
	[tilespmem:$0x1ED00] =	vst v63  }
0x217: {  	_ =	swait.ge [sflag:s10], $0x2000  }
0x218: {  	[sflag:s10] =	ssyncset.done $0x0  }
0x219: {  	[sflag:s10] =	ssyncadd.s32 $0xFFFFE000  }
0x21a: {  	_ =	swait.ge [sflag:s10], $0x2000  }
0x21b: {  	[sflag:s10] =	ssyncset.done $0x0  }
0x21c: {  	[sflag:s10] =	ssyncadd.s32 $0xFFFFE000  }
0x21d: {  	_ =	swait.ge [sflag:s10], $0x2000  }
0x21e: {  	[sflag:s10] =	ssyncset.done $0x0  }
0x21f: {  	s15 =	sadd.s32 $0x2880, s13;
	[sflag:s10] =	ssyncadd.s32 $0xFFFFE000  }
0x220: {  	[spmem:s2] =	stream.indirect.scatter.add.f32 [tilespmem:s6], [sflag:$0x2], $0x40, s15, s5, $0xb8;
	[tilespmem:$0x1ED00] =	vst v63  }
0x221: {  	s17 =	sadd.s32 $0x2900, s13  }
0x222: {  	[spmem:s2] =	stream.indirect.scatter.add.f32 [tilespmem:s0], [sflag:$0x2], $0x40, s17, s5, $0xb8;
	[tilespmem:$0x1ED00] =	vst v63  }
0x223: {  	s13 =	sadd.s32 $0x2980, s13  }
0x224: {  	[spmem:s2] =	stream.indirect.scatter.add.f32 [tilespmem:s9], [sflag:$0x2], $0x40, s13, s5, $0xb8;
	[tilespmem:$0x1ED00] =	vst v63  }
0x225: {  	_ =	swait.ge [sflag:s1], $0x2000  }
0x226: {  	[sflag:s1] =	ssyncset.done $0x0  }
0x227: {  	[sflag:s1] =	ssyncadd.s32 $0xFFFFE000  }
0x228: {  	_ =	swait.ge [sflag:s1], $0x2000  }
0x229: {  	[sflag:s1] =	ssyncset.done $0x0  }
0x22a: {  	[sflag:s1] =	ssyncadd.s32 $0xFFFFE000  }
0x22b: {  	_ =	swait.ge [sflag:s1], $0x2000  }
0x22c: {  	[sflag:s1] =	ssyncset.done $0x0  }
0x22d: {  	[sflag:s1] =	ssyncadd.s32 $0xFFFFE000  }
0x22e: {  	[bflag:$0x0] =	sbarrier.arrive $0xFFFF  }
0x22f: {  	[tilespmem:s6], [sflag:$0x3] =	stream.linear.gather [spmem:s18], $0x2000, $0x38;
	[tilespmem:$0x1ED00] =	vst v63  }
0x230: {  	_ =	swait.ge [sflag:s31], $0x2000  }
0x231: {  	[sflag:s31] =	ssyncset.done $0x0  }
0x232: {  	s28 =	rddreg [dreg:$0xb];
	[sflag:s31] =	ssyncadd.s32 $0xFFFFE000  }
0x233: {  	[hbm4b:s28+s11] =	stream.strided.scatter [tilespmem:s6], [sflag:$0x3], $0x2000, s5, s11, $0x38;
	[tilespmem:$0x1ED00] =	vst v63  }
0x234: {  	_ =	swait.ge [sflag:s31], $0x2000  }
0x235: {  	[sflag:s31] =	ssyncset.done $0x0  }
0x236: {  	[sflag:s31] =	ssyncadd.s32 $0xFFFFE000  }
0x237: {  	[tilespmem:s6], [sflag:$0x3] =	stream.linear.gather [spmem:s20], $0x2000, $0x38;
	[tilespmem:$0x1ED00] =	vst v63  }
0x238: {  	_ =	swait.ge [sflag:s31], $0x2000  }
0x239: {  	[sflag:s31] =	ssyncset.done $0x0  }
0x23a: {  	s14 =	rddreg [dreg:$0xc];
	[sflag:s31] =	ssyncadd.s32 $0xFFFFE000  }
0x23b: {  	[hbm4b:s14+s11] =	stream.strided.scatter [tilespmem:s6], [sflag:$0x3], $0x2000, s5, s11, $0x38;
	[tilespmem:$0x1ED00] =	vst v63  }
0x23c: {  	_ =	swait.ge [sflag:s31], $0x2000  }
0x23d: {  	[sflag:s31] =	ssyncset.done $0x0  }
0x23e: {  	[sflag:s31] =	ssyncadd.s32 $0xFFFFE000  }
0x23f: {  	[tilespmem:s6], [sflag:$0x3] =	stream.linear.gather [spmem:s22], $0x2000, $0x38;
	[tilespmem:$0x1ED00] =	vst v63  }
0x240: {  	_ =	swait.ge [sflag:s31], $0x2000  }
0x241: {  	[sflag:s31] =	ssyncset.done $0x0  }
0x242: {  	s15 =	rddreg [dreg:$0xd];
	[sflag:s31] =	ssyncadd.s32 $0xFFFFE000  }
0x243: {  	[hbm4b:s15+s11] =	stream.strided.scatter [tilespmem:s6], [sflag:$0x3], $0x2000, s5, s11, $0x38;
	[tilespmem:$0x1ED00] =	vst v63  }
0x244: {  	_ =	swait.ge [sflag:s31], $0x2000  }
0x245: {  	[sflag:s31] =	ssyncset.done $0x0  }
0x246: {  	[sflag:s31] =	ssyncadd.s32 $0xFFFFE000  }
0x247: {  	[tilespmem:s6], [sflag:$0x3] =	stream.linear.gather [spmem:s24], $0x2000, $0x38;
	[tilespmem:$0x1ED00] =	vst v63  }
0x248: {  	_ =	swait.ge [sflag:s31], $0x2000  }
0x249: {  	[sflag:s31] =	ssyncset.done $0x0  }
0x24a: {  	s17 =	rddreg [dreg:$0xe];
	[sflag:s31] =	ssyncadd.s32 $0xFFFFE000  }
0x24b: {  	[hbm4b:s17+s11] =	stream.strided.scatter [tilespmem:s6], [sflag:$0x3], $0x2000, s5, s11, $0x38;
	[tilespmem:$0x1ED00] =	vst v63  }
0x24c: {  	_ =	swait.ge [sflag:s31], $0x2000  }
0x24d: {  	[sflag:s31] =	ssyncset.done $0x0  }
0x24e: {  	[sflag:s31] =	ssyncadd.s32 $0xFFFFE000  }
0x24f: {  	[tilespmem:s6], [sflag:$0x3] =	stream.linear.gather [spmem:s7], $0x1E00, $0x38;
	[tilespmem:$0x1ED00] =	vst v63  }
0x250: {  	s12 =	sadd.s32 $0x1, s12;
	_ =	swait.ge [sflag:s31], $0x1E00  }
0x251: {  	p1 =	sne.s32 s12, s29;
	[sflag:s31] =	ssyncset.done $0x0  }
.Ltmp6:
0x252: {  	s28 =	rddreg [dreg:$0xf];
	[sflag:s31] =	ssyncadd.s32 $0xFFFFE200;
	(pc) =	sbr.rel @p1 .LBB2_1-.Ltmp6, $4  }
0x253: {  	[hbm4b:s28+s11] =	stream.strided.scatter [tilespmem:s6], [sflag:$0x3], $0x1E00, s5, s11, $0x38;
	[tilespmem:$0x1ED00] =	vst v63  }
0x254: {  	_ =	swait.ge [sflag:s31], $0x1E00  }
0x255: {  	[sflag:s31] =	ssyncset.done $0x0  }
0x256: {  	[sflag:s31] =	ssyncadd.s32 $0xFFFFE200  }
0x257: {  	_ =	sfence.sel $0x180000  }
0x258: {  	[bflag:$0x0] =	sbarrier.arrive $0xFFFF  }
0x259: {  	_ =	strace $0x90000047  }
0x25a: {  	s0 =	stileid.u32;
	[bflag:$0x2] =	sbarrier.arrive $0xFFFF  }
0x25b: {  	p0 =	sne.s32 s0, $0x0;
	s0 =	rddreg [dreg:$0x5]  }
0x25c: {  	s0 =	sadd.s32 @!p0 $0x100000, s0  }
0x25d: {  	[sflag:s0] =	ssyncadd.tile.s32 @!p0 $0x1;
	_ =	shalt  }
.Lfunc_end2:
_tile_overlayer_lowered:
.L_overlay_start_2:
0x25e: {  	(tag) =	ssettag $0x2  }
0x25f: {  	s0 =	rddreg [dreg:$0x0];
	s2 =	stileid.u32  }
0x260: {  	s1 =	rddreg [dreg:$0x1];
	p0 =	sne.s32 s2, $0x0  }
0x261: {  	s3 =	rddreg [dreg:$0x2];
	[bflag:$0x3] =	sbarrier.arrive $0xFFFF;
	s2 =	simm.s32 @!p0 $0x1C03  }
0x262: {  	[timem:s3], [sflag:s2] =	dma.local @!p0 [hbm:s0], s1  }
0x263: {  	s0 =	simm.s32 @!p0 $0x3  }
0x264: {  	_ =	swait.ge @!p0 [sflag:s0], s1  }
0x265: {  	s1 =	ssub.s32 @!p0 $0x0, s1;
	[sflag:s0] =	ssyncset.done @!p0 $0x0  }
0x266: {  	[sflag:s0] =	ssyncadd.s32 @!p0 s1  }
0x267: {  	[bflag:$0x3] =	sbarrier.arrive $0xFFFF  }
0x268: {  	_ =	shalt  }

</sc_bundles>
